<compile_context>
chip_gen: v7x
topology: tpu7x:2x2x1
jax: 0.10.2.dev20260603
libtpu: 0.0.44.dev20260713+nightly
codegen_flags: <defaults>
</compile_context>

<pallas_src>
import functools

import jax
import jax.numpy as jnp
from jax import lax
from jax.experimental import pallas as pl
from jax.experimental.pallas import tpu as pltpu
from jax.experimental.pallas import tpu_sc as plsc

N_NODES = 10000
N_EDGES = 320000
D = 128
EPS = 1e-8

NC, NS = 2, 16
NW = NC * NS
B = 128
NB = 80
NSTAGE = 5
NBC = NB // NSTAGE
EPW = NB * B
EP = NW * EPW
ROWS_PER_TILE = 632
ACC_ROWS = NS * ROWS_PER_TILE
DUMMY = N_NODES


def _norm_body(f_ref, o_ref):
    x = f_ref[...]
    n2 = jnp.sum(x * x, axis=1, keepdims=True)
    inv = 1.0 / jnp.maximum(jnp.sqrt(n2), EPS)
    o_ref[...] = x * inv


def _sc_body(fn_hbm, src_hbm, dst_hbm, zr_hbm, zc_hbm, g_hbm, cnt_hbm,
             acc, s_all, m_all, cnt_l, r0, r1, semz, sem0, sem1):
    c = lax.axis_index("c")
    s = lax.axis_index("s")
    wid = s * NC + c
    row_base = s * ROWS_PER_TILE

    hz = pltpu.async_copy(zr_hbm, acc.at[pl.ds(row_base, ROWS_PER_TILE)], semz)
    pltpu.sync_copy(zc_hbm, cnt_l)
    hz.wait()
    plsc.subcore_barrier()

    ones16 = jnp.ones((16,), jnp.float32)

    for st in range(NSTAGE):
        pltpu.sync_copy(src_hbm.at[wid, pl.ds(st * NBC, NBC)], s_all)
        pltpu.sync_copy(dst_hbm.at[wid, pl.ds(st * NBC, NBC)], m_all)

        def mask_row(r, carry):
            for t in range(B // 16):
                sl = pl.ds(t * 16, 16)
                sv = s_all[r, sl]
                dv = m_all[r, sl]
                dm = jnp.where(sv == dv, DUMMY, dv)
                m_all[r, sl] = dm
                plsc.addupdate_scatter(cnt_l, [dm], ones16)
            return carry

        lax.fori_loop(0, NBC, mask_row, 0)

        pltpu.async_copy(fn_hbm.at[s_all.at[0]], r0, sem0)

        def body(k, carry):
            j = 2 * k
            pltpu.async_copy(fn_hbm.at[s_all.at[j + 1]], r1, sem1)
            pltpu.make_async_copy(fn_hbm.at[s_all.at[j]], r0, sem0).wait()
            pltpu.sync_copy(r0, acc.at[m_all.at[j]], add=True)

            @pl.when(k < NBC // 2 - 1)
            def _():
                pltpu.async_copy(fn_hbm.at[s_all.at[j + 2]], r0, sem0)

            pltpu.make_async_copy(fn_hbm.at[s_all.at[j + 1]], r1, sem1).wait()
            pltpu.sync_copy(r1, acc.at[m_all.at[j + 1]], add=True)
            return carry

        lax.fori_loop(0, NBC // 2, body, 0)

    plsc.subcore_barrier()
    out_off = c * ACC_ROWS + row_base
    pltpu.sync_copy(acc.at[pl.ds(row_base, ROWS_PER_TILE)],
                    g_hbm.at[pl.ds(out_off, ROWS_PER_TILE)])
    pltpu.sync_copy(cnt_l, cnt_hbm.at[wid])


_sc_scatter = functools.partial(
    pl.kernel,
    mesh=plsc.VectorSubcoreMesh(core_axis_name="c", subcore_axis_name="s"),
    compiler_params=pltpu.CompilerParams(needs_layout_passes=False),
    out_type=(
        jax.ShapeDtypeStruct((NC * ACC_ROWS, D), jnp.float32),
        jax.ShapeDtypeStruct((NW, ACC_ROWS), jnp.float32),
    ),
    scratch_types=[
        pltpu.VMEM_SHARED((ACC_ROWS, D), jnp.float32),
        pltpu.VMEM((NBC, B), jnp.int32),
        pltpu.VMEM((NBC, B), jnp.int32),
        pltpu.VMEM((ACC_ROWS,), jnp.float32),
        pltpu.VMEM((B, D), jnp.float32),
        pltpu.VMEM((B, D), jnp.float32),
        pltpu.SemaphoreType.DMA,
        pltpu.SemaphoreType.DMA,
        pltpu.SemaphoreType.DMA,
    ],
)(_sc_body)


def _final_body(f_ref, g_ref, c_ref, o_ref):
    gsum = g_ref[0:N_NODES, :] + g_ref[ACC_ROWS:ACC_ROWS + N_NODES, :]
    tot = jnp.sum(f_ref[...] * gsum, axis=1)
    cnt = jnp.sum(c_ref[...], axis=0)[0:N_NODES]
    o_ref[...] = jnp.where(cnt > 0, tot / jnp.maximum(cnt, 1.0), 0.0)


def kernel(features, edge_index):
    fn = pl.pallas_call(
        _norm_body,
        out_shape=jax.ShapeDtypeStruct((N_NODES, D), jnp.float32),
    )(features)

    pad = EP - N_EDGES
    zpad = jnp.zeros((pad,), jnp.int32)
    srcp = jnp.concatenate([edge_index[0], zpad]).reshape(NW, NB, B)
    dstp = jnp.concatenate([edge_index[1], zpad]).reshape(NW, NB, B)
    zrows = jnp.zeros((ROWS_PER_TILE, D), jnp.float32)
    zcnt = jnp.zeros((ACC_ROWS,), jnp.float32)

    g, cnt = _sc_scatter(fn, srcp, dstp, zrows, zcnt)

    out = pl.pallas_call(
        _final_body,
        out_shape=jax.ShapeDtypeStruct((N_NODES,), jnp.float32),
    )(fn, g, cnt)
    return out

# --- scband reference (transcript-rebuilt; emitter-appended) ---
"""Pipeline reference for scband-similarity-scorer-33457795236058 (READ-ONLY COPY).

The authoritative reference and input builder live on the scoring server;
editing this copy changes nothing except your own understanding.
"""

import jax, jax.numpy as jnp
import numpy as np

N_NODES = 10000
N_EDGES = 320000
D_FEAT = 128
EPS = 1e-8


def setup_inputs(seed: int = 0) -> dict:
    key = jax.random.key(seed)
    k1, k2 = jax.random.split(key)
    features = jax.random.normal(k1, (N_NODES, D_FEAT), dtype=jnp.float32)
    edge_index = jax.random.randint(k2, (2, N_EDGES), 0, N_NODES, dtype=jnp.int32)
    return {"features": features, "edge_index": edge_index}


def reference(features, edge_index):
    # dgl.remove_self_loop: drop edges where src == dst
    src = edge_index[0]
    dst = edge_index[1]
    valid = (src != dst)

    # message_fn: cosine similarity between src and dst node features per edge
    hs = jnp.take(features, src, axis=0)  # gather [E, d]
    hd = jnp.take(features, dst, axis=0)  # gather [E, d]
    ns = jnp.maximum(jnp.sqrt(jnp.sum(hs * hs, axis=-1)), EPS)
    nd = jnp.maximum(jnp.sqrt(jnp.sum(hd * hd, axis=-1)), EPS)
    sim = jnp.sum(hs * hd, axis=-1) / (ns * nd)  # [E]

    # zero out removed (self-loop) edges so they contribute nothing
    simv = jnp.where(valid, sim, 0.0)
    validf = valid.astype(jnp.float32)

    # dgl.function.mean('m','h'): mean of incoming messages per dst node,
    # zero for nodes with no in-edges
    tot = jax.ops.segment_sum(simv, dst, num_segments=N_NODES)
    cnt = jax.ops.segment_sum(validf, dst, num_segments=N_NODES)
    out = jnp.where(cnt > 0, tot / jnp.maximum(cnt, 1.0), 0.0)
    return out

if __name__ == "__main__":
    import jax
    _d = setup_inputs()
    print(jax.jit(kernel)(*tuple(_d.values())))

</pallas_src>

<mosaic_0001>
#map = affine_map<(d0, d1) -> (0, 0)>
#map1 = affine_map<(d0, d1) -> (0, 0, 0)>
#map2 = affine_map<(d0, d1) -> (0)>
module attributes {stable_mosaic.version = 14 : i64} {
  func.func @_sc_body(%arg0: i32, %arg1: i32, %arg2: memref<10000x128xf32, #tpu.memory_space<hbm>>, %arg3: memref<32x80x128xi32, #tpu.memory_space<hbm>>, %arg4: memref<32x80x128xi32, #tpu.memory_space<hbm>>, %arg5: memref<632x128xf32, #tpu.memory_space<hbm>>, %arg6: memref<10112xf32, #tpu.memory_space<hbm>>, %arg7: memref<20224x128xf32, #tpu.memory_space<hbm>>, %arg8: memref<32x10112xf32, #tpu.memory_space<hbm>>, %arg9: memref<10112x128xf32, #tpu.memory_space<vmem_shared>>, %arg10: memref<16x128xi32, #tpu.memory_space<vmem>>, %arg11: memref<16x128xi32, #tpu.memory_space<vmem>>, %arg12: memref<10112xf32, #tpu.memory_space<vmem>>, %arg13: memref<128x128xf32, #tpu.memory_space<vmem>>, %arg14: memref<128x128xf32, #tpu.memory_space<vmem>>, %arg15: memref<!tpu.dma_semaphore, #tpu.memory_space<semaphore_mem>>, %arg16: memref<!tpu.dma_semaphore, #tpu.memory_space<semaphore_mem>>, %arg17: memref<!tpu.dma_semaphore, #tpu.memory_space<semaphore_mem>>) attributes {dimension_semantics = [#tpu.dimension_semantics<core_parallel>, #tpu.dimension_semantics<subcore_parallel>], iteration_bounds = array<i64: 2, 16>, scalar_prefetch = 0 : i64, scratch_operands = 9 : i64, tpu.core_type = #tpu.core_type<sc_vector_subcore>, window_params = [{transform_indices = #map}, {transform_indices = #map1}, {transform_indices = #map1}, {transform_indices = #map}, {transform_indices = #map2}, {transform_indices = #map}, {transform_indices = #map}]} {
    %mul3A = arith.constant 2 : i32
    %mul3A_0 = arith.muli %arg1, %mul3A : i32
    %add3A = arith.addi %mul3A_0, %arg0 : i32
    %mul3A_1 = arith.constant 632 : i32
    %mul3A_2 = arith.muli %arg1, %mul3A_1 : i32
    %dma_start3A = arith.constant 0 : i32
    %dma_start3A_3 = tpu.memref_slice %arg9[%mul3A_2, %dma_start3A] : memref<10112x128xf32, #tpu.memory_space<vmem_shared>> -> memref<632x128xf32, #tpu.memory_space<vmem_shared>>
    tpu.enqueue_dma source(%arg5 : memref<632x128xf32, #tpu.memory_space<hbm>>) target(%dma_start3A_3 : memref<632x128xf32, #tpu.memory_space<vmem_shared>>) target_semaphore(%arg15 : memref<!tpu.dma_semaphore, #tpu.memory_space<semaphore_mem>>)
    "tpu.region"() ({
      %run_scoped3A = tpu.sem_alloc : memref<!tpu.dma_semaphore, #tpu.memory_space<semaphore_mem>>
      tpu.enqueue_dma source(%arg6 : memref<10112xf32, #tpu.memory_space<hbm>>) target(%arg12 : memref<10112xf32, #tpu.memory_space<vmem>>) target_semaphore(%run_scoped3A : memref<!tpu.dma_semaphore, #tpu.memory_space<semaphore_mem>>)
      tpu.wait_dma2 semaphore(%run_scoped3A : memref<!tpu.dma_semaphore, #tpu.memory_space<semaphore_mem>>) src(%arg6 : memref<10112xf32, #tpu.memory_space<hbm>>) dst(%arg12 : memref<10112xf32, #tpu.memory_space<vmem>>)
      tpu.yield
    }) : () -> ()
    %dma_wait3A = arith.constant 0 : i32
    %dma_wait3A_4 = tpu.memref_slice %arg9[%mul3A_2, %dma_wait3A] : memref<10112x128xf32, #tpu.memory_space<vmem_shared>> -> memref<632x128xf32, #tpu.memory_space<vmem_shared>>
    tpu.wait_dma2 semaphore(%arg15 : memref<!tpu.dma_semaphore, #tpu.memory_space<semaphore_mem>>) src(%arg5 : memref<632x128xf32, #tpu.memory_space<hbm>>) dst(%dma_wait3A_4 : memref<632x128xf32, #tpu.memory_space<vmem_shared>>)
    %barrier3A = arith.constant 0 : index
    tpu.barrier barrier_id(%barrier3A)
    %broadcast_in_dim3A = arith.constant 1.000000e+00 : f32
    %broadcast_in_dim3A_5 = vector.broadcast %broadcast_in_dim3A : f32 to vector<16xf32>
    "tpu.region"() ({
      %run_scoped3A = tpu.sem_alloc : memref<!tpu.dma_semaphore, #tpu.memory_space<semaphore_mem>>
      %dma_start3A_104 = arith.constant 0 : i32
      %dma_start3A_105 = arith.constant 0 : i32
      %dma_start3A_106 = tpu.memref_slice %arg3[%add3A, %dma_start3A_104, %dma_start3A_105] : memref<32x80x128xi32, #tpu.memory_space<hbm>> -> memref<1x16x128xi32, #tpu.memory_space<hbm>>
      %dma_start3A_107 = tpu.memref_squeeze %dma_start3A_106 : memref<1x16x128xi32, #tpu.memory_space<hbm>> -> memref<16x128xi32, #tpu.memory_space<hbm>>
      %dma_start3A_108 = arith.constant 0 : i32
      %dma_start3A_109 = arith.constant 0 : i32
      %dma_start3A_110 = tpu.memref_slice %arg3[%add3A, %dma_start3A_108, %dma_start3A_109] : memref<32x80x128xi32, #tpu.memory_space<hbm>> -> memref<1x16x128xi32, #tpu.memory_space<hbm>>
      %dma_start3A_111 = tpu.memref_squeeze %dma_start3A_110 : memref<1x16x128xi32, #tpu.memory_space<hbm>> -> memref<16x128xi32, #tpu.memory_space<hbm>>
      tpu.enqueue_dma source(%dma_start3A_111 : memref<16x128xi32, #tpu.memory_space<hbm>>) target(%arg10 : memref<16x128xi32, #tpu.memory_space<vmem>>) target_semaphore(%run_scoped3A : memref<!tpu.dma_semaphore, #tpu.memory_space<semaphore_mem>>)
      %dma_wait3A_112 = arith.constant 0 : i32
      %dma_wait3A_113 = arith.constant 0 : i32
      %dma_wait3A_114 = tpu.memref_slice %arg3[%add3A, %dma_wait3A_112, %dma_wait3A_113] : memref<32x80x128xi32, #tpu.memory_space<hbm>> -> memref<1x16x128xi32, #tpu.memory_space<hbm>>
      %dma_wait3A_115 = tpu.memref_squeeze %dma_wait3A_114 : memref<1x16x128xi32, #tpu.memory_space<hbm>> -> memref<16x128xi32, #tpu.memory_space<hbm>>
      %dma_wait3A_116 = arith.constant 0 : i32
      %dma_wait3A_117 = arith.constant 0 : i32
      %dma_wait3A_118 = tpu.memref_slice %arg3[%add3A, %dma_wait3A_116, %dma_wait3A_117] : memref<32x80x128xi32, #tpu.memory_space<hbm>> -> memref<1x16x128xi32, #tpu.memory_space<hbm>>
      %dma_wait3A_119 = tpu.memref_squeeze %dma_wait3A_118 : memref<1x16x128xi32, #tpu.memory_space<hbm>> -> memref<16x128xi32, #tpu.memory_space<hbm>>
      tpu.wait_dma2 semaphore(%run_scoped3A : memref<!tpu.dma_semaphore, #tpu.memory_space<semaphore_mem>>) src(%dma_wait3A_119 : memref<16x128xi32, #tpu.memory_space<hbm>>) dst(%arg10 : memref<16x128xi32, #tpu.memory_space<vmem>>)
      tpu.yield
    }) : () -> ()
    "tpu.region"() ({
      %run_scoped3A = tpu.sem_alloc : memref<!tpu.dma_semaphore, #tpu.memory_space<semaphore_mem>>
      %dma_start3A_104 = arith.constant 0 : i32
      %dma_start3A_105 = arith.constant 0 : i32
      %dma_start3A_106 = tpu.memref_slice %arg4[%add3A, %dma_start3A_104, %dma_start3A_105] : memref<32x80x128xi32, #tpu.memory_space<hbm>> -> memref<1x16x128xi32, #tpu.memory_space<hbm>>
      %dma_start3A_107 = tpu.memref_squeeze %dma_start3A_106 : memref<1x16x128xi32, #tpu.memory_space<hbm>> -> memref<16x128xi32, #tpu.memory_space<hbm>>
      %dma_start3A_108 = arith.constant 0 : i32
      %dma_start3A_109 = arith.constant 0 : i32
      %dma_start3A_110 = tpu.memref_slice %arg4[%add3A, %dma_start3A_108, %dma_start3A_109] : memref<32x80x128xi32, #tpu.memory_space<hbm>> -> memref<1x16x128xi32, #tpu.memory_space<hbm>>
      %dma_start3A_111 = tpu.memref_squeeze %dma_start3A_110 : memref<1x16x128xi32, #tpu.memory_space<hbm>> -> memref<16x128xi32, #tpu.memory_space<hbm>>
      tpu.enqueue_dma source(%dma_start3A_111 : memref<16x128xi32, #tpu.memory_space<hbm>>) target(%arg11 : memref<16x128xi32, #tpu.memory_space<vmem>>) target_semaphore(%run_scoped3A : memref<!tpu.dma_semaphore, #tpu.memory_space<semaphore_mem>>)
      %dma_wait3A_112 = arith.constant 0 : i32
      %dma_wait3A_113 = arith.constant 0 : i32
      %dma_wait3A_114 = tpu.memref_slice %arg4[%add3A, %dma_wait3A_112, %dma_wait3A_113] : memref<32x80x128xi32, #tpu.memory_space<hbm>> -> memref<1x16x128xi32, #tpu.memory_space<hbm>>
      %dma_wait3A_115 = tpu.memref_squeeze %dma_wait3A_114 : memref<1x16x128xi32, #tpu.memory_space<hbm>> -> memref<16x128xi32, #tpu.memory_space<hbm>>
      %dma_wait3A_116 = arith.constant 0 : i32
      %dma_wait3A_117 = arith.constant 0 : i32
      %dma_wait3A_118 = tpu.memref_slice %arg4[%add3A, %dma_wait3A_116, %dma_wait3A_117] : memref<32x80x128xi32, #tpu.memory_space<hbm>> -> memref<1x16x128xi32, #tpu.memory_space<hbm>>
      %dma_wait3A_119 = tpu.memref_squeeze %dma_wait3A_118 : memref<1x16x128xi32, #tpu.memory_space<hbm>> -> memref<16x128xi32, #tpu.memory_space<hbm>>
      tpu.wait_dma2 semaphore(%run_scoped3A : memref<!tpu.dma_semaphore, #tpu.memory_space<semaphore_mem>>) src(%dma_wait3A_119 : memref<16x128xi32, #tpu.memory_space<hbm>>) dst(%arg11 : memref<16x128xi32, #tpu.memory_space<vmem>>)
      tpu.yield
    }) : () -> ()
    %scan3A = arith.constant 0 : i32
    %scan3A_6 = arith.constant 0 : i32
    %scan3A_7 = arith.constant 16 : i32
    %scan3A_8 = arith.addi %scan3A_6, %scan3A_7 : i32
    %scan3A_9 = arith.constant 1 : i32
    scf.for %scan3A_104 = %scan3A_6 to %scan3A_8 step %scan3A_9  : i32 {
      %get3A = arith.index_cast %scan3A_104 : i32 to index
      %get3A_105 = arith.constant 0 : index
      %get3A_106 = tpu.vector_load %arg10[%get3A, %get3A_105] {strides = array<i32>} : memref<16x128xi32, #tpu.memory_space<vmem>>, vector<16xi32>,
      %get3A_107 = arith.index_cast %scan3A_104 : i32 to index
      %get3A_108 = arith.constant 0 : index
      %get3A_109 = tpu.vector_load %arg11[%get3A_107, %get3A_108] {strides = array<i32>} : memref<16x128xi32, #tpu.memory_space<vmem>>, vector<16xi32>,
      %eq3A = arith.cmpi eq, %get3A_106, %get3A_109 : vector<16xi32>
      %jit3A = arith.constant 10000 : i32
      %broadcast_in_dim3A_110 = vector.broadcast %jit3A : i32 to vector<16xi32>
      %select_n3A = arith.select %eq3A, %broadcast_in_dim3A_110, %get3A_109 : vector<16xi1>, vector<16xi32>
      %swap3A = arith.index_cast %scan3A_104 : i32 to index
      %swap3A_111 = arith.constant 0 : index
      %swap3A_112 = tpu.vector_load %arg11[%swap3A, %swap3A_111] {strides = array<i32>} : memref<16x128xi32, #tpu.memory_space<vmem>>, vector<16xi32>,
      tpu.vector_store %arg11[%swap3A, %swap3A_111], %select_n3A {strides = array<i32>} : memref<16x128xi32, #tpu.memory_space<vmem>>, vector<16xi32>,
      tpu.vector_store_idx %arg12[%select_n3A], %broadcast_in_dim3A_5 {add = true} : memref<10112xf32, #tpu.memory_space<vmem>>[vector<16xi32>], vector<16xf32>,
      %get3A_113 = arith.index_cast %scan3A_104 : i32 to index
      %get3A_114 = arith.constant 16 : index
      %get3A_115 = tpu.vector_load %arg10[%get3A_113, %get3A_114] {strides = array<i32>} : memref<16x128xi32, #tpu.memory_space<vmem>>, vector<16xi32>,
      %get3A_116 = arith.index_cast %scan3A_104 : i32 to index
      %get3A_117 = arith.constant 16 : index
      %get3A_118 = tpu.vector_load %arg11[%get3A_116, %get3A_117] {strides = array<i32>} : memref<16x128xi32, #tpu.memory_space<vmem>>, vector<16xi32>,
      %eq3A_119 = arith.cmpi eq, %get3A_115, %get3A_118 : vector<16xi32>
      %jit3A_120 = arith.constant 10000 : i32
      %broadcast_in_dim3A_121 = vector.broadcast %jit3A_120 : i32 to vector<16xi32>
      %select_n3A_122 = arith.select %eq3A_119, %broadcast_in_dim3A_121, %get3A_118 : vector<16xi1>, vector<16xi32>
      %swap3A_123 = arith.index_cast %scan3A_104 : i32 to index
      %swap3A_124 = arith.constant 16 : index
      %swap3A_125 = tpu.vector_load %arg11[%swap3A_123, %swap3A_124] {strides = array<i32>} : memref<16x128xi32, #tpu.memory_space<vmem>>, vector<16xi32>,
      tpu.vector_store %arg11[%swap3A_123, %swap3A_124], %select_n3A_122 {strides = array<i32>} : memref<16x128xi32, #tpu.memory_space<vmem>>, vector<16xi32>,
      tpu.vector_store_idx %arg12[%select_n3A_122], %broadcast_in_dim3A_5 {add = true} : memref<10112xf32, #tpu.memory_space<vmem>>[vector<16xi32>], vector<16xf32>,
      %get3A_126 = arith.index_cast %scan3A_104 : i32 to index
      %get3A_127 = arith.constant 32 : index
      %get3A_128 = tpu.vector_load %arg10[%get3A_126, %get3A_127] {strides = array<i32>} : memref<16x128xi32, #tpu.memory_space<vmem>>, vector<16xi32>,
      %get3A_129 = arith.index_cast %scan3A_104 : i32 to index
      %get3A_130 = arith.constant 32 : index
      %get3A_131 = tpu.vector_load %arg11[%get3A_129, %get3A_130] {strides = array<i32>} : memref<16x128xi32, #tpu.memory_space<vmem>>, vector<16xi32>,
      %eq3A_132 = arith.cmpi eq, %get3A_128, %get3A_131 : vector<16xi32>
      %jit3A_133 = arith.constant 10000 : i32
      %broadcast_in_dim3A_134 = vector.broadcast %jit3A_133 : i32 to vector<16xi32>
      %select_n3A_135 = arith.select %eq3A_132, %broadcast_in_dim3A_134, %get3A_131 : vector<16xi1>, vector<16xi32>
      %swap3A_136 = arith.index_cast %scan3A_104 : i32 to index
      %swap3A_137 = arith.constant 32 : index
      %swap3A_138 = tpu.vector_load %arg11[%swap3A_136, %swap3A_137] {strides = array<i32>} : memref<16x128xi32, #tpu.memory_space<vmem>>, vector<16xi32>,
      tpu.vector_store %arg11[%swap3A_136, %swap3A_137], %select_n3A_135 {strides = array<i32>} : memref<16x128xi32, #tpu.memory_space<vmem>>, vector<16xi32>,
      tpu.vector_store_idx %arg12[%select_n3A_135], %broadcast_in_dim3A_5 {add = true} : memref<10112xf32, #tpu.memory_space<vmem>>[vector<16xi32>], vector<16xf32>,
      %get3A_139 = arith.index_cast %scan3A_104 : i32 to index
      %get3A_140 = arith.constant 48 : index
      %get3A_141 = tpu.vector_load %arg10[%get3A_139, %get3A_140] {strides = array<i32>} : memref<16x128xi32, #tpu.memory_space<vmem>>, vector<16xi32>,
      %get3A_142 = arith.index_cast %scan3A_104 : i32 to index
      %get3A_143 = arith.constant 48 : index
      %get3A_144 = tpu.vector_load %arg11[%get3A_142, %get3A_143] {strides = array<i32>} : memref<16x128xi32, #tpu.memory_space<vmem>>, vector<16xi32>,
      %eq3A_145 = arith.cmpi eq, %get3A_141, %get3A_144 : vector<16xi32>
      %jit3A_146 = arith.constant 10000 : i32
      %broadcast_in_dim3A_147 = vector.broadcast %jit3A_146 : i32 to vector<16xi32>
      %select_n3A_148 = arith.select %eq3A_145, %broadcast_in_dim3A_147, %get3A_144 : vector<16xi1>, vector<16xi32>
      %swap3A_149 = arith.index_cast %scan3A_104 : i32 to index
      %swap3A_150 = arith.constant 48 : index
      %swap3A_151 = tpu.vector_load %arg11[%swap3A_149, %swap3A_150] {strides = array<i32>} : memref<16x128xi32, #tpu.memory_space<vmem>>, vector<16xi32>,
      tpu.vector_store %arg11[%swap3A_149, %swap3A_150], %select_n3A_148 {strides = array<i32>} : memref<16x128xi32, #tpu.memory_space<vmem>>, vector<16xi32>,
      tpu.vector_store_idx %arg12[%select_n3A_148], %broadcast_in_dim3A_5 {add = true} : memref<10112xf32, #tpu.memory_space<vmem>>[vector<16xi32>], vector<16xf32>,
      %get3A_152 = arith.index_cast %scan3A_104 : i32 to index
      %get3A_153 = arith.constant 64 : index
      %get3A_154 = tpu.vector_load %arg10[%get3A_152, %get3A_153] {strides = array<i32>} : memref<16x128xi32, #tpu.memory_space<vmem>>, vector<16xi32>,
      %get3A_155 = arith.index_cast %scan3A_104 : i32 to index
      %get3A_156 = arith.constant 64 : index
      %get3A_157 = tpu.vector_load %arg11[%get3A_155, %get3A_156] {strides = array<i32>} : memref<16x128xi32, #tpu.memory_space<vmem>>, vector<16xi32>,
      %eq3A_158 = arith.cmpi eq, %get3A_154, %get3A_157 : vector<16xi32>
      %jit3A_159 = arith.constant 10000 : i32
      %broadcast_in_dim3A_160 = vector.broadcast %jit3A_159 : i32 to vector<16xi32>
      %select_n3A_161 = arith.select %eq3A_158, %broadcast_in_dim3A_160, %get3A_157 : vector<16xi1>, vector<16xi32>
      %swap3A_162 = arith.index_cast %scan3A_104 : i32 to index
      %swap3A_163 = arith.constant 64 : index
      %swap3A_164 = tpu.vector_load %arg11[%swap3A_162, %swap3A_163] {strides = array<i32>} : memref<16x128xi32, #tpu.memory_space<vmem>>, vector<16xi32>,
      tpu.vector_store %arg11[%swap3A_162, %swap3A_163], %select_n3A_161 {strides = array<i32>} : memref<16x128xi32, #tpu.memory_space<vmem>>, vector<16xi32>,
      tpu.vector_store_idx %arg12[%select_n3A_161], %broadcast_in_dim3A_5 {add = true} : memref<10112xf32, #tpu.memory_space<vmem>>[vector<16xi32>], vector<16xf32>,
      %get3A_165 = arith.index_cast %scan3A_104 : i32 to index
      %get3A_166 = arith.constant 80 : index
      %get3A_167 = tpu.vector_load %arg10[%get3A_165, %get3A_166] {strides = array<i32>} : memref<16x128xi32, #tpu.memory_space<vmem>>, vector<16xi32>,
      %get3A_168 = arith.index_cast %scan3A_104 : i32 to index
      %get3A_169 = arith.constant 80 : index
      %get3A_170 = tpu.vector_load %arg11[%get3A_168, %get3A_169] {strides = array<i32>} : memref<16x128xi32, #tpu.memory_space<vmem>>, vector<16xi32>,
      %eq3A_171 = arith.cmpi eq, %get3A_167, %get3A_170 : vector<16xi32>
      %jit3A_172 = arith.constant 10000 : i32
      %broadcast_in_dim3A_173 = vector.broadcast %jit3A_172 : i32 to vector<16xi32>
      %select_n3A_174 = arith.select %eq3A_171, %broadcast_in_dim3A_173, %get3A_170 : vector<16xi1>, vector<16xi32>
      %swap3A_175 = arith.index_cast %scan3A_104 : i32 to index
      %swap3A_176 = arith.constant 80 : index
      %swap3A_177 = tpu.vector_load %arg11[%swap3A_175, %swap3A_176] {strides = array<i32>} : memref<16x128xi32, #tpu.memory_space<vmem>>, vector<16xi32>,
      tpu.vector_store %arg11[%swap3A_175, %swap3A_176], %select_n3A_174 {strides = array<i32>} : memref<16x128xi32, #tpu.memory_space<vmem>>, vector<16xi32>,
      tpu.vector_store_idx %arg12[%select_n3A_174], %broadcast_in_dim3A_5 {add = true} : memref<10112xf32, #tpu.memory_space<vmem>>[vector<16xi32>], vector<16xf32>,
      %get3A_178 = arith.index_cast %scan3A_104 : i32 to index
      %get3A_179 = arith.constant 96 : index
      %get3A_180 = tpu.vector_load %arg10[%get3A_178, %get3A_179] {strides = array<i32>} : memref<16x128xi32, #tpu.memory_space<vmem>>, vector<16xi32>,
      %get3A_181 = arith.index_cast %scan3A_104 : i32 to index
      %get3A_182 = arith.constant 96 : index
      %get3A_183 = tpu.vector_load %arg11[%get3A_181, %get3A_182] {strides = array<i32>} : memref<16x128xi32, #tpu.memory_space<vmem>>, vector<16xi32>,
      %eq3A_184 = arith.cmpi eq, %get3A_180, %get3A_183 : vector<16xi32>
      %jit3A_185 = arith.constant 10000 : i32
      %broadcast_in_dim3A_186 = vector.broadcast %jit3A_185 : i32 to vector<16xi32>
      %select_n3A_187 = arith.select %eq3A_184, %broadcast_in_dim3A_186, %get3A_183 : vector<16xi1>, vector<16xi32>
      %swap3A_188 = arith.index_cast %scan3A_104 : i32 to index
      %swap3A_189 = arith.constant 96 : index
      %swap3A_190 = tpu.vector_load %arg11[%swap3A_188, %swap3A_189] {strides = array<i32>} : memref<16x128xi32, #tpu.memory_space<vmem>>, vector<16xi32>,
      tpu.vector_store %arg11[%swap3A_188, %swap3A_189], %select_n3A_187 {strides = array<i32>} : memref<16x128xi32, #tpu.memory_space<vmem>>, vector<16xi32>,
      tpu.vector_store_idx %arg12[%select_n3A_187], %broadcast_in_dim3A_5 {add = true} : memref<10112xf32, #tpu.memory_space<vmem>>[vector<16xi32>], vector<16xf32>,
      %get3A_191 = arith.index_cast %scan3A_104 : i32 to index
      %get3A_192 = arith.constant 112 : index
      %get3A_193 = tpu.vector_load %arg10[%get3A_191, %get3A_192] {strides = array<i32>} : memref<16x128xi32, #tpu.memory_space<vmem>>, vector<16xi32>,
      %get3A_194 = arith.index_cast %scan3A_104 : i32 to index
      %get3A_195 = arith.constant 112 : index
      %get3A_196 = tpu.vector_load %arg11[%get3A_194, %get3A_195] {strides = array<i32>} : memref<16x128xi32, #tpu.memory_space<vmem>>, vector<16xi32>,
      %eq3A_197 = arith.cmpi eq, %get3A_193, %get3A_196 : vector<16xi32>
      %jit3A_198 = arith.constant 10000 : i32
      %broadcast_in_dim3A_199 = vector.broadcast %jit3A_198 : i32 to vector<16xi32>
      %select_n3A_200 = arith.select %eq3A_197, %broadcast_in_dim3A_199, %get3A_196 : vector<16xi1>, vector<16xi32>
      %swap3A_201 = arith.index_cast %scan3A_104 : i32 to index
      %swap3A_202 = arith.constant 112 : index
      %swap3A_203 = tpu.vector_load %arg11[%swap3A_201, %swap3A_202] {strides = array<i32>} : memref<16x128xi32, #tpu.memory_space<vmem>>, vector<16xi32>,
      tpu.vector_store %arg11[%swap3A_201, %swap3A_202], %select_n3A_200 {strides = array<i32>} : memref<16x128xi32, #tpu.memory_space<vmem>>, vector<16xi32>,
      tpu.vector_store_idx %arg12[%select_n3A_200], %broadcast_in_dim3A_5 {add = true} : memref<10112xf32, #tpu.memory_space<vmem>>[vector<16xi32>], vector<16xf32>,
    }
    %scan3A_10 = arith.constant 16 : i32
    %dma_start3A_11 = arith.constant 0 : i32
    %dma_start3A_12 = arith.constant 0 : i32
    %dma_start3A_13 = tpu.memref_slice %arg10[%dma_start3A_11, %dma_start3A_12] : memref<16x128xi32, #tpu.memory_space<vmem>> -> memref<1x128xi32, #tpu.memory_space<vmem>>
    %dma_start3A_14 = tpu.memref_squeeze %dma_start3A_13 : memref<1x128xi32, #tpu.memory_space<vmem>> -> memref<128xi32, #tpu.memory_space<vmem>>
    %dma_start3A_15 = arith.constant 0 : i32
    %dma_start3A_16 = arith.constant 0 : i32
    %dma_start3A_17 = tpu.memref_slice %arg2[%dma_start3A_15, %dma_start3A_16] : memref<10000x128xf32, #tpu.memory_space<hbm>> -> memref<10000x128xf32, #tpu.memory_space<hbm>>
    tpu.enqueue_indirect_dma source(%dma_start3A_17 : memref<10000x128xf32, #tpu.memory_space<hbm>>) target(%arg13 : memref<128x128xf32, #tpu.memory_space<vmem>>) offsets(%dma_start3A_14 : memref<128xi32, #tpu.memory_space<vmem>>) semaphore(%arg16 : memref<!tpu.dma_semaphore, #tpu.memory_space<semaphore_mem>>)
    %scan3A_18 = arith.constant 0 : i32
    %scan3A_19 = arith.constant 0 : i32
    %scan3A_20 = arith.constant 8 : i32
    %scan3A_21 = arith.addi %scan3A_19, %scan3A_20 : i32
    %scan3A_22 = arith.constant 1 : i32
    scf.for %scan3A_104 = %scan3A_19 to %scan3A_21 step %scan3A_22  : i32 {
      %mul3A_105 = arith.constant 2 : i32
      %mul3A_106 = arith.muli %mul3A_105, %scan3A_104 : i32
      %add3A_107 = arith.constant 1 : i32
      %add3A_108 = arith.addi %mul3A_106, %add3A_107 : i32
      %dma_start3A_109 = arith.constant 0 : i32
      %dma_start3A_110 = tpu.memref_slice %arg10[%add3A_108, %dma_start3A_109] : memref<16x128xi32, #tpu.memory_space<vmem>> -> memref<1x128xi32, #tpu.memory_space<vmem>>
      %dma_start3A_111 = tpu.memref_squeeze %dma_start3A_110 : memref<1x128xi32, #tpu.memory_space<vmem>> -> memref<128xi32, #tpu.memory_space<vmem>>
      %dma_start3A_112 = arith.constant 0 : i32
      %dma_start3A_113 = arith.constant 0 : i32
      %dma_start3A_114 = tpu.memref_slice %arg2[%dma_start3A_112, %dma_start3A_113] : memref<10000x128xf32, #tpu.memory_space<hbm>> -> memref<10000x128xf32, #tpu.memory_space<hbm>>
      tpu.enqueue_indirect_dma source(%dma_start3A_114 : memref<10000x128xf32, #tpu.memory_space<hbm>>) target(%arg14 : memref<128x128xf32, #tpu.memory_space<vmem>>) offsets(%dma_start3A_111 : memref<128xi32, #tpu.memory_space<vmem>>) semaphore(%arg17 : memref<!tpu.dma_semaphore, #tpu.memory_space<semaphore_mem>>)
      %dma_wait3A_115 = arith.constant 0 : i32
      %dma_wait3A_116 = tpu.memref_slice %arg10[%mul3A_106, %dma_wait3A_115] : memref<16x128xi32, #tpu.memory_space<vmem>> -> memref<1x128xi32, #tpu.memory_space<vmem>>
      %dma_wait3A_117 = tpu.memref_squeeze %dma_wait3A_116 : memref<1x128xi32, #tpu.memory_space<vmem>> -> memref<128xi32, #tpu.memory_space<vmem>>
      %dma_wait3A_118 = arith.constant 0 : i32
      %dma_wait3A_119 = arith.constant 0 : i32
      %dma_wait3A_120 = tpu.memref_slice %arg2[%dma_wait3A_118, %dma_wait3A_119] : memref<10000x128xf32, #tpu.memory_space<hbm>> -> memref<10000x128xf32, #tpu.memory_space<hbm>>
      tpu.wait_indirect_dma semaphore(%arg16 : memref<!tpu.dma_semaphore, #tpu.memory_space<semaphore_mem>>) src(%dma_wait3A_120 : memref<10000x128xf32, #tpu.memory_space<hbm>>) dst(%arg13 : memref<128x128xf32, #tpu.memory_space<vmem>>)
      "tpu.region"() ({
        %run_scoped3A = tpu.sem_alloc : memref<!tpu.dma_semaphore, #tpu.memory_space<semaphore_mem>>
        %dma_start3A_133 = arith.constant 0 : i32
        %dma_start3A_134 = tpu.memref_slice %arg11[%mul3A_106, %dma_start3A_133] : memref<16x128xi32, #tpu.memory_space<vmem>> -> memref<1x128xi32, #tpu.memory_space<vmem>>
        %dma_start3A_135 = tpu.memref_squeeze %dma_start3A_134 : memref<1x128xi32, #tpu.memory_space<vmem>> -> memref<128xi32, #tpu.memory_space<vmem>>
        %dma_start3A_136 = arith.constant 0 : i32
        %dma_start3A_137 = arith.constant 0 : i32
        %dma_start3A_138 = tpu.memref_slice %arg9[%dma_start3A_136, %dma_start3A_137] : memref<10112x128xf32, #tpu.memory_space<vmem_shared>> -> memref<10112x128xf32, #tpu.memory_space<vmem_shared>>
        tpu.enqueue_indirect_dma source(%arg13 : memref<128x128xf32, #tpu.memory_space<vmem>>) target(%dma_start3A_138 : memref<10112x128xf32, #tpu.memory_space<vmem_shared>>) offsets(%dma_start3A_135 : memref<128xi32, #tpu.memory_space<vmem>>) semaphore(%run_scoped3A : memref<!tpu.dma_semaphore, #tpu.memory_space<semaphore_mem>>) {add = true}
        %dma_wait3A_139 = arith.constant 0 : i32
        %dma_wait3A_140 = tpu.memref_slice %arg11[%mul3A_106, %dma_wait3A_139] : memref<16x128xi32, #tpu.memory_space<vmem>> -> memref<1x128xi32, #tpu.memory_space<vmem>>
        %dma_wait3A_141 = tpu.memref_squeeze %dma_wait3A_140 : memref<1x128xi32, #tpu.memory_space<vmem>> -> memref<128xi32, #tpu.memory_space<vmem>>
        %dma_wait3A_142 = arith.constant 0 : i32
        %dma_wait3A_143 = arith.constant 0 : i32
        %dma_wait3A_144 = tpu.memref_slice %arg9[%dma_wait3A_142, %dma_wait3A_143] : memref<10112x128xf32, #tpu.memory_space<vmem_shared>> -> memref<10112x128xf32, #tpu.memory_space<vmem_shared>>
        tpu.wait_indirect_dma semaphore(%run_scoped3A : memref<!tpu.dma_semaphore, #tpu.memory_space<semaphore_mem>>) src(%arg13 : memref<128x128xf32, #tpu.memory_space<vmem>>) dst(%dma_wait3A_144 : memref<10112x128xf32, #tpu.memory_space<vmem_shared>>)
        tpu.yield
      }) : () -> ()
      %lt3A = arith.constant 7 : i32
      %lt3A_121 = arith.cmpi slt, %scan3A_104, %lt3A : i32
      %convert_element_type3A = arith.extui %lt3A_121 : i1 to i32
      %cond3A = arith.constant 0 : i32
      %cond3A_122 = arith.cmpi ne, %convert_element_type3A, %cond3A : i32
      scf.if %cond3A_122 {
        %add3A_133 = arith.constant 2 : i32
        %add3A_134 = arith.addi %mul3A_106, %add3A_133 : i32
        %dma_start3A_135 = arith.constant 0 : i32
        %dma_start3A_136 = tpu.memref_slice %arg10[%add3A_134, %dma_start3A_135] : memref<16x128xi32, #tpu.memory_space<vmem>> -> memref<1x128xi32, #tpu.memory_space<vmem>>
        %dma_start3A_137 = tpu.memref_squeeze %dma_start3A_136 : memref<1x128xi32, #tpu.memory_space<vmem>> -> memref<128xi32, #tpu.memory_space<vmem>>
        %dma_start3A_138 = arith.constant 0 : i32
        %dma_start3A_139 = arith.constant 0 : i32
        %dma_start3A_140 = tpu.memref_slice %arg2[%dma_start3A_138, %dma_start3A_139] : memref<10000x128xf32, #tpu.memory_space<hbm>> -> memref<10000x128xf32, #tpu.memory_space<hbm>>
        tpu.enqueue_indirect_dma source(%dma_start3A_140 : memref<10000x128xf32, #tpu.memory_space<hbm>>) target(%arg13 : memref<128x128xf32, #tpu.memory_space<vmem>>) offsets(%dma_start3A_137 : memref<128xi32, #tpu.memory_space<vmem>>) semaphore(%arg16 : memref<!tpu.dma_semaphore, #tpu.memory_space<semaphore_mem>>)
      } else {
      }
      %add3A_123 = arith.constant 1 : i32
      %add3A_124 = arith.addi %mul3A_106, %add3A_123 : i32
      %dma_wait3A_125 = arith.constant 0 : i32
      %dma_wait3A_126 = tpu.memref_slice %arg10[%add3A_124, %dma_wait3A_125] : memref<16x128xi32, #tpu.memory_space<vmem>> -> memref<1x128xi32, #tpu.memory_space<vmem>>
      %dma_wait3A_127 = tpu.memref_squeeze %dma_wait3A_126 : memref<1x128xi32, #tpu.memory_space<vmem>> -> memref<128xi32, #tpu.memory_space<vmem>>
      %dma_wait3A_128 = arith.constant 0 : i32
      %dma_wait3A_129 = arith.constant 0 : i32
      %dma_wait3A_130 = tpu.memref_slice %arg2[%dma_wait3A_128, %dma_wait3A_129] : memref<10000x128xf32, #tpu.memory_space<hbm>> -> memref<10000x128xf32, #tpu.memory_space<hbm>>
      tpu.wait_indirect_dma semaphore(%arg17 : memref<!tpu.dma_semaphore, #tpu.memory_space<semaphore_mem>>) src(%dma_wait3A_130 : memref<10000x128xf32, #tpu.memory_space<hbm>>) dst(%arg14 : memref<128x128xf32, #tpu.memory_space<vmem>>)
      %add3A_131 = arith.constant 1 : i32
      %add3A_132 = arith.addi %mul3A_106, %add3A_131 : i32
      "tpu.region"() ({
        %run_scoped3A = tpu.sem_alloc : memref<!tpu.dma_semaphore, #tpu.memory_space<semaphore_mem>>
        %dma_start3A_133 = arith.constant 0 : i32
        %dma_start3A_134 = tpu.memref_slice %arg11[%add3A_132, %dma_start3A_133] : memref<16x128xi32, #tpu.memory_space<vmem>> -> memref<1x128xi32, #tpu.memory_space<vmem>>
        %dma_start3A_135 = tpu.memref_squeeze %dma_start3A_134 : memref<1x128xi32, #tpu.memory_space<vmem>> -> memref<128xi32, #tpu.memory_space<vmem>>
        %dma_start3A_136 = arith.constant 0 : i32
        %dma_start3A_137 = arith.constant 0 : i32
        %dma_start3A_138 = tpu.memref_slice %arg9[%dma_start3A_136, %dma_start3A_137] : memref<10112x128xf32, #tpu.memory_space<vmem_shared>> -> memref<10112x128xf32, #tpu.memory_space<vmem_shared>>
        tpu.enqueue_indirect_dma source(%arg14 : memref<128x128xf32, #tpu.memory_space<vmem>>) target(%dma_start3A_138 : memref<10112x128xf32, #tpu.memory_space<vmem_shared>>) offsets(%dma_start3A_135 : memref<128xi32, #tpu.memory_space<vmem>>) semaphore(%run_scoped3A : memref<!tpu.dma_semaphore, #tpu.memory_space<semaphore_mem>>) {add = true}
        %dma_wait3A_139 = arith.constant 0 : i32
        %dma_wait3A_140 = tpu.memref_slice %arg11[%add3A_132, %dma_wait3A_139] : memref<16x128xi32, #tpu.memory_space<vmem>> -> memref<1x128xi32, #tpu.memory_space<vmem>>
        %dma_wait3A_141 = tpu.memref_squeeze %dma_wait3A_140 : memref<1x128xi32, #tpu.memory_space<vmem>> -> memref<128xi32, #tpu.memory_space<vmem>>
        %dma_wait3A_142 = arith.constant 0 : i32
        %dma_wait3A_143 = arith.constant 0 : i32
        %dma_wait3A_144 = tpu.memref_slice %arg9[%dma_wait3A_142, %dma_wait3A_143] : memref<10112x128xf32, #tpu.memory_space<vmem_shared>> -> memref<10112x128xf32, #tpu.memory_space<vmem_shared>>
        tpu.wait_indirect_dma semaphore(%run_scoped3A : memref<!tpu.dma_semaphore, #tpu.memory_space<semaphore_mem>>) src(%arg14 : memref<128x128xf32, #tpu.memory_space<vmem>>) dst(%dma_wait3A_144 : memref<10112x128xf32, #tpu.memory_space<vmem_shared>>)
        tpu.yield
      }) : () -> ()
    }
    %scan3A_23 = arith.constant 8 : i32
    "tpu.region"() ({
      %run_scoped3A = tpu.sem_alloc : memref<!tpu.dma_semaphore, #tpu.memory_space<semaphore_mem>>
      %dma_start3A_104 = arith.constant 16 : i32
      %dma_start3A_105 = arith.constant 0 : i32
      %dma_start3A_106 = tpu.memref_slice %arg3[%add3A, %dma_start3A_104, %dma_start3A_105] : memref<32x80x128xi32, #tpu.memory_space<hbm>> -> memref<1x16x128xi32, #tpu.memory_space<hbm>>
      %dma_start3A_107 = tpu.memref_squeeze %dma_start3A_106 : memref<1x16x128xi32, #tpu.memory_space<hbm>> -> memref<16x128xi32, #tpu.memory_space<hbm>>
      %dma_start3A_108 = arith.constant 16 : i32
      %dma_start3A_109 = arith.constant 0 : i32
      %dma_start3A_110 = tpu.memref_slice %arg3[%add3A, %dma_start3A_108, %dma_start3A_109] : memref<32x80x128xi32, #tpu.memory_space<hbm>> -> memref<1x16x128xi32, #tpu.memory_space<hbm>>
      %dma_start3A_111 = tpu.memref_squeeze %dma_start3A_110 : memref<1x16x128xi32, #tpu.memory_space<hbm>> -> memref<16x128xi32, #tpu.memory_space<hbm>>
      tpu.enqueue_dma source(%dma_start3A_111 : memref<16x128xi32, #tpu.memory_space<hbm>>) target(%arg10 : memref<16x128xi32, #tpu.memory_space<vmem>>) target_semaphore(%run_scoped3A : memref<!tpu.dma_semaphore, #tpu.memory_space<semaphore_mem>>)
      %dma_wait3A_112 = arith.constant 16 : i32
      %dma_wait3A_113 = arith.constant 0 : i32
      %dma_wait3A_114 = tpu.memref_slice %arg3[%add3A, %dma_wait3A_112, %dma_wait3A_113] : memref<32x80x128xi32, #tpu.memory_space<hbm>> -> memref<1x16x128xi32, #tpu.memory_space<hbm>>
      %dma_wait3A_115 = tpu.memref_squeeze %dma_wait3A_114 : memref<1x16x128xi32, #tpu.memory_space<hbm>> -> memref<16x128xi32, #tpu.memory_space<hbm>>
      %dma_wait3A_116 = arith.constant 16 : i32
      %dma_wait3A_117 = arith.constant 0 : i32
      %dma_wait3A_118 = tpu.memref_slice %arg3[%add3A, %dma_wait3A_116, %dma_wait3A_117] : memref<32x80x128xi32, #tpu.memory_space<hbm>> -> memref<1x16x128xi32, #tpu.memory_space<hbm>>
      %dma_wait3A_119 = tpu.memref_squeeze %dma_wait3A_118 : memref<1x16x128xi32, #tpu.memory_space<hbm>> -> memref<16x128xi32, #tpu.memory_space<hbm>>
      tpu.wait_dma2 semaphore(%run_scoped3A : memref<!tpu.dma_semaphore, #tpu.memory_space<semaphore_mem>>) src(%dma_wait3A_119 : memref<16x128xi32, #tpu.memory_space<hbm>>) dst(%arg10 : memref<16x128xi32, #tpu.memory_space<vmem>>)
      tpu.yield
    }) : () -> ()
    "tpu.region"() ({
      %run_scoped3A = tpu.sem_alloc : memref<!tpu.dma_semaphore, #tpu.memory_space<semaphore_mem>>
      %dma_start3A_104 = arith.constant 16 : i32
      %dma_start3A_105 = arith.constant 0 : i32
      %dma_start3A_106 = tpu.memref_slice %arg4[%add3A, %dma_start3A_104, %dma_start3A_105] : memref<32x80x128xi32, #tpu.memory_space<hbm>> -> memref<1x16x128xi32, #tpu.memory_space<hbm>>
      %dma_start3A_107 = tpu.memref_squeeze %dma_start3A_106 : memref<1x16x128xi32, #tpu.memory_space<hbm>> -> memref<16x128xi32, #tpu.memory_space<hbm>>
      %dma_start3A_108 = arith.constant 16 : i32
      %dma_start3A_109 = arith.constant 0 : i32
      %dma_start3A_110 = tpu.memref_slice %arg4[%add3A, %dma_start3A_108, %dma_start3A_109] : memref<32x80x128xi32, #tpu.memory_space<hbm>> -> memref<1x16x128xi32, #tpu.memory_space<hbm>>
      %dma_start3A_111 = tpu.memref_squeeze %dma_start3A_110 : memref<1x16x128xi32, #tpu.memory_space<hbm>> -> memref<16x128xi32, #tpu.memory_space<hbm>>
      tpu.enqueue_dma source(%dma_start3A_111 : memref<16x128xi32, #tpu.memory_space<hbm>>) target(%arg11 : memref<16x128xi32, #tpu.memory_space<vmem>>) target_semaphore(%run_scoped3A : memref<!tpu.dma_semaphore, #tpu.memory_space<semaphore_mem>>)
      %dma_wait3A_112 = arith.constant 16 : i32
      %dma_wait3A_113 = arith.constant 0 : i32
      %dma_wait3A_114 = tpu.memref_slice %arg4[%add3A, %dma_wait3A_112, %dma_wait3A_113] : memref<32x80x128xi32, #tpu.memory_space<hbm>> -> memref<1x16x128xi32, #tpu.memory_space<hbm>>
      %dma_wait3A_115 = tpu.memref_squeeze %dma_wait3A_114 : memref<1x16x128xi32, #tpu.memory_space<hbm>> -> memref<16x128xi32, #tpu.memory_space<hbm>>
      %dma_wait3A_116 = arith.constant 16 : i32
      %dma_wait3A_117 = arith.constant 0 : i32
      %dma_wait3A_118 = tpu.memref_slice %arg4[%add3A, %dma_wait3A_116, %dma_wait3A_117] : memref<32x80x128xi32, #tpu.memory_space<hbm>> -> memref<1x16x128xi32, #tpu.memory_space<hbm>>
      %dma_wait3A_119 = tpu.memref_squeeze %dma_wait3A_118 : memref<1x16x128xi32, #tpu.memory_space<hbm>> -> memref<16x128xi32, #tpu.memory_space<hbm>>
      tpu.wait_dma2 semaphore(%run_scoped3A : memref<!tpu.dma_semaphore, #tpu.memory_space<semaphore_mem>>) src(%dma_wait3A_119 : memref<16x128xi32, #tpu.memory_space<hbm>>) dst(%arg11 : memref<16x128xi32, #tpu.memory_space<vmem>>)
      tpu.yield
    }) : () -> ()
    %scan3A_24 = arith.constant 0 : i32
    %scan3A_25 = arith.constant 0 : i32
    %scan3A_26 = arith.constant 16 : i32
    %scan3A_27 = arith.addi %scan3A_25, %scan3A_26 : i32
    %scan3A_28 = arith.constant 1 : i32
    scf.for %scan3A_104 = %scan3A_25 to %scan3A_27 step %scan3A_28  : i32 {
      %get3A = arith.index_cast %scan3A_104 : i32 to index
      %get3A_105 = arith.constant 0 : index
      %get3A_106 = tpu.vector_load %arg10[%get3A, %get3A_105] {strides = array<i32>} : memref<16x128xi32, #tpu.memory_space<vmem>>, vector<16xi32>,
      %get3A_107 = arith.index_cast %scan3A_104 : i32 to index
      %get3A_108 = arith.constant 0 : index
      %get3A_109 = tpu.vector_load %arg11[%get3A_107, %get3A_108] {strides = array<i32>} : memref<16x128xi32, #tpu.memory_space<vmem>>, vector<16xi32>,
      %eq3A = arith.cmpi eq, %get3A_106, %get3A_109 : vector<16xi32>
      %jit3A = arith.constant 10000 : i32
      %broadcast_in_dim3A_110 = vector.broadcast %jit3A : i32 to vector<16xi32>
      %select_n3A = arith.select %eq3A, %broadcast_in_dim3A_110, %get3A_109 : vector<16xi1>, vector<16xi32>
      %swap3A = arith.index_cast %scan3A_104 : i32 to index
      %swap3A_111 = arith.constant 0 : index
      %swap3A_112 = tpu.vector_load %arg11[%swap3A, %swap3A_111] {strides = array<i32>} : memref<16x128xi32, #tpu.memory_space<vmem>>, vector<16xi32>,
      tpu.vector_store %arg11[%swap3A, %swap3A_111], %select_n3A {strides = array<i32>} : memref<16x128xi32, #tpu.memory_space<vmem>>, vector<16xi32>,
      tpu.vector_store_idx %arg12[%select_n3A], %broadcast_in_dim3A_5 {add = true} : memref<10112xf32, #tpu.memory_space<vmem>>[vector<16xi32>], vector<16xf32>,
      %get3A_113 = arith.index_cast %scan3A_104 : i32 to index
      %get3A_114 = arith.constant 16 : index
      %get3A_115 = tpu.vector_load %arg10[%get3A_113, %get3A_114] {strides = array<i32>} : memref<16x128xi32, #tpu.memory_space<vmem>>, vector<16xi32>,
      %get3A_116 = arith.index_cast %scan3A_104 : i32 to index
      %get3A_117 = arith.constant 16 : index
      %get3A_118 = tpu.vector_load %arg11[%get3A_116, %get3A_117] {strides = array<i32>} : memref<16x128xi32, #tpu.memory_space<vmem>>, vector<16xi32>,
      %eq3A_119 = arith.cmpi eq, %get3A_115, %get3A_118 : vector<16xi32>
      %jit3A_120 = arith.constant 10000 : i32
      %broadcast_in_dim3A_121 = vector.broadcast %jit3A_120 : i32 to vector<16xi32>
      %select_n3A_122 = arith.select %eq3A_119, %broadcast_in_dim3A_121, %get3A_118 : vector<16xi1>, vector<16xi32>
      %swap3A_123 = arith.index_cast %scan3A_104 : i32 to index
      %swap3A_124 = arith.constant 16 : index
      %swap3A_125 = tpu.vector_load %arg11[%swap3A_123, %swap3A_124] {strides = array<i32>} : memref<16x128xi32, #tpu.memory_space<vmem>>, vector<16xi32>,
      tpu.vector_store %arg11[%swap3A_123, %swap3A_124], %select_n3A_122 {strides = array<i32>} : memref<16x128xi32, #tpu.memory_space<vmem>>, vector<16xi32>,
      tpu.vector_store_idx %arg12[%select_n3A_122], %broadcast_in_dim3A_5 {add = true} : memref<10112xf32, #tpu.memory_space<vmem>>[vector<16xi32>], vector<16xf32>,
      %get3A_126 = arith.index_cast %scan3A_104 : i32 to index
      %get3A_127 = arith.constant 32 : index
      %get3A_128 = tpu.vector_load %arg10[%get3A_126, %get3A_127] {strides = array<i32>} : memref<16x128xi32, #tpu.memory_space<vmem>>, vector<16xi32>,
      %get3A_129 = arith.index_cast %scan3A_104 : i32 to index
      %get3A_130 = arith.constant 32 : index
      %get3A_131 = tpu.vector_load %arg11[%get3A_129, %get3A_130] {strides = array<i32>} : memref<16x128xi32, #tpu.memory_space<vmem>>, vector<16xi32>,
      %eq3A_132 = arith.cmpi eq, %get3A_128, %get3A_131 : vector<16xi32>
      %jit3A_133 = arith.constant 10000 : i32
      %broadcast_in_dim3A_134 = vector.broadcast %jit3A_133 : i32 to vector<16xi32>
      %select_n3A_135 = arith.select %eq3A_132, %broadcast_in_dim3A_134, %get3A_131 : vector<16xi1>, vector<16xi32>
      %swap3A_136 = arith.index_cast %scan3A_104 : i32 to index
      %swap3A_137 = arith.constant 32 : index
      %swap3A_138 = tpu.vector_load %arg11[%swap3A_136, %swap3A_137] {strides = array<i32>} : memref<16x128xi32, #tpu.memory_space<vmem>>, vector<16xi32>,
      tpu.vector_store %arg11[%swap3A_136, %swap3A_137], %select_n3A_135 {strides = array<i32>} : memref<16x128xi32, #tpu.memory_space<vmem>>, vector<16xi32>,
      tpu.vector_store_idx %arg12[%select_n3A_135], %broadcast_in_dim3A_5 {add = true} : memref<10112xf32, #tpu.memory_space<vmem>>[vector<16xi32>], vector<16xf32>,
      %get3A_139 = arith.index_cast %scan3A_104 : i32 to index
      %get3A_140 = arith.constant 48 : index
      %get3A_141 = tpu.vector_load %arg10[%get3A_139, %get3A_140] {strides = array<i32>} : memref<16x128xi32, #tpu.memory_space<vmem>>, vector<16xi32>,
      %get3A_142 = arith.index_cast %scan3A_104 : i32 to index
      %get3A_143 = arith.constant 48 : index
      %get3A_144 = tpu.vector_load %arg11[%get3A_142, %get3A_143] {strides = array<i32>} : memref<16x128xi32, #tpu.memory_space<vmem>>, vector<16xi32>,
      %eq3A_145 = arith.cmpi eq, %get3A_141, %get3A_144 : vector<16xi32>
      %jit3A_146 = arith.constant 10000 : i32
      %broadcast_in_dim3A_147 = vector.broadcast %jit3A_146 : i32 to vector<16xi32>
      %select_n3A_148 = arith.select %eq3A_145, %broadcast_in_dim3A_147, %get3A_144 : vector<16xi1>, vector<16xi32>
      %swap3A_149 = arith.index_cast %scan3A_104 : i32 to index
      %swap3A_150 = arith.constant 48 : index
      %swap3A_151 = tpu.vector_load %arg11[%swap3A_149, %swap3A_150] {strides = array<i32>} : memref<16x128xi32, #tpu.memory_space<vmem>>, vector<16xi32>,
      tpu.vector_store %arg11[%swap3A_149, %swap3A_150], %select_n3A_148 {strides = array<i32>} : memref<16x128xi32, #tpu.memory_space<vmem>>, vector<16xi32>,
      tpu.vector_store_idx %arg12[%select_n3A_148], %broadcast_in_dim3A_5 {add = true} : memref<10112xf32, #tpu.memory_space<vmem>>[vector<16xi32>], vector<16xf32>,
      %get3A_152 = arith.index_cast %scan3A_104 : i32 to index
      %get3A_153 = arith.constant 64 : index
      %get3A_154 = tpu.vector_load %arg10[%get3A_152, %get3A_153] {strides = array<i32>} : memref<16x128xi32, #tpu.memory_space<vmem>>, vector<16xi32>,
      %get3A_155 = arith.index_cast %scan3A_104 : i32 to index
      %get3A_156 = arith.constant 64 : index
      %get3A_157 = tpu.vector_load %arg11[%get3A_155, %get3A_156] {strides = array<i32>} : memref<16x128xi32, #tpu.memory_space<vmem>>, vector<16xi32>,
      %eq3A_158 = arith.cmpi eq, %get3A_154, %get3A_157 : vector<16xi32>
      %jit3A_159 = arith.constant 10000 : i32
      %broadcast_in_dim3A_160 = vector.broadcast %jit3A_159 : i32 to vector<16xi32>
      %select_n3A_161 = arith.select %eq3A_158, %broadcast_in_dim3A_160, %get3A_157 : vector<16xi1>, vector<16xi32>
      %swap3A_162 = arith.index_cast %scan3A_104 : i32 to index
      %swap3A_163 = arith.constant 64 : index
      %swap3A_164 = tpu.vector_load %arg11[%swap3A_162, %swap3A_163] {strides = array<i32>} : memref<16x128xi32, #tpu.memory_space<vmem>>, vector<16xi32>,
      tpu.vector_store %arg11[%swap3A_162, %swap3A_163], %select_n3A_161 {strides = array<i32>} : memref<16x128xi32, #tpu.memory_space<vmem>>, vector<16xi32>,
      tpu.vector_store_idx %arg12[%select_n3A_161], %broadcast_in_dim3A_5 {add = true} : memref<10112xf32, #tpu.memory_space<vmem>>[vector<16xi32>], vector<16xf32>,
      %get3A_165 = arith.index_cast %scan3A_104 : i32 to index
      %get3A_166 = arith.constant 80 : index
      %get3A_167 = tpu.vector_load %arg10[%get3A_165, %get3A_166] {strides = array<i32>} : memref<16x128xi32, #tpu.memory_space<vmem>>, vector<16xi32>,
      %get3A_168 = arith.index_cast %scan3A_104 : i32 to index
      %get3A_169 = arith.constant 80 : index
      %get3A_170 = tpu.vector_load %arg11[%get3A_168, %get3A_169] {strides = array<i32>} : memref<16x128xi32, #tpu.memory_space<vmem>>, vector<16xi32>,
      %eq3A_171 = arith.cmpi eq, %get3A_167, %get3A_170 : vector<16xi32>
      %jit3A_172 = arith.constant 10000 : i32
      %broadcast_in_dim3A_173 = vector.broadcast %jit3A_172 : i32 to vector<16xi32>
      %select_n3A_174 = arith.select %eq3A_171, %broadcast_in_dim3A_173, %get3A_170 : vector<16xi1>, vector<16xi32>
      %swap3A_175 = arith.index_cast %scan3A_104 : i32 to index
      %swap3A_176 = arith.constant 80 : index
      %swap3A_177 = tpu.vector_load %arg11[%swap3A_175, %swap3A_176] {strides = array<i32>} : memref<16x128xi32, #tpu.memory_space<vmem>>, vector<16xi32>,
      tpu.vector_store %arg11[%swap3A_175, %swap3A_176], %select_n3A_174 {strides = array<i32>} : memref<16x128xi32, #tpu.memory_space<vmem>>, vector<16xi32>,
      tpu.vector_store_idx %arg12[%select_n3A_174], %broadcast_in_dim3A_5 {add = true} : memref<10112xf32, #tpu.memory_space<vmem>>[vector<16xi32>], vector<16xf32>,
      %get3A_178 = arith.index_cast %scan3A_104 : i32 to index
      %get3A_179 = arith.constant 96 : index
      %get3A_180 = tpu.vector_load %arg10[%get3A_178, %get3A_179] {strides = array<i32>} : memref<16x128xi32, #tpu.memory_space<vmem>>, vector<16xi32>,
      %get3A_181 = arith.index_cast %scan3A_104 : i32 to index
      %get3A_182 = arith.constant 96 : index
      %get3A_183 = tpu.vector_load %arg11[%get3A_181, %get3A_182] {strides = array<i32>} : memref<16x128xi32, #tpu.memory_space<vmem>>, vector<16xi32>,
      %eq3A_184 = arith.cmpi eq, %get3A_180, %get3A_183 : vector<16xi32>
      %jit3A_185 = arith.constant 10000 : i32
      %broadcast_in_dim3A_186 = vector.broadcast %jit3A_185 : i32 to vector<16xi32>
      %select_n3A_187 = arith.select %eq3A_184, %broadcast_in_dim3A_186, %get3A_183 : vector<16xi1>, vector<16xi32>
      %swap3A_188 = arith.index_cast %scan3A_104 : i32 to index
      %swap3A_189 = arith.constant 96 : index
      %swap3A_190 = tpu.vector_load %arg11[%swap3A_188, %swap3A_189] {strides = array<i32>} : memref<16x128xi32, #tpu.memory_space<vmem>>, vector<16xi32>,
      tpu.vector_store %arg11[%swap3A_188, %swap3A_189], %select_n3A_187 {strides = array<i32>} : memref<16x128xi32, #tpu.memory_space<vmem>>, vector<16xi32>,
      tpu.vector_store_idx %arg12[%select_n3A_187], %broadcast_in_dim3A_5 {add = true} : memref<10112xf32, #tpu.memory_space<vmem>>[vector<16xi32>], vector<16xf32>,
      %get3A_191 = arith.index_cast %scan3A_104 : i32 to index
      %get3A_192 = arith.constant 112 : index
      %get3A_193 = tpu.vector_load %arg10[%get3A_191, %get3A_192] {strides = array<i32>} : memref<16x128xi32, #tpu.memory_space<vmem>>, vector<16xi32>,
      %get3A_194 = arith.index_cast %scan3A_104 : i32 to index
      %get3A_195 = arith.constant 112 : index
      %get3A_196 = tpu.vector_load %arg11[%get3A_194, %get3A_195] {strides = array<i32>} : memref<16x128xi32, #tpu.memory_space<vmem>>, vector<16xi32>,
      %eq3A_197 = arith.cmpi eq, %get3A_193, %get3A_196 : vector<16xi32>
      %jit3A_198 = arith.constant 10000 : i32
      %broadcast_in_dim3A_199 = vector.broadcast %jit3A_198 : i32 to vector<16xi32>
      %select_n3A_200 = arith.select %eq3A_197, %broadcast_in_dim3A_199, %get3A_196 : vector<16xi1>, vector<16xi32>
      %swap3A_201 = arith.index_cast %scan3A_104 : i32 to index
      %swap3A_202 = arith.constant 112 : index
      %swap3A_203 = tpu.vector_load %arg11[%swap3A_201, %swap3A_202] {strides = array<i32>} : memref<16x128xi32, #tpu.memory_space<vmem>>, vector<16xi32>,
      tpu.vector_store %arg11[%swap3A_201, %swap3A_202], %select_n3A_200 {strides = array<i32>} : memref<16x128xi32, #tpu.memory_space<vmem>>, vector<16xi32>,
      tpu.vector_store_idx %arg12[%select_n3A_200], %broadcast_in_dim3A_5 {add = true} : memref<10112xf32, #tpu.memory_space<vmem>>[vector<16xi32>], vector<16xf32>,
    }
    %scan3A_29 = arith.constant 16 : i32
    %dma_start3A_30 = arith.constant 0 : i32
    %dma_start3A_31 = arith.constant 0 : i32
    %dma_start3A_32 = tpu.memref_slice %arg10[%dma_start3A_30, %dma_start3A_31] : memref<16x128xi32, #tpu.memory_space<vmem>> -> memref<1x128xi32, #tpu.memory_space<vmem>>
    %dma_start3A_33 = tpu.memref_squeeze %dma_start3A_32 : memref<1x128xi32, #tpu.memory_space<vmem>> -> memref<128xi32, #tpu.memory_space<vmem>>
    %dma_start3A_34 = arith.constant 0 : i32
    %dma_start3A_35 = arith.constant 0 : i32
    %dma_start3A_36 = tpu.memref_slice %arg2[%dma_start3A_34, %dma_start3A_35] : memref<10000x128xf32, #tpu.memory_space<hbm>> -> memref<10000x128xf32, #tpu.memory_space<hbm>>
    tpu.enqueue_indirect_dma source(%dma_start3A_36 : memref<10000x128xf32, #tpu.memory_space<hbm>>) target(%arg13 : memref<128x128xf32, #tpu.memory_space<vmem>>) offsets(%dma_start3A_33 : memref<128xi32, #tpu.memory_space<vmem>>) semaphore(%arg16 : memref<!tpu.dma_semaphore, #tpu.memory_space<semaphore_mem>>)
    %scan3A_37 = arith.constant 0 : i32
    %scan3A_38 = arith.constant 0 : i32
    %scan3A_39 = arith.constant 8 : i32
    %scan3A_40 = arith.addi %scan3A_38, %scan3A_39 : i32
    %scan3A_41 = arith.constant 1 : i32
    scf.for %scan3A_104 = %scan3A_38 to %scan3A_40 step %scan3A_41  : i32 {
      %mul3A_105 = arith.constant 2 : i32
      %mul3A_106 = arith.muli %mul3A_105, %scan3A_104 : i32
      %add3A_107 = arith.constant 1 : i32
      %add3A_108 = arith.addi %mul3A_106, %add3A_107 : i32
      %dma_start3A_109 = arith.constant 0 : i32
      %dma_start3A_110 = tpu.memref_slice %arg10[%add3A_108, %dma_start3A_109] : memref<16x128xi32, #tpu.memory_space<vmem>> -> memref<1x128xi32, #tpu.memory_space<vmem>>
      %dma_start3A_111 = tpu.memref_squeeze %dma_start3A_110 : memref<1x128xi32, #tpu.memory_space<vmem>> -> memref<128xi32, #tpu.memory_space<vmem>>
      %dma_start3A_112 = arith.constant 0 : i32
      %dma_start3A_113 = arith.constant 0 : i32
      %dma_start3A_114 = tpu.memref_slice %arg2[%dma_start3A_112, %dma_start3A_113] : memref<10000x128xf32, #tpu.memory_space<hbm>> -> memref<10000x128xf32, #tpu.memory_space<hbm>>
      tpu.enqueue_indirect_dma source(%dma_start3A_114 : memref<10000x128xf32, #tpu.memory_space<hbm>>) target(%arg14 : memref<128x128xf32, #tpu.memory_space<vmem>>) offsets(%dma_start3A_111 : memref<128xi32, #tpu.memory_space<vmem>>) semaphore(%arg17 : memref<!tpu.dma_semaphore, #tpu.memory_space<semaphore_mem>>)
      %dma_wait3A_115 = arith.constant 0 : i32
      %dma_wait3A_116 = tpu.memref_slice %arg10[%mul3A_106, %dma_wait3A_115] : memref<16x128xi32, #tpu.memory_space<vmem>> -> memref<1x128xi32, #tpu.memory_space<vmem>>
      %dma_wait3A_117 = tpu.memref_squeeze %dma_wait3A_116 : memref<1x128xi32, #tpu.memory_space<vmem>> -> memref<128xi32, #tpu.memory_space<vmem>>
      %dma_wait3A_118 = arith.constant 0 : i32
      %dma_wait3A_119 = arith.constant 0 : i32
      %dma_wait3A_120 = tpu.memref_slice %arg2[%dma_wait3A_118, %dma_wait3A_119] : memref<10000x128xf32, #tpu.memory_space<hbm>> -> memref<10000x128xf32, #tpu.memory_space<hbm>>
      tpu.wait_indirect_dma semaphore(%arg16 : memref<!tpu.dma_semaphore, #tpu.memory_space<semaphore_mem>>) src(%dma_wait3A_120 : memref<10000x128xf32, #tpu.memory_space<hbm>>) dst(%arg13 : memref<128x128xf32, #tpu.memory_space<vmem>>)
      "tpu.region"() ({
        %run_scoped3A = tpu.sem_alloc : memref<!tpu.dma_semaphore, #tpu.memory_space<semaphore_mem>>
        %dma_start3A_133 = arith.constant 0 : i32
        %dma_start3A_134 = tpu.memref_slice %arg11[%mul3A_106, %dma_start3A_133] : memref<16x128xi32, #tpu.memory_space<vmem>> -> memref<1x128xi32, #tpu.memory_space<vmem>>
        %dma_start3A_135 = tpu.memref_squeeze %dma_start3A_134 : memref<1x128xi32, #tpu.memory_space<vmem>> -> memref<128xi32, #tpu.memory_space<vmem>>
        %dma_start3A_136 = arith.constant 0 : i32
        %dma_start3A_137 = arith.constant 0 : i32
        %dma_start3A_138 = tpu.memref_slice %arg9[%dma_start3A_136, %dma_start3A_137] : memref<10112x128xf32, #tpu.memory_space<vmem_shared>> -> memref<10112x128xf32, #tpu.memory_space<vmem_shared>>
        tpu.enqueue_indirect_dma source(%arg13 : memref<128x128xf32, #tpu.memory_space<vmem>>) target(%dma_start3A_138 : memref<10112x128xf32, #tpu.memory_space<vmem_shared>>) offsets(%dma_start3A_135 : memref<128xi32, #tpu.memory_space<vmem>>) semaphore(%run_scoped3A : memref<!tpu.dma_semaphore, #tpu.memory_space<semaphore_mem>>) {add = true}
        %dma_wait3A_139 = arith.constant 0 : i32
        %dma_wait3A_140 = tpu.memref_slice %arg11[%mul3A_106, %dma_wait3A_139] : memref<16x128xi32, #tpu.memory_space<vmem>> -> memref<1x128xi32, #tpu.memory_space<vmem>>
        %dma_wait3A_141 = tpu.memref_squeeze %dma_wait3A_140 : memref<1x128xi32, #tpu.memory_space<vmem>> -> memref<128xi32, #tpu.memory_space<vmem>>
        %dma_wait3A_142 = arith.constant 0 : i32
        %dma_wait3A_143 = arith.constant 0 : i32
        %dma_wait3A_144 = tpu.memref_slice %arg9[%dma_wait3A_142, %dma_wait3A_143] : memref<10112x128xf32, #tpu.memory_space<vmem_shared>> -> memref<10112x128xf32, #tpu.memory_space<vmem_shared>>
        tpu.wait_indirect_dma semaphore(%run_scoped3A : memref<!tpu.dma_semaphore, #tpu.memory_space<semaphore_mem>>) src(%arg13 : memref<128x128xf32, #tpu.memory_space<vmem>>) dst(%dma_wait3A_144 : memref<10112x128xf32, #tpu.memory_space<vmem_shared>>)
        tpu.yield
      }) : () -> ()
      %lt3A = arith.constant 7 : i32
      %lt3A_121 = arith.cmpi slt, %scan3A_104, %lt3A : i32
      %convert_element_type3A = arith.extui %lt3A_121 : i1 to i32
      %cond3A = arith.constant 0 : i32
      %cond3A_122 = arith.cmpi ne, %convert_element_type3A, %cond3A : i32
      scf.if %cond3A_122 {
        %add3A_133 = arith.constant 2 : i32
        %add3A_134 = arith.addi %mul3A_106, %add3A_133 : i32
        %dma_start3A_135 = arith.constant 0 : i32
        %dma_start3A_136 = tpu.memref_slice %arg10[%add3A_134, %dma_start3A_135] : memref<16x128xi32, #tpu.memory_space<vmem>> -> memref<1x128xi32, #tpu.memory_space<vmem>>
        %dma_start3A_137 = tpu.memref_squeeze %dma_start3A_136 : memref<1x128xi32, #tpu.memory_space<vmem>> -> memref<128xi32, #tpu.memory_space<vmem>>
        %dma_start3A_138 = arith.constant 0 : i32
        %dma_start3A_139 = arith.constant 0 : i32
        %dma_start3A_140 = tpu.memref_slice %arg2[%dma_start3A_138, %dma_start3A_139] : memref<10000x128xf32, #tpu.memory_space<hbm>> -> memref<10000x128xf32, #tpu.memory_space<hbm>>
        tpu.enqueue_indirect_dma source(%dma_start3A_140 : memref<10000x128xf32, #tpu.memory_space<hbm>>) target(%arg13 : memref<128x128xf32, #tpu.memory_space<vmem>>) offsets(%dma_start3A_137 : memref<128xi32, #tpu.memory_space<vmem>>) semaphore(%arg16 : memref<!tpu.dma_semaphore, #tpu.memory_space<semaphore_mem>>)
      } else {
      }
      %add3A_123 = arith.constant 1 : i32
      %add3A_124 = arith.addi %mul3A_106, %add3A_123 : i32
      %dma_wait3A_125 = arith.constant 0 : i32
      %dma_wait3A_126 = tpu.memref_slice %arg10[%add3A_124, %dma_wait3A_125] : memref<16x128xi32, #tpu.memory_space<vmem>> -> memref<1x128xi32, #tpu.memory_space<vmem>>
      %dma_wait3A_127 = tpu.memref_squeeze %dma_wait3A_126 : memref<1x128xi32, #tpu.memory_space<vmem>> -> memref<128xi32, #tpu.memory_space<vmem>>
      %dma_wait3A_128 = arith.constant 0 : i32
      %dma_wait3A_129 = arith.constant 0 : i32
      %dma_wait3A_130 = tpu.memref_slice %arg2[%dma_wait3A_128, %dma_wait3A_129] : memref<10000x128xf32, #tpu.memory_space<hbm>> -> memref<10000x128xf32, #tpu.memory_space<hbm>>
      tpu.wait_indirect_dma semaphore(%arg17 : memref<!tpu.dma_semaphore, #tpu.memory_space<semaphore_mem>>) src(%dma_wait3A_130 : memref<10000x128xf32, #tpu.memory_space<hbm>>) dst(%arg14 : memref<128x128xf32, #tpu.memory_space<vmem>>)
      %add3A_131 = arith.constant 1 : i32
      %add3A_132 = arith.addi %mul3A_106, %add3A_131 : i32
      "tpu.region"() ({
        %run_scoped3A = tpu.sem_alloc : memref<!tpu.dma_semaphore, #tpu.memory_space<semaphore_mem>>
        %dma_start3A_133 = arith.constant 0 : i32
        %dma_start3A_134 = tpu.memref_slice %arg11[%add3A_132, %dma_start3A_133] : memref<16x128xi32, #tpu.memory_space<vmem>> -> memref<1x128xi32, #tpu.memory_space<vmem>>
        %dma_start3A_135 = tpu.memref_squeeze %dma_start3A_134 : memref<1x128xi32, #tpu.memory_space<vmem>> -> memref<128xi32, #tpu.memory_space<vmem>>
        %dma_start3A_136 = arith.constant 0 : i32
        %dma_start3A_137 = arith.constant 0 : i32
        %dma_start3A_138 = tpu.memref_slice %arg9[%dma_start3A_136, %dma_start3A_137] : memref<10112x128xf32, #tpu.memory_space<vmem_shared>> -> memref<10112x128xf32, #tpu.memory_space<vmem_shared>>
        tpu.enqueue_indirect_dma source(%arg14 : memref<128x128xf32, #tpu.memory_space<vmem>>) target(%dma_start3A_138 : memref<10112x128xf32, #tpu.memory_space<vmem_shared>>) offsets(%dma_start3A_135 : memref<128xi32, #tpu.memory_space<vmem>>) semaphore(%run_scoped3A : memref<!tpu.dma_semaphore, #tpu.memory_space<semaphore_mem>>) {add = true}
        %dma_wait3A_139 = arith.constant 0 : i32
        %dma_wait3A_140 = tpu.memref_slice %arg11[%add3A_132, %dma_wait3A_139] : memref<16x128xi32, #tpu.memory_space<vmem>> -> memref<1x128xi32, #tpu.memory_space<vmem>>
        %dma_wait3A_141 = tpu.memref_squeeze %dma_wait3A_140 : memref<1x128xi32, #tpu.memory_space<vmem>> -> memref<128xi32, #tpu.memory_space<vmem>>
        %dma_wait3A_142 = arith.constant 0 : i32
        %dma_wait3A_143 = arith.constant 0 : i32
        %dma_wait3A_144 = tpu.memref_slice %arg9[%dma_wait3A_142, %dma_wait3A_143] : memref<10112x128xf32, #tpu.memory_space<vmem_shared>> -> memref<10112x128xf32, #tpu.memory_space<vmem_shared>>
        tpu.wait_indirect_dma semaphore(%run_scoped3A : memref<!tpu.dma_semaphore, #tpu.memory_space<semaphore_mem>>) src(%arg14 : memref<128x128xf32, #tpu.memory_space<vmem>>) dst(%dma_wait3A_144 : memref<10112x128xf32, #tpu.memory_space<vmem_shared>>)
        tpu.yield
      }) : () -> ()
    }
    %scan3A_42 = arith.constant 8 : i32
    "tpu.region"() ({
      %run_scoped3A = tpu.sem_alloc : memref<!tpu.dma_semaphore, #tpu.memory_space<semaphore_mem>>
      %dma_start3A_104 = arith.constant 32 : i32
      %dma_start3A_105 = arith.constant 0 : i32
      %dma_start3A_106 = tpu.memref_slice %arg3[%add3A, %dma_start3A_104, %dma_start3A_105] : memref<32x80x128xi32, #tpu.memory_space<hbm>> -> memref<1x16x128xi32, #tpu.memory_space<hbm>>
      %dma_start3A_107 = tpu.memref_squeeze %dma_start3A_106 : memref<1x16x128xi32, #tpu.memory_space<hbm>> -> memref<16x128xi32, #tpu.memory_space<hbm>>
      %dma_start3A_108 = arith.constant 32 : i32
      %dma_start3A_109 = arith.constant 0 : i32
      %dma_start3A_110 = tpu.memref_slice %arg3[%add3A, %dma_start3A_108, %dma_start3A_109] : memref<32x80x128xi32, #tpu.memory_space<hbm>> -> memref<1x16x128xi32, #tpu.memory_space<hbm>>
      %dma_start3A_111 = tpu.memref_squeeze %dma_start3A_110 : memref<1x16x128xi32, #tpu.memory_space<hbm>> -> memref<16x128xi32, #tpu.memory_space<hbm>>
      tpu.enqueue_dma source(%dma_start3A_111 : memref<16x128xi32, #tpu.memory_space<hbm>>) target(%arg10 : memref<16x128xi32, #tpu.memory_space<vmem>>) target_semaphore(%run_scoped3A : memref<!tpu.dma_semaphore, #tpu.memory_space<semaphore_mem>>)
      %dma_wait3A_112 = arith.constant 32 : i32
      %dma_wait3A_113 = arith.constant 0 : i32
      %dma_wait3A_114 = tpu.memref_slice %arg3[%add3A, %dma_wait3A_112, %dma_wait3A_113] : memref<32x80x128xi32, #tpu.memory_space<hbm>> -> memref<1x16x128xi32, #tpu.memory_space<hbm>>
      %dma_wait3A_115 = tpu.memref_squeeze %dma_wait3A_114 : memref<1x16x128xi32, #tpu.memory_space<hbm>> -> memref<16x128xi32, #tpu.memory_space<hbm>>
      %dma_wait3A_116 = arith.constant 32 : i32
      %dma_wait3A_117 = arith.constant 0 : i32
      %dma_wait3A_118 = tpu.memref_slice %arg3[%add3A, %dma_wait3A_116, %dma_wait3A_117] : memref<32x80x128xi32, #tpu.memory_space<hbm>> -> memref<1x16x128xi32, #tpu.memory_space<hbm>>
      %dma_wait3A_119 = tpu.memref_squeeze %dma_wait3A_118 : memref<1x16x128xi32, #tpu.memory_space<hbm>> -> memref<16x128xi32, #tpu.memory_space<hbm>>
      tpu.wait_dma2 semaphore(%run_scoped3A : memref<!tpu.dma_semaphore, #tpu.memory_space<semaphore_mem>>) src(%dma_wait3A_119 : memref<16x128xi32, #tpu.memory_space<hbm>>) dst(%arg10 : memref<16x128xi32, #tpu.memory_space<vmem>>)
      tpu.yield
    }) : () -> ()
    "tpu.region"() ({
      %run_scoped3A = tpu.sem_alloc : memref<!tpu.dma_semaphore, #tpu.memory_space<semaphore_mem>>
      %dma_start3A_104 = arith.constant 32 : i32
      %dma_start3A_105 = arith.constant 0 : i32
      %dma_start3A_106 = tpu.memref_slice %arg4[%add3A, %dma_start3A_104, %dma_start3A_105] : memref<32x80x128xi32, #tpu.memory_space<hbm>> -> memref<1x16x128xi32, #tpu.memory_space<hbm>>
      %dma_start3A_107 = tpu.memref_squeeze %dma_start3A_106 : memref<1x16x128xi32, #tpu.memory_space<hbm>> -> memref<16x128xi32, #tpu.memory_space<hbm>>
      %dma_start3A_108 = arith.constant 32 : i32
      %dma_start3A_109 = arith.constant 0 : i32
      %dma_start3A_110 = tpu.memref_slice %arg4[%add3A, %dma_start3A_108, %dma_start3A_109] : memref<32x80x128xi32, #tpu.memory_space<hbm>> -> memref<1x16x128xi32, #tpu.memory_space<hbm>>
      %dma_start3A_111 = tpu.memref_squeeze %dma_start3A_110 : memref<1x16x128xi32, #tpu.memory_space<hbm>> -> memref<16x128xi32, #tpu.memory_space<hbm>>
      tpu.enqueue_dma source(%dma_start3A_111 : memref<16x128xi32, #tpu.memory_space<hbm>>) target(%arg11 : memref<16x128xi32, #tpu.memory_space<vmem>>) target_semaphore(%run_scoped3A : memref<!tpu.dma_semaphore, #tpu.memory_space<semaphore_mem>>)
      %dma_wait3A_112 = arith.constant 32 : i32
      %dma_wait3A_113 = arith.constant 0 : i32
      %dma_wait3A_114 = tpu.memref_slice %arg4[%add3A, %dma_wait3A_112, %dma_wait3A_113] : memref<32x80x128xi32, #tpu.memory_space<hbm>> -> memref<1x16x128xi32, #tpu.memory_space<hbm>>
      %dma_wait3A_115 = tpu.memref_squeeze %dma_wait3A_114 : memref<1x16x128xi32, #tpu.memory_space<hbm>> -> memref<16x128xi32, #tpu.memory_space<hbm>>
      %dma_wait3A_116 = arith.constant 32 : i32
      %dma_wait3A_117 = arith.constant 0 : i32
      %dma_wait3A_118 = tpu.memref_slice %arg4[%add3A, %dma_wait3A_116, %dma_wait3A_117] : memref<32x80x128xi32, #tpu.memory_space<hbm>> -> memref<1x16x128xi32, #tpu.memory_space<hbm>>
      %dma_wait3A_119 = tpu.memref_squeeze %dma_wait3A_118 : memref<1x16x128xi32, #tpu.memory_space<hbm>> -> memref<16x128xi32, #tpu.memory_space<hbm>>
      tpu.wait_dma2 semaphore(%run_scoped3A : memref<!tpu.dma_semaphore, #tpu.memory_space<semaphore_mem>>) src(%dma_wait3A_119 : memref<16x128xi32, #tpu.memory_space<hbm>>) dst(%arg11 : memref<16x128xi32, #tpu.memory_space<vmem>>)
      tpu.yield
    }) : () -> ()
    %scan3A_43 = arith.constant 0 : i32
    %scan3A_44 = arith.constant 0 : i32
    %scan3A_45 = arith.constant 16 : i32
    %scan3A_46 = arith.addi %scan3A_44, %scan3A_45 : i32
    %scan3A_47 = arith.constant 1 : i32
    scf.for %scan3A_104 = %scan3A_44 to %scan3A_46 step %scan3A_47  : i32 {
      %get3A = arith.index_cast %scan3A_104 : i32 to index
      %get3A_105 = arith.constant 0 : index
      %get3A_106 = tpu.vector_load %arg10[%get3A, %get3A_105] {strides = array<i32>} : memref<16x128xi32, #tpu.memory_space<vmem>>, vector<16xi32>,
      %get3A_107 = arith.index_cast %scan3A_104 : i32 to index
      %get3A_108 = arith.constant 0 : index
      %get3A_109 = tpu.vector_load %arg11[%get3A_107, %get3A_108] {strides = array<i32>} : memref<16x128xi32, #tpu.memory_space<vmem>>, vector<16xi32>,
      %eq3A = arith.cmpi eq, %get3A_106, %get3A_109 : vector<16xi32>
      %jit3A = arith.constant 10000 : i32
      %broadcast_in_dim3A_110 = vector.broadcast %jit3A : i32 to vector<16xi32>
      %select_n3A = arith.select %eq3A, %broadcast_in_dim3A_110, %get3A_109 : vector<16xi1>, vector<16xi32>
      %swap3A = arith.index_cast %scan3A_104 : i32 to index
      %swap3A_111 = arith.constant 0 : index
      %swap3A_112 = tpu.vector_load %arg11[%swap3A, %swap3A_111] {strides = array<i32>} : memref<16x128xi32, #tpu.memory_space<vmem>>, vector<16xi32>,
      tpu.vector_store %arg11[%swap3A, %swap3A_111], %select_n3A {strides = array<i32>} : memref<16x128xi32, #tpu.memory_space<vmem>>, vector<16xi32>,
      tpu.vector_store_idx %arg12[%select_n3A], %broadcast_in_dim3A_5 {add = true} : memref<10112xf32, #tpu.memory_space<vmem>>[vector<16xi32>], vector<16xf32>,
      %get3A_113 = arith.index_cast %scan3A_104 : i32 to index
      %get3A_114 = arith.constant 16 : index
      %get3A_115 = tpu.vector_load %arg10[%get3A_113, %get3A_114] {strides = array<i32>} : memref<16x128xi32, #tpu.memory_space<vmem>>, vector<16xi32>,
      %get3A_116 = arith.index_cast %scan3A_104 : i32 to index
      %get3A_117 = arith.constant 16 : index
      %get3A_118 = tpu.vector_load %arg11[%get3A_116, %get3A_117] {strides = array<i32>} : memref<16x128xi32, #tpu.memory_space<vmem>>, vector<16xi32>,
      %eq3A_119 = arith.cmpi eq, %get3A_115, %get3A_118 : vector<16xi32>
      %jit3A_120 = arith.constant 10000 : i32
      %broadcast_in_dim3A_121 = vector.broadcast %jit3A_120 : i32 to vector<16xi32>
      %select_n3A_122 = arith.select %eq3A_119, %broadcast_in_dim3A_121, %get3A_118 : vector<16xi1>, vector<16xi32>
      %swap3A_123 = arith.index_cast %scan3A_104 : i32 to index
      %swap3A_124 = arith.constant 16 : index
      %swap3A_125 = tpu.vector_load %arg11[%swap3A_123, %swap3A_124] {strides = array<i32>} : memref<16x128xi32, #tpu.memory_space<vmem>>, vector<16xi32>,
      tpu.vector_store %arg11[%swap3A_123, %swap3A_124], %select_n3A_122 {strides = array<i32>} : memref<16x128xi32, #tpu.memory_space<vmem>>, vector<16xi32>,
      tpu.vector_store_idx %arg12[%select_n3A_122], %broadcast_in_dim3A_5 {add = true} : memref<10112xf32, #tpu.memory_space<vmem>>[vector<16xi32>], vector<16xf32>,
      %get3A_126 = arith.index_cast %scan3A_104 : i32 to index
      %get3A_127 = arith.constant 32 : index
      %get3A_128 = tpu.vector_load %arg10[%get3A_126, %get3A_127] {strides = array<i32>} : memref<16x128xi32, #tpu.memory_space<vmem>>, vector<16xi32>,
      %get3A_129 = arith.index_cast %scan3A_104 : i32 to index
      %get3A_130 = arith.constant 32 : index
      %get3A_131 = tpu.vector_load %arg11[%get3A_129, %get3A_130] {strides = array<i32>} : memref<16x128xi32, #tpu.memory_space<vmem>>, vector<16xi32>,
      %eq3A_132 = arith.cmpi eq, %get3A_128, %get3A_131 : vector<16xi32>
      %jit3A_133 = arith.constant 10000 : i32
      %broadcast_in_dim3A_134 = vector.broadcast %jit3A_133 : i32 to vector<16xi32>
      %select_n3A_135 = arith.select %eq3A_132, %broadcast_in_dim3A_134, %get3A_131 : vector<16xi1>, vector<16xi32>
      %swap3A_136 = arith.index_cast %scan3A_104 : i32 to index
      %swap3A_137 = arith.constant 32 : index
      %swap3A_138 = tpu.vector_load %arg11[%swap3A_136, %swap3A_137] {strides = array<i32>} : memref<16x128xi32, #tpu.memory_space<vmem>>, vector<16xi32>,
      tpu.vector_store %arg11[%swap3A_136, %swap3A_137], %select_n3A_135 {strides = array<i32>} : memref<16x128xi32, #tpu.memory_space<vmem>>, vector<16xi32>,
      tpu.vector_store_idx %arg12[%select_n3A_135], %broadcast_in_dim3A_5 {add = true} : memref<10112xf32, #tpu.memory_space<vmem>>[vector<16xi32>], vector<16xf32>,
      %get3A_139 = arith.index_cast %scan3A_104 : i32 to index
      %get3A_140 = arith.constant 48 : index
      %get3A_141 = tpu.vector_load %arg10[%get3A_139, %get3A_140] {strides = array<i32>} : memref<16x128xi32, #tpu.memory_space<vmem>>, vector<16xi32>,
      %get3A_142 = arith.index_cast %scan3A_104 : i32 to index
      %get3A_143 = arith.constant 48 : index
      %get3A_144 = tpu.vector_load %arg11[%get3A_142, %get3A_143] {strides = array<i32>} : memref<16x128xi32, #tpu.memory_space<vmem>>, vector<16xi32>,
      %eq3A_145 = arith.cmpi eq, %get3A_141, %get3A_144 : vector<16xi32>
      %jit3A_146 = arith.constant 10000 : i32
      %broadcast_in_dim3A_147 = vector.broadcast %jit3A_146 : i32 to vector<16xi32>
      %select_n3A_148 = arith.select %eq3A_145, %broadcast_in_dim3A_147, %get3A_144 : vector<16xi1>, vector<16xi32>
      %swap3A_149 = arith.index_cast %scan3A_104 : i32 to index
      %swap3A_150 = arith.constant 48 : index
      %swap3A_151 = tpu.vector_load %arg11[%swap3A_149, %swap3A_150] {strides = array<i32>} : memref<16x128xi32, #tpu.memory_space<vmem>>, vector<16xi32>,
      tpu.vector_store %arg11[%swap3A_149, %swap3A_150], %select_n3A_148 {strides = array<i32>} : memref<16x128xi32, #tpu.memory_space<vmem>>, vector<16xi32>,
      tpu.vector_store_idx %arg12[%select_n3A_148], %broadcast_in_dim3A_5 {add = true} : memref<10112xf32, #tpu.memory_space<vmem>>[vector<16xi32>], vector<16xf32>,
      %get3A_152 = arith.index_cast %scan3A_104 : i32 to index
      %get3A_153 = arith.constant 64 : index
      %get3A_154 = tpu.vector_load %arg10[%get3A_152, %get3A_153] {strides = array<i32>} : memref<16x128xi32, #tpu.memory_space<vmem>>, vector<16xi32>,
      %get3A_155 = arith.index_cast %scan3A_104 : i32 to index
      %get3A_156 = arith.constant 64 : index
      %get3A_157 = tpu.vector_load %arg11[%get3A_155, %get3A_156] {strides = array<i32>} : memref<16x128xi32, #tpu.memory_space<vmem>>, vector<16xi32>,
      %eq3A_158 = arith.cmpi eq, %get3A_154, %get3A_157 : vector<16xi32>
      %jit3A_159 = arith.constant 10000 : i32
      %broadcast_in_dim3A_160 = vector.broadcast %jit3A_159 : i32 to vector<16xi32>
      %select_n3A_161 = arith.select %eq3A_158, %broadcast_in_dim3A_160, %get3A_157 : vector<16xi1>, vector<16xi32>
      %swap3A_162 = arith.index_cast %scan3A_104 : i32 to index
      %swap3A_163 = arith.constant 64 : index
      %swap3A_164 = tpu.vector_load %arg11[%swap3A_162, %swap3A_163] {strides = array<i32>} : memref<16x128xi32, #tpu.memory_space<vmem>>, vector<16xi32>,
      tpu.vector_store %arg11[%swap3A_162, %swap3A_163], %select_n3A_161 {strides = array<i32>} : memref<16x128xi32, #tpu.memory_space<vmem>>, vector<16xi32>,
      tpu.vector_store_idx %arg12[%select_n3A_161], %broadcast_in_dim3A_5 {add = true} : memref<10112xf32, #tpu.memory_space<vmem>>[vector<16xi32>], vector<16xf32>,
      %get3A_165 = arith.index_cast %scan3A_104 : i32 to index
      %get3A_166 = arith.constant 80 : index
      %get3A_167 = tpu.vector_load %arg10[%get3A_165, %get3A_166] {strides = array<i32>} : memref<16x128xi32, #tpu.memory_space<vmem>>, vector<16xi32>,
      %get3A_168 = arith.index_cast %scan3A_104 : i32 to index
      %get3A_169 = arith.constant 80 : index
      %get3A_170 = tpu.vector_load %arg11[%get3A_168, %get3A_169] {strides = array<i32>} : memref<16x128xi32, #tpu.memory_space<vmem>>, vector<16xi32>,
      %eq3A_171 = arith.cmpi eq, %get3A_167, %get3A_170 : vector<16xi32>
      %jit3A_172 = arith.constant 10000 : i32
      %broadcast_in_dim3A_173 = vector.broadcast %jit3A_172 : i32 to vector<16xi32>
      %select_n3A_174 = arith.select %eq3A_171, %broadcast_in_dim3A_173, %get3A_170 : vector<16xi1>, vector<16xi32>
      %swap3A_175 = arith.index_cast %scan3A_104 : i32 to index
      %swap3A_176 = arith.constant 80 : index
      %swap3A_177 = tpu.vector_load %arg11[%swap3A_175, %swap3A_176] {strides = array<i32>} : memref<16x128xi32, #tpu.memory_space<vmem>>, vector<16xi32>,
      tpu.vector_store %arg11[%swap3A_175, %swap3A_176], %select_n3A_174 {strides = array<i32>} : memref<16x128xi32, #tpu.memory_space<vmem>>, vector<16xi32>,
      tpu.vector_store_idx %arg12[%select_n3A_174], %broadcast_in_dim3A_5 {add = true} : memref<10112xf32, #tpu.memory_space<vmem>>[vector<16xi32>], vector<16xf32>,
      %get3A_178 = arith.index_cast %scan3A_104 : i32 to index
      %get3A_179 = arith.constant 96 : index
      %get3A_180 = tpu.vector_load %arg10[%get3A_178, %get3A_179] {strides = array<i32>} : memref<16x128xi32, #tpu.memory_space<vmem>>, vector<16xi32>,
      %get3A_181 = arith.index_cast %scan3A_104 : i32 to index
      %get3A_182 = arith.constant 96 : index
      %get3A_183 = tpu.vector_load %arg11[%get3A_181, %get3A_182] {strides = array<i32>} : memref<16x128xi32, #tpu.memory_space<vmem>>, vector<16xi32>,
      %eq3A_184 = arith.cmpi eq, %get3A_180, %get3A_183 : vector<16xi32>
      %jit3A_185 = arith.constant 10000 : i32
      %broadcast_in_dim3A_186 = vector.broadcast %jit3A_185 : i32 to vector<16xi32>
      %select_n3A_187 = arith.select %eq3A_184, %broadcast_in_dim3A_186, %get3A_183 : vector<16xi1>, vector<16xi32>
      %swap3A_188 = arith.index_cast %scan3A_104 : i32 to index
      %swap3A_189 = arith.constant 96 : index
      %swap3A_190 = tpu.vector_load %arg11[%swap3A_188, %swap3A_189] {strides = array<i32>} : memref<16x128xi32, #tpu.memory_space<vmem>>, vector<16xi32>,
      tpu.vector_store %arg11[%swap3A_188, %swap3A_189], %select_n3A_187 {strides = array<i32>} : memref<16x128xi32, #tpu.memory_space<vmem>>, vector<16xi32>,
      tpu.vector_store_idx %arg12[%select_n3A_187], %broadcast_in_dim3A_5 {add = true} : memref<10112xf32, #tpu.memory_space<vmem>>[vector<16xi32>], vector<16xf32>,
      %get3A_191 = arith.index_cast %scan3A_104 : i32 to index
      %get3A_192 = arith.constant 112 : index
      %get3A_193 = tpu.vector_load %arg10[%get3A_191, %get3A_192] {strides = array<i32>} : memref<16x128xi32, #tpu.memory_space<vmem>>, vector<16xi32>,
      %get3A_194 = arith.index_cast %scan3A_104 : i32 to index
      %get3A_195 = arith.constant 112 : index
      %get3A_196 = tpu.vector_load %arg11[%get3A_194, %get3A_195] {strides = array<i32>} : memref<16x128xi32, #tpu.memory_space<vmem>>, vector<16xi32>,
      %eq3A_197 = arith.cmpi eq, %get3A_193, %get3A_196 : vector<16xi32>
      %jit3A_198 = arith.constant 10000 : i32
      %broadcast_in_dim3A_199 = vector.broadcast %jit3A_198 : i32 to vector<16xi32>
      %select_n3A_200 = arith.select %eq3A_197, %broadcast_in_dim3A_199, %get3A_196 : vector<16xi1>, vector<16xi32>
      %swap3A_201 = arith.index_cast %scan3A_104 : i32 to index
      %swap3A_202 = arith.constant 112 : index
      %swap3A_203 = tpu.vector_load %arg11[%swap3A_201, %swap3A_202] {strides = array<i32>} : memref<16x128xi32, #tpu.memory_space<vmem>>, vector<16xi32>,
      tpu.vector_store %arg11[%swap3A_201, %swap3A_202], %select_n3A_200 {strides = array<i32>} : memref<16x128xi32, #tpu.memory_space<vmem>>, vector<16xi32>,
      tpu.vector_store_idx %arg12[%select_n3A_200], %broadcast_in_dim3A_5 {add = true} : memref<10112xf32, #tpu.memory_space<vmem>>[vector<16xi32>], vector<16xf32>,
    }
    %scan3A_48 = arith.constant 16 : i32
    %dma_start3A_49 = arith.constant 0 : i32
    %dma_start3A_50 = arith.constant 0 : i32
    %dma_start3A_51 = tpu.memref_slice %arg10[%dma_start3A_49, %dma_start3A_50] : memref<16x128xi32, #tpu.memory_space<vmem>> -> memref<1x128xi32, #tpu.memory_space<vmem>>
    %dma_start3A_52 = tpu.memref_squeeze %dma_start3A_51 : memref<1x128xi32, #tpu.memory_space<vmem>> -> memref<128xi32, #tpu.memory_space<vmem>>
    %dma_start3A_53 = arith.constant 0 : i32
    %dma_start3A_54 = arith.constant 0 : i32
    %dma_start3A_55 = tpu.memref_slice %arg2[%dma_start3A_53, %dma_start3A_54] : memref<10000x128xf32, #tpu.memory_space<hbm>> -> memref<10000x128xf32, #tpu.memory_space<hbm>>
    tpu.enqueue_indirect_dma source(%dma_start3A_55 : memref<10000x128xf32, #tpu.memory_space<hbm>>) target(%arg13 : memref<128x128xf32, #tpu.memory_space<vmem>>) offsets(%dma_start3A_52 : memref<128xi32, #tpu.memory_space<vmem>>) semaphore(%arg16 : memref<!tpu.dma_semaphore, #tpu.memory_space<semaphore_mem>>)
    %scan3A_56 = arith.constant 0 : i32
    %scan3A_57 = arith.constant 0 : i32
    %scan3A_58 = arith.constant 8 : i32
    %scan3A_59 = arith.addi %scan3A_57, %scan3A_58 : i32
    %scan3A_60 = arith.constant 1 : i32
    scf.for %scan3A_104 = %scan3A_57 to %scan3A_59 step %scan3A_60  : i32 {
      %mul3A_105 = arith.constant 2 : i32
      %mul3A_106 = arith.muli %mul3A_105, %scan3A_104 : i32
      %add3A_107 = arith.constant 1 : i32
      %add3A_108 = arith.addi %mul3A_106, %add3A_107 : i32
      %dma_start3A_109 = arith.constant 0 : i32
      %dma_start3A_110 = tpu.memref_slice %arg10[%add3A_108, %dma_start3A_109] : memref<16x128xi32, #tpu.memory_space<vmem>> -> memref<1x128xi32, #tpu.memory_space<vmem>>
      %dma_start3A_111 = tpu.memref_squeeze %dma_start3A_110 : memref<1x128xi32, #tpu.memory_space<vmem>> -> memref<128xi32, #tpu.memory_space<vmem>>
      %dma_start3A_112 = arith.constant 0 : i32
      %dma_start3A_113 = arith.constant 0 : i32
      %dma_start3A_114 = tpu.memref_slice %arg2[%dma_start3A_112, %dma_start3A_113] : memref<10000x128xf32, #tpu.memory_space<hbm>> -> memref<10000x128xf32, #tpu.memory_space<hbm>>
      tpu.enqueue_indirect_dma source(%dma_start3A_114 : memref<10000x128xf32, #tpu.memory_space<hbm>>) target(%arg14 : memref<128x128xf32, #tpu.memory_space<vmem>>) offsets(%dma_start3A_111 : memref<128xi32, #tpu.memory_space<vmem>>) semaphore(%arg17 : memref<!tpu.dma_semaphore, #tpu.memory_space<semaphore_mem>>)
      %dma_wait3A_115 = arith.constant 0 : i32
      %dma_wait3A_116 = tpu.memref_slice %arg10[%mul3A_106, %dma_wait3A_115] : memref<16x128xi32, #tpu.memory_space<vmem>> -> memref<1x128xi32, #tpu.memory_space<vmem>>
      %dma_wait3A_117 = tpu.memref_squeeze %dma_wait3A_116 : memref<1x128xi32, #tpu.memory_space<vmem>> -> memref<128xi32, #tpu.memory_space<vmem>>
      %dma_wait3A_118 = arith.constant 0 : i32
      %dma_wait3A_119 = arith.constant 0 : i32
      %dma_wait3A_120 = tpu.memref_slice %arg2[%dma_wait3A_118, %dma_wait3A_119] : memref<10000x128xf32, #tpu.memory_space<hbm>> -> memref<10000x128xf32, #tpu.memory_space<hbm>>
      tpu.wait_indirect_dma semaphore(%arg16 : memref<!tpu.dma_semaphore, #tpu.memory_space<semaphore_mem>>) src(%dma_wait3A_120 : memref<10000x128xf32, #tpu.memory_space<hbm>>) dst(%arg13 : memref<128x128xf32, #tpu.memory_space<vmem>>)
      "tpu.region"() ({
        %run_scoped3A = tpu.sem_alloc : memref<!tpu.dma_semaphore, #tpu.memory_space<semaphore_mem>>
        %dma_start3A_133 = arith.constant 0 : i32
        %dma_start3A_134 = tpu.memref_slice %arg11[%mul3A_106, %dma_start3A_133] : memref<16x128xi32, #tpu.memory_space<vmem>> -> memref<1x128xi32, #tpu.memory_space<vmem>>
        %dma_start3A_135 = tpu.memref_squeeze %dma_start3A_134 : memref<1x128xi32, #tpu.memory_space<vmem>> -> memref<128xi32, #tpu.memory_space<vmem>>
        %dma_start3A_136 = arith.constant 0 : i32
        %dma_start3A_137 = arith.constant 0 : i32
        %dma_start3A_138 = tpu.memref_slice %arg9[%dma_start3A_136, %dma_start3A_137] : memref<10112x128xf32, #tpu.memory_space<vmem_shared>> -> memref<10112x128xf32, #tpu.memory_space<vmem_shared>>
        tpu.enqueue_indirect_dma source(%arg13 : memref<128x128xf32, #tpu.memory_space<vmem>>) target(%dma_start3A_138 : memref<10112x128xf32, #tpu.memory_space<vmem_shared>>) offsets(%dma_start3A_135 : memref<128xi32, #tpu.memory_space<vmem>>) semaphore(%run_scoped3A : memref<!tpu.dma_semaphore, #tpu.memory_space<semaphore_mem>>) {add = true}
        %dma_wait3A_139 = arith.constant 0 : i32
        %dma_wait3A_140 = tpu.memref_slice %arg11[%mul3A_106, %dma_wait3A_139] : memref<16x128xi32, #tpu.memory_space<vmem>> -> memref<1x128xi32, #tpu.memory_space<vmem>>
        %dma_wait3A_141 = tpu.memref_squeeze %dma_wait3A_140 : memref<1x128xi32, #tpu.memory_space<vmem>> -> memref<128xi32, #tpu.memory_space<vmem>>
        %dma_wait3A_142 = arith.constant 0 : i32
        %dma_wait3A_143 = arith.constant 0 : i32
        %dma_wait3A_144 = tpu.memref_slice %arg9[%dma_wait3A_142, %dma_wait3A_143] : memref<10112x128xf32, #tpu.memory_space<vmem_shared>> -> memref<10112x128xf32, #tpu.memory_space<vmem_shared>>
        tpu.wait_indirect_dma semaphore(%run_scoped3A : memref<!tpu.dma_semaphore, #tpu.memory_space<semaphore_mem>>) src(%arg13 : memref<128x128xf32, #tpu.memory_space<vmem>>) dst(%dma_wait3A_144 : memref<10112x128xf32, #tpu.memory_space<vmem_shared>>)
        tpu.yield
      }) : () -> ()
      %lt3A = arith.constant 7 : i32
      %lt3A_121 = arith.cmpi slt, %scan3A_104, %lt3A : i32
      %convert_element_type3A = arith.extui %lt3A_121 : i1 to i32
      %cond3A = arith.constant 0 : i32
      %cond3A_122 = arith.cmpi ne, %convert_element_type3A, %cond3A : i32
      scf.if %cond3A_122 {
        %add3A_133 = arith.constant 2 : i32
        %add3A_134 = arith.addi %mul3A_106, %add3A_133 : i32
        %dma_start3A_135 = arith.constant 0 : i32
        %dma_start3A_136 = tpu.memref_slice %arg10[%add3A_134, %dma_start3A_135] : memref<16x128xi32, #tpu.memory_space<vmem>> -> memref<1x128xi32, #tpu.memory_space<vmem>>
        %dma_start3A_137 = tpu.memref_squeeze %dma_start3A_136 : memref<1x128xi32, #tpu.memory_space<vmem>> -> memref<128xi32, #tpu.memory_space<vmem>>
        %dma_start3A_138 = arith.constant 0 : i32
        %dma_start3A_139 = arith.constant 0 : i32
        %dma_start3A_140 = tpu.memref_slice %arg2[%dma_start3A_138, %dma_start3A_139] : memref<10000x128xf32, #tpu.memory_space<hbm>> -> memref<10000x128xf32, #tpu.memory_space<hbm>>
        tpu.enqueue_indirect_dma source(%dma_start3A_140 : memref<10000x128xf32, #tpu.memory_space<hbm>>) target(%arg13 : memref<128x128xf32, #tpu.memory_space<vmem>>) offsets(%dma_start3A_137 : memref<128xi32, #tpu.memory_space<vmem>>) semaphore(%arg16 : memref<!tpu.dma_semaphore, #tpu.memory_space<semaphore_mem>>)
      } else {
      }
      %add3A_123 = arith.constant 1 : i32
      %add3A_124 = arith.addi %mul3A_106, %add3A_123 : i32
      %dma_wait3A_125 = arith.constant 0 : i32
      %dma_wait3A_126 = tpu.memref_slice %arg10[%add3A_124, %dma_wait3A_125] : memref<16x128xi32, #tpu.memory_space<vmem>> -> memref<1x128xi32, #tpu.memory_space<vmem>>
      %dma_wait3A_127 = tpu.memref_squeeze %dma_wait3A_126 : memref<1x128xi32, #tpu.memory_space<vmem>> -> memref<128xi32, #tpu.memory_space<vmem>>
      %dma_wait3A_128 = arith.constant 0 : i32
      %dma_wait3A_129 = arith.constant 0 : i32
      %dma_wait3A_130 = tpu.memref_slice %arg2[%dma_wait3A_128, %dma_wait3A_129] : memref<10000x128xf32, #tpu.memory_space<hbm>> -> memref<10000x128xf32, #tpu.memory_space<hbm>>
      tpu.wait_indirect_dma semaphore(%arg17 : memref<!tpu.dma_semaphore, #tpu.memory_space<semaphore_mem>>) src(%dma_wait3A_130 : memref<10000x128xf32, #tpu.memory_space<hbm>>) dst(%arg14 : memref<128x128xf32, #tpu.memory_space<vmem>>)
      %add3A_131 = arith.constant 1 : i32
      %add3A_132 = arith.addi %mul3A_106, %add3A_131 : i32
      "tpu.region"() ({
        %run_scoped3A = tpu.sem_alloc : memref<!tpu.dma_semaphore, #tpu.memory_space<semaphore_mem>>
        %dma_start3A_133 = arith.constant 0 : i32
        %dma_start3A_134 = tpu.memref_slice %arg11[%add3A_132, %dma_start3A_133] : memref<16x128xi32, #tpu.memory_space<vmem>> -> memref<1x128xi32, #tpu.memory_space<vmem>>
        %dma_start3A_135 = tpu.memref_squeeze %dma_start3A_134 : memref<1x128xi32, #tpu.memory_space<vmem>> -> memref<128xi32, #tpu.memory_space<vmem>>
        %dma_start3A_136 = arith.constant 0 : i32
        %dma_start3A_137 = arith.constant 0 : i32
        %dma_start3A_138 = tpu.memref_slice %arg9[%dma_start3A_136, %dma_start3A_137] : memref<10112x128xf32, #tpu.memory_space<vmem_shared>> -> memref<10112x128xf32, #tpu.memory_space<vmem_shared>>
        tpu.enqueue_indirect_dma source(%arg14 : memref<128x128xf32, #tpu.memory_space<vmem>>) target(%dma_start3A_138 : memref<10112x128xf32, #tpu.memory_space<vmem_shared>>) offsets(%dma_start3A_135 : memref<128xi32, #tpu.memory_space<vmem>>) semaphore(%run_scoped3A : memref<!tpu.dma_semaphore, #tpu.memory_space<semaphore_mem>>) {add = true}
        %dma_wait3A_139 = arith.constant 0 : i32
        %dma_wait3A_140 = tpu.memref_slice %arg11[%add3A_132, %dma_wait3A_139] : memref<16x128xi32, #tpu.memory_space<vmem>> -> memref<1x128xi32, #tpu.memory_space<vmem>>
        %dma_wait3A_141 = tpu.memref_squeeze %dma_wait3A_140 : memref<1x128xi32, #tpu.memory_space<vmem>> -> memref<128xi32, #tpu.memory_space<vmem>>
        %dma_wait3A_142 = arith.constant 0 : i32
        %dma_wait3A_143 = arith.constant 0 : i32
        %dma_wait3A_144 = tpu.memref_slice %arg9[%dma_wait3A_142, %dma_wait3A_143] : memref<10112x128xf32, #tpu.memory_space<vmem_shared>> -> memref<10112x128xf32, #tpu.memory_space<vmem_shared>>
        tpu.wait_indirect_dma semaphore(%run_scoped3A : memref<!tpu.dma_semaphore, #tpu.memory_space<semaphore_mem>>) src(%arg14 : memref<128x128xf32, #tpu.memory_space<vmem>>) dst(%dma_wait3A_144 : memref<10112x128xf32, #tpu.memory_space<vmem_shared>>)
        tpu.yield
      }) : () -> ()
    }
    %scan3A_61 = arith.constant 8 : i32
    "tpu.region"() ({
      %run_scoped3A = tpu.sem_alloc : memref<!tpu.dma_semaphore, #tpu.memory_space<semaphore_mem>>
      %dma_start3A_104 = arith.constant 48 : i32
      %dma_start3A_105 = arith.constant 0 : i32
      %dma_start3A_106 = tpu.memref_slice %arg3[%add3A, %dma_start3A_104, %dma_start3A_105] : memref<32x80x128xi32, #tpu.memory_space<hbm>> -> memref<1x16x128xi32, #tpu.memory_space<hbm>>
      %dma_start3A_107 = tpu.memref_squeeze %dma_start3A_106 : memref<1x16x128xi32, #tpu.memory_space<hbm>> -> memref<16x128xi32, #tpu.memory_space<hbm>>
      %dma_start3A_108 = arith.constant 48 : i32
      %dma_start3A_109 = arith.constant 0 : i32
      %dma_start3A_110 = tpu.memref_slice %arg3[%add3A, %dma_start3A_108, %dma_start3A_109] : memref<32x80x128xi32, #tpu.memory_space<hbm>> -> memref<1x16x128xi32, #tpu.memory_space<hbm>>
      %dma_start3A_111 = tpu.memref_squeeze %dma_start3A_110 : memref<1x16x128xi32, #tpu.memory_space<hbm>> -> memref<16x128xi32, #tpu.memory_space<hbm>>
      tpu.enqueue_dma source(%dma_start3A_111 : memref<16x128xi32, #tpu.memory_space<hbm>>) target(%arg10 : memref<16x128xi32, #tpu.memory_space<vmem>>) target_semaphore(%run_scoped3A : memref<!tpu.dma_semaphore, #tpu.memory_space<semaphore_mem>>)
      %dma_wait3A_112 = arith.constant 48 : i32
      %dma_wait3A_113 = arith.constant 0 : i32
      %dma_wait3A_114 = tpu.memref_slice %arg3[%add3A, %dma_wait3A_112, %dma_wait3A_113] : memref<32x80x128xi32, #tpu.memory_space<hbm>> -> memref<1x16x128xi32, #tpu.memory_space<hbm>>
      %dma_wait3A_115 = tpu.memref_squeeze %dma_wait3A_114 : memref<1x16x128xi32, #tpu.memory_space<hbm>> -> memref<16x128xi32, #tpu.memory_space<hbm>>
      %dma_wait3A_116 = arith.constant 48 : i32
      %dma_wait3A_117 = arith.constant 0 : i32
      %dma_wait3A_118 = tpu.memref_slice %arg3[%add3A, %dma_wait3A_116, %dma_wait3A_117] : memref<32x80x128xi32, #tpu.memory_space<hbm>> -> memref<1x16x128xi32, #tpu.memory_space<hbm>>
      %dma_wait3A_119 = tpu.memref_squeeze %dma_wait3A_118 : memref<1x16x128xi32, #tpu.memory_space<hbm>> -> memref<16x128xi32, #tpu.memory_space<hbm>>
      tpu.wait_dma2 semaphore(%run_scoped3A : memref<!tpu.dma_semaphore, #tpu.memory_space<semaphore_mem>>) src(%dma_wait3A_119 : memref<16x128xi32, #tpu.memory_space<hbm>>) dst(%arg10 : memref<16x128xi32, #tpu.memory_space<vmem>>)
      tpu.yield
    }) : () -> ()
    "tpu.region"() ({
      %run_scoped3A = tpu.sem_alloc : memref<!tpu.dma_semaphore, #tpu.memory_space<semaphore_mem>>
      %dma_start3A_104 = arith.constant 48 : i32
      %dma_start3A_105 = arith.constant 0 : i32
      %dma_start3A_106 = tpu.memref_slice %arg4[%add3A, %dma_start3A_104, %dma_start3A_105] : memref<32x80x128xi32, #tpu.memory_space<hbm>> -> memref<1x16x128xi32, #tpu.memory_space<hbm>>
      %dma_start3A_107 = tpu.memref_squeeze %dma_start3A_106 : memref<1x16x128xi32, #tpu.memory_space<hbm>> -> memref<16x128xi32, #tpu.memory_space<hbm>>
      %dma_start3A_108 = arith.constant 48 : i32
      %dma_start3A_109 = arith.constant 0 : i32
      %dma_start3A_110 = tpu.memref_slice %arg4[%add3A, %dma_start3A_108, %dma_start3A_109] : memref<32x80x128xi32, #tpu.memory_space<hbm>> -> memref<1x16x128xi32, #tpu.memory_space<hbm>>
      %dma_start3A_111 = tpu.memref_squeeze %dma_start3A_110 : memref<1x16x128xi32, #tpu.memory_space<hbm>> -> memref<16x128xi32, #tpu.memory_space<hbm>>
      tpu.enqueue_dma source(%dma_start3A_111 : memref<16x128xi32, #tpu.memory_space<hbm>>) target(%arg11 : memref<16x128xi32, #tpu.memory_space<vmem>>) target_semaphore(%run_scoped3A : memref<!tpu.dma_semaphore, #tpu.memory_space<semaphore_mem>>)
      %dma_wait3A_112 = arith.constant 48 : i32
      %dma_wait3A_113 = arith.constant 0 : i32
      %dma_wait3A_114 = tpu.memref_slice %arg4[%add3A, %dma_wait3A_112, %dma_wait3A_113] : memref<32x80x128xi32, #tpu.memory_space<hbm>> -> memref<1x16x128xi32, #tpu.memory_space<hbm>>
      %dma_wait3A_115 = tpu.memref_squeeze %dma_wait3A_114 : memref<1x16x128xi32, #tpu.memory_space<hbm>> -> memref<16x128xi32, #tpu.memory_space<hbm>>
      %dma_wait3A_116 = arith.constant 48 : i32
      %dma_wait3A_117 = arith.constant 0 : i32
      %dma_wait3A_118 = tpu.memref_slice %arg4[%add3A, %dma_wait3A_116, %dma_wait3A_117] : memref<32x80x128xi32, #tpu.memory_space<hbm>> -> memref<1x16x128xi32, #tpu.memory_space<hbm>>
      %dma_wait3A_119 = tpu.memref_squeeze %dma_wait3A_118 : memref<1x16x128xi32, #tpu.memory_space<hbm>> -> memref<16x128xi32, #tpu.memory_space<hbm>>
      tpu.wait_dma2 semaphore(%run_scoped3A : memref<!tpu.dma_semaphore, #tpu.memory_space<semaphore_mem>>) src(%dma_wait3A_119 : memref<16x128xi32, #tpu.memory_space<hbm>>) dst(%arg11 : memref<16x128xi32, #tpu.memory_space<vmem>>)
      tpu.yield
    }) : () -> ()
    %scan3A_62 = arith.constant 0 : i32
    %scan3A_63 = arith.constant 0 : i32
    %scan3A_64 = arith.constant 16 : i32
    %scan3A_65 = arith.addi %scan3A_63, %scan3A_64 : i32
    %scan3A_66 = arith.constant 1 : i32
    scf.for %scan3A_104 = %scan3A_63 to %scan3A_65 step %scan3A_66  : i32 {
      %get3A = arith.index_cast %scan3A_104 : i32 to index
      %get3A_105 = arith.constant 0 : index
      %get3A_106 = tpu.vector_load %arg10[%get3A, %get3A_105] {strides = array<i32>} : memref<16x128xi32, #tpu.memory_space<vmem>>, vector<16xi32>,
      %get3A_107 = arith.index_cast %scan3A_104 : i32 to index
      %get3A_108 = arith.constant 0 : index
      %get3A_109 = tpu.vector_load %arg11[%get3A_107, %get3A_108] {strides = array<i32>} : memref<16x128xi32, #tpu.memory_space<vmem>>, vector<16xi32>,
      %eq3A = arith.cmpi eq, %get3A_106, %get3A_109 : vector<16xi32>
      %jit3A = arith.constant 10000 : i32
      %broadcast_in_dim3A_110 = vector.broadcast %jit3A : i32 to vector<16xi32>
      %select_n3A = arith.select %eq3A, %broadcast_in_dim3A_110, %get3A_109 : vector<16xi1>, vector<16xi32>
      %swap3A = arith.index_cast %scan3A_104 : i32 to index
      %swap3A_111 = arith.constant 0 : index
      %swap3A_112 = tpu.vector_load %arg11[%swap3A, %swap3A_111] {strides = array<i32>} : memref<16x128xi32, #tpu.memory_space<vmem>>, vector<16xi32>,
      tpu.vector_store %arg11[%swap3A, %swap3A_111], %select_n3A {strides = array<i32>} : memref<16x128xi32, #tpu.memory_space<vmem>>, vector<16xi32>,
      tpu.vector_store_idx %arg12[%select_n3A], %broadcast_in_dim3A_5 {add = true} : memref<10112xf32, #tpu.memory_space<vmem>>[vector<16xi32>], vector<16xf32>,
      %get3A_113 = arith.index_cast %scan3A_104 : i32 to index
      %get3A_114 = arith.constant 16 : index
      %get3A_115 = tpu.vector_load %arg10[%get3A_113, %get3A_114] {strides = array<i32>} : memref<16x128xi32, #tpu.memory_space<vmem>>, vector<16xi32>,
      %get3A_116 = arith.index_cast %scan3A_104 : i32 to index
      %get3A_117 = arith.constant 16 : index
      %get3A_118 = tpu.vector_load %arg11[%get3A_116, %get3A_117] {strides = array<i32>} : memref<16x128xi32, #tpu.memory_space<vmem>>, vector<16xi32>,
      %eq3A_119 = arith.cmpi eq, %get3A_115, %get3A_118 : vector<16xi32>
      %jit3A_120 = arith.constant 10000 : i32
      %broadcast_in_dim3A_121 = vector.broadcast %jit3A_120 : i32 to vector<16xi32>
      %select_n3A_122 = arith.select %eq3A_119, %broadcast_in_dim3A_121, %get3A_118 : vector<16xi1>, vector<16xi32>
      %swap3A_123 = arith.index_cast %scan3A_104 : i32 to index
      %swap3A_124 = arith.constant 16 : index
      %swap3A_125 = tpu.vector_load %arg11[%swap3A_123, %swap3A_124] {strides = array<i32>} : memref<16x128xi32, #tpu.memory_space<vmem>>, vector<16xi32>,
      tpu.vector_store %arg11[%swap3A_123, %swap3A_124], %select_n3A_122 {strides = array<i32>} : memref<16x128xi32, #tpu.memory_space<vmem>>, vector<16xi32>,
      tpu.vector_store_idx %arg12[%select_n3A_122], %broadcast_in_dim3A_5 {add = true} : memref<10112xf32, #tpu.memory_space<vmem>>[vector<16xi32>], vector<16xf32>,
      %get3A_126 = arith.index_cast %scan3A_104 : i32 to index
      %get3A_127 = arith.constant 32 : index
      %get3A_128 = tpu.vector_load %arg10[%get3A_126, %get3A_127] {strides = array<i32>} : memref<16x128xi32, #tpu.memory_space<vmem>>, vector<16xi32>,
      %get3A_129 = arith.index_cast %scan3A_104 : i32 to index
      %get3A_130 = arith.constant 32 : index
      %get3A_131 = tpu.vector_load %arg11[%get3A_129, %get3A_130] {strides = array<i32>} : memref<16x128xi32, #tpu.memory_space<vmem>>, vector<16xi32>,
      %eq3A_132 = arith.cmpi eq, %get3A_128, %get3A_131 : vector<16xi32>
      %jit3A_133 = arith.constant 10000 : i32
      %broadcast_in_dim3A_134 = vector.broadcast %jit3A_133 : i32 to vector<16xi32>
      %select_n3A_135 = arith.select %eq3A_132, %broadcast_in_dim3A_134, %get3A_131 : vector<16xi1>, vector<16xi32>
      %swap3A_136 = arith.index_cast %scan3A_104 : i32 to index
      %swap3A_137 = arith.constant 32 : index
      %swap3A_138 = tpu.vector_load %arg11[%swap3A_136, %swap3A_137] {strides = array<i32>} : memref<16x128xi32, #tpu.memory_space<vmem>>, vector<16xi32>,
      tpu.vector_store %arg11[%swap3A_136, %swap3A_137], %select_n3A_135 {strides = array<i32>} : memref<16x128xi32, #tpu.memory_space<vmem>>, vector<16xi32>,
      tpu.vector_store_idx %arg12[%select_n3A_135], %broadcast_in_dim3A_5 {add = true} : memref<10112xf32, #tpu.memory_space<vmem>>[vector<16xi32>], vector<16xf32>,
      %get3A_139 = arith.index_cast %scan3A_104 : i32 to index
      %get3A_140 = arith.constant 48 : index
      %get3A_141 = tpu.vector_load %arg10[%get3A_139, %get3A_140] {strides = array<i32>} : memref<16x128xi32, #tpu.memory_space<vmem>>, vector<16xi32>,
      %get3A_142 = arith.index_cast %scan3A_104 : i32 to index
      %get3A_143 = arith.constant 48 : index
      %get3A_144 = tpu.vector_load %arg11[%get3A_142, %get3A_143] {strides = array<i32>} : memref<16x128xi32, #tpu.memory_space<vmem>>, vector<16xi32>,
      %eq3A_145 = arith.cmpi eq, %get3A_141, %get3A_144 : vector<16xi32>
      %jit3A_146 = arith.constant 10000 : i32
      %broadcast_in_dim3A_147 = vector.broadcast %jit3A_146 : i32 to vector<16xi32>
      %select_n3A_148 = arith.select %eq3A_145, %broadcast_in_dim3A_147, %get3A_144 : vector<16xi1>, vector<16xi32>
      %swap3A_149 = arith.index_cast %scan3A_104 : i32 to index
      %swap3A_150 = arith.constant 48 : index
      %swap3A_151 = tpu.vector_load %arg11[%swap3A_149, %swap3A_150] {strides = array<i32>} : memref<16x128xi32, #tpu.memory_space<vmem>>, vector<16xi32>,
      tpu.vector_store %arg11[%swap3A_149, %swap3A_150], %select_n3A_148 {strides = array<i32>} : memref<16x128xi32, #tpu.memory_space<vmem>>, vector<16xi32>,
      tpu.vector_store_idx %arg12[%select_n3A_148], %broadcast_in_dim3A_5 {add = true} : memref<10112xf32, #tpu.memory_space<vmem>>[vector<16xi32>], vector<16xf32>,
      %get3A_152 = arith.index_cast %scan3A_104 : i32 to index
      %get3A_153 = arith.constant 64 : index
      %get3A_154 = tpu.vector_load %arg10[%get3A_152, %get3A_153] {strides = array<i32>} : memref<16x128xi32, #tpu.memory_space<vmem>>, vector<16xi32>,
      %get3A_155 = arith.index_cast %scan3A_104 : i32 to index
      %get3A_156 = arith.constant 64 : index
      %get3A_157 = tpu.vector_load %arg11[%get3A_155, %get3A_156] {strides = array<i32>} : memref<16x128xi32, #tpu.memory_space<vmem>>, vector<16xi32>,
      %eq3A_158 = arith.cmpi eq, %get3A_154, %get3A_157 : vector<16xi32>
      %jit3A_159 = arith.constant 10000 : i32
      %broadcast_in_dim3A_160 = vector.broadcast %jit3A_159 : i32 to vector<16xi32>
      %select_n3A_161 = arith.select %eq3A_158, %broadcast_in_dim3A_160, %get3A_157 : vector<16xi1>, vector<16xi32>
      %swap3A_162 = arith.index_cast %scan3A_104 : i32 to index
      %swap3A_163 = arith.constant 64 : index
      %swap3A_164 = tpu.vector_load %arg11[%swap3A_162, %swap3A_163] {strides = array<i32>} : memref<16x128xi32, #tpu.memory_space<vmem>>, vector<16xi32>,
      tpu.vector_store %arg11[%swap3A_162, %swap3A_163], %select_n3A_161 {strides = array<i32>} : memref<16x128xi32, #tpu.memory_space<vmem>>, vector<16xi32>,
      tpu.vector_store_idx %arg12[%select_n3A_161], %broadcast_in_dim3A_5 {add = true} : memref<10112xf32, #tpu.memory_space<vmem>>[vector<16xi32>], vector<16xf32>,
      %get3A_165 = arith.index_cast %scan3A_104 : i32 to index
      %get3A_166 = arith.constant 80 : index
      %get3A_167 = tpu.vector_load %arg10[%get3A_165, %get3A_166] {strides = array<i32>} : memref<16x128xi32, #tpu.memory_space<vmem>>, vector<16xi32>,
      %get3A_168 = arith.index_cast %scan3A_104 : i32 to index
      %get3A_169 = arith.constant 80 : index
      %get3A_170 = tpu.vector_load %arg11[%get3A_168, %get3A_169] {strides = array<i32>} : memref<16x128xi32, #tpu.memory_space<vmem>>, vector<16xi32>,
      %eq3A_171 = arith.cmpi eq, %get3A_167, %get3A_170 : vector<16xi32>
      %jit3A_172 = arith.constant 10000 : i32
      %broadcast_in_dim3A_173 = vector.broadcast %jit3A_172 : i32 to vector<16xi32>
      %select_n3A_174 = arith.select %eq3A_171, %broadcast_in_dim3A_173, %get3A_170 : vector<16xi1>, vector<16xi32>
      %swap3A_175 = arith.index_cast %scan3A_104 : i32 to index
      %swap3A_176 = arith.constant 80 : index
      %swap3A_177 = tpu.vector_load %arg11[%swap3A_175, %swap3A_176] {strides = array<i32>} : memref<16x128xi32, #tpu.memory_space<vmem>>, vector<16xi32>,
      tpu.vector_store %arg11[%swap3A_175, %swap3A_176], %select_n3A_174 {strides = array<i32>} : memref<16x128xi32, #tpu.memory_space<vmem>>, vector<16xi32>,
      tpu.vector_store_idx %arg12[%select_n3A_174], %broadcast_in_dim3A_5 {add = true} : memref<10112xf32, #tpu.memory_space<vmem>>[vector<16xi32>], vector<16xf32>,
      %get3A_178 = arith.index_cast %scan3A_104 : i32 to index
      %get3A_179 = arith.constant 96 : index
      %get3A_180 = tpu.vector_load %arg10[%get3A_178, %get3A_179] {strides = array<i32>} : memref<16x128xi32, #tpu.memory_space<vmem>>, vector<16xi32>,
      %get3A_181 = arith.index_cast %scan3A_104 : i32 to index
      %get3A_182 = arith.constant 96 : index
      %get3A_183 = tpu.vector_load %arg11[%get3A_181, %get3A_182] {strides = array<i32>} : memref<16x128xi32, #tpu.memory_space<vmem>>, vector<16xi32>,
      %eq3A_184 = arith.cmpi eq, %get3A_180, %get3A_183 : vector<16xi32>
      %jit3A_185 = arith.constant 10000 : i32
      %broadcast_in_dim3A_186 = vector.broadcast %jit3A_185 : i32 to vector<16xi32>
      %select_n3A_187 = arith.select %eq3A_184, %broadcast_in_dim3A_186, %get3A_183 : vector<16xi1>, vector<16xi32>
      %swap3A_188 = arith.index_cast %scan3A_104 : i32 to index
      %swap3A_189 = arith.constant 96 : index
      %swap3A_190 = tpu.vector_load %arg11[%swap3A_188, %swap3A_189] {strides = array<i32>} : memref<16x128xi32, #tpu.memory_space<vmem>>, vector<16xi32>,
      tpu.vector_store %arg11[%swap3A_188, %swap3A_189], %select_n3A_187 {strides = array<i32>} : memref<16x128xi32, #tpu.memory_space<vmem>>, vector<16xi32>,
      tpu.vector_store_idx %arg12[%select_n3A_187], %broadcast_in_dim3A_5 {add = true} : memref<10112xf32, #tpu.memory_space<vmem>>[vector<16xi32>], vector<16xf32>,
      %get3A_191 = arith.index_cast %scan3A_104 : i32 to index
      %get3A_192 = arith.constant 112 : index
      %get3A_193 = tpu.vector_load %arg10[%get3A_191, %get3A_192] {strides = array<i32>} : memref<16x128xi32, #tpu.memory_space<vmem>>, vector<16xi32>,
      %get3A_194 = arith.index_cast %scan3A_104 : i32 to index
      %get3A_195 = arith.constant 112 : index
      %get3A_196 = tpu.vector_load %arg11[%get3A_194, %get3A_195] {strides = array<i32>} : memref<16x128xi32, #tpu.memory_space<vmem>>, vector<16xi32>,
      %eq3A_197 = arith.cmpi eq, %get3A_193, %get3A_196 : vector<16xi32>
      %jit3A_198 = arith.constant 10000 : i32
      %broadcast_in_dim3A_199 = vector.broadcast %jit3A_198 : i32 to vector<16xi32>
      %select_n3A_200 = arith.select %eq3A_197, %broadcast_in_dim3A_199, %get3A_196 : vector<16xi1>, vector<16xi32>
      %swap3A_201 = arith.index_cast %scan3A_104 : i32 to index
      %swap3A_202 = arith.constant 112 : index
      %swap3A_203 = tpu.vector_load %arg11[%swap3A_201, %swap3A_202] {strides = array<i32>} : memref<16x128xi32, #tpu.memory_space<vmem>>, vector<16xi32>,
      tpu.vector_store %arg11[%swap3A_201, %swap3A_202], %select_n3A_200 {strides = array<i32>} : memref<16x128xi32, #tpu.memory_space<vmem>>, vector<16xi32>,
      tpu.vector_store_idx %arg12[%select_n3A_200], %broadcast_in_dim3A_5 {add = true} : memref<10112xf32, #tpu.memory_space<vmem>>[vector<16xi32>], vector<16xf32>,
    }
    %scan3A_67 = arith.constant 16 : i32
    %dma_start3A_68 = arith.constant 0 : i32
    %dma_start3A_69 = arith.constant 0 : i32
    %dma_start3A_70 = tpu.memref_slice %arg10[%dma_start3A_68, %dma_start3A_69] : memref<16x128xi32, #tpu.memory_space<vmem>> -> memref<1x128xi32, #tpu.memory_space<vmem>>
    %dma_start3A_71 = tpu.memref_squeeze %dma_start3A_70 : memref<1x128xi32, #tpu.memory_space<vmem>> -> memref<128xi32, #tpu.memory_space<vmem>>
    %dma_start3A_72 = arith.constant 0 : i32
    %dma_start3A_73 = arith.constant 0 : i32
    %dma_start3A_74 = tpu.memref_slice %arg2[%dma_start3A_72, %dma_start3A_73] : memref<10000x128xf32, #tpu.memory_space<hbm>> -> memref<10000x128xf32, #tpu.memory_space<hbm>>
    tpu.enqueue_indirect_dma source(%dma_start3A_74 : memref<10000x128xf32, #tpu.memory_space<hbm>>) target(%arg13 : memref<128x128xf32, #tpu.memory_space<vmem>>) offsets(%dma_start3A_71 : memref<128xi32, #tpu.memory_space<vmem>>) semaphore(%arg16 : memref<!tpu.dma_semaphore, #tpu.memory_space<semaphore_mem>>)
    %scan3A_75 = arith.constant 0 : i32
    %scan3A_76 = arith.constant 0 : i32
    %scan3A_77 = arith.constant 8 : i32
    %scan3A_78 = arith.addi %scan3A_76, %scan3A_77 : i32
    %scan3A_79 = arith.constant 1 : i32
    scf.for %scan3A_104 = %scan3A_76 to %scan3A_78 step %scan3A_79  : i32 {
      %mul3A_105 = arith.constant 2 : i32
      %mul3A_106 = arith.muli %mul3A_105, %scan3A_104 : i32
      %add3A_107 = arith.constant 1 : i32
      %add3A_108 = arith.addi %mul3A_106, %add3A_107 : i32
      %dma_start3A_109 = arith.constant 0 : i32
      %dma_start3A_110 = tpu.memref_slice %arg10[%add3A_108, %dma_start3A_109] : memref<16x128xi32, #tpu.memory_space<vmem>> -> memref<1x128xi32, #tpu.memory_space<vmem>>
      %dma_start3A_111 = tpu.memref_squeeze %dma_start3A_110 : memref<1x128xi32, #tpu.memory_space<vmem>> -> memref<128xi32, #tpu.memory_space<vmem>>
      %dma_start3A_112 = arith.constant 0 : i32
      %dma_start3A_113 = arith.constant 0 : i32
      %dma_start3A_114 = tpu.memref_slice %arg2[%dma_start3A_112, %dma_start3A_113] : memref<10000x128xf32, #tpu.memory_space<hbm>> -> memref<10000x128xf32, #tpu.memory_space<hbm>>
      tpu.enqueue_indirect_dma source(%dma_start3A_114 : memref<10000x128xf32, #tpu.memory_space<hbm>>) target(%arg14 : memref<128x128xf32, #tpu.memory_space<vmem>>) offsets(%dma_start3A_111 : memref<128xi32, #tpu.memory_space<vmem>>) semaphore(%arg17 : memref<!tpu.dma_semaphore, #tpu.memory_space<semaphore_mem>>)
      %dma_wait3A_115 = arith.constant 0 : i32
      %dma_wait3A_116 = tpu.memref_slice %arg10[%mul3A_106, %dma_wait3A_115] : memref<16x128xi32, #tpu.memory_space<vmem>> -> memref<1x128xi32, #tpu.memory_space<vmem>>
      %dma_wait3A_117 = tpu.memref_squeeze %dma_wait3A_116 : memref<1x128xi32, #tpu.memory_space<vmem>> -> memref<128xi32, #tpu.memory_space<vmem>>
      %dma_wait3A_118 = arith.constant 0 : i32
      %dma_wait3A_119 = arith.constant 0 : i32
      %dma_wait3A_120 = tpu.memref_slice %arg2[%dma_wait3A_118, %dma_wait3A_119] : memref<10000x128xf32, #tpu.memory_space<hbm>> -> memref<10000x128xf32, #tpu.memory_space<hbm>>
      tpu.wait_indirect_dma semaphore(%arg16 : memref<!tpu.dma_semaphore, #tpu.memory_space<semaphore_mem>>) src(%dma_wait3A_120 : memref<10000x128xf32, #tpu.memory_space<hbm>>) dst(%arg13 : memref<128x128xf32, #tpu.memory_space<vmem>>)
      "tpu.region"() ({
        %run_scoped3A = tpu.sem_alloc : memref<!tpu.dma_semaphore, #tpu.memory_space<semaphore_mem>>
        %dma_start3A_133 = arith.constant 0 : i32
        %dma_start3A_134 = tpu.memref_slice %arg11[%mul3A_106, %dma_start3A_133] : memref<16x128xi32, #tpu.memory_space<vmem>> -> memref<1x128xi32, #tpu.memory_space<vmem>>
        %dma_start3A_135 = tpu.memref_squeeze %dma_start3A_134 : memref<1x128xi32, #tpu.memory_space<vmem>> -> memref<128xi32, #tpu.memory_space<vmem>>
        %dma_start3A_136 = arith.constant 0 : i32
        %dma_start3A_137 = arith.constant 0 : i32
        %dma_start3A_138 = tpu.memref_slice %arg9[%dma_start3A_136, %dma_start3A_137] : memref<10112x128xf32, #tpu.memory_space<vmem_shared>> -> memref<10112x128xf32, #tpu.memory_space<vmem_shared>>
        tpu.enqueue_indirect_dma source(%arg13 : memref<128x128xf32, #tpu.memory_space<vmem>>) target(%dma_start3A_138 : memref<10112x128xf32, #tpu.memory_space<vmem_shared>>) offsets(%dma_start3A_135 : memref<128xi32, #tpu.memory_space<vmem>>) semaphore(%run_scoped3A : memref<!tpu.dma_semaphore, #tpu.memory_space<semaphore_mem>>) {add = true}
        %dma_wait3A_139 = arith.constant 0 : i32
        %dma_wait3A_140 = tpu.memref_slice %arg11[%mul3A_106, %dma_wait3A_139] : memref<16x128xi32, #tpu.memory_space<vmem>> -> memref<1x128xi32, #tpu.memory_space<vmem>>
        %dma_wait3A_141 = tpu.memref_squeeze %dma_wait3A_140 : memref<1x128xi32, #tpu.memory_space<vmem>> -> memref<128xi32, #tpu.memory_space<vmem>>
        %dma_wait3A_142 = arith.constant 0 : i32
        %dma_wait3A_143 = arith.constant 0 : i32
        %dma_wait3A_144 = tpu.memref_slice %arg9[%dma_wait3A_142, %dma_wait3A_143] : memref<10112x128xf32, #tpu.memory_space<vmem_shared>> -> memref<10112x128xf32, #tpu.memory_space<vmem_shared>>
        tpu.wait_indirect_dma semaphore(%run_scoped3A : memref<!tpu.dma_semaphore, #tpu.memory_space<semaphore_mem>>) src(%arg13 : memref<128x128xf32, #tpu.memory_space<vmem>>) dst(%dma_wait3A_144 : memref<10112x128xf32, #tpu.memory_space<vmem_shared>>)
        tpu.yield
      }) : () -> ()
      %lt3A = arith.constant 7 : i32
      %lt3A_121 = arith.cmpi slt, %scan3A_104, %lt3A : i32
      %convert_element_type3A = arith.extui %lt3A_121 : i1 to i32
      %cond3A = arith.constant 0 : i32
      %cond3A_122 = arith.cmpi ne, %convert_element_type3A, %cond3A : i32
      scf.if %cond3A_122 {
        %add3A_133 = arith.constant 2 : i32
        %add3A_134 = arith.addi %mul3A_106, %add3A_133 : i32
        %dma_start3A_135 = arith.constant 0 : i32
        %dma_start3A_136 = tpu.memref_slice %arg10[%add3A_134, %dma_start3A_135] : memref<16x128xi32, #tpu.memory_space<vmem>> -> memref<1x128xi32, #tpu.memory_space<vmem>>
        %dma_start3A_137 = tpu.memref_squeeze %dma_start3A_136 : memref<1x128xi32, #tpu.memory_space<vmem>> -> memref<128xi32, #tpu.memory_space<vmem>>
        %dma_start3A_138 = arith.constant 0 : i32
        %dma_start3A_139 = arith.constant 0 : i32
        %dma_start3A_140 = tpu.memref_slice %arg2[%dma_start3A_138, %dma_start3A_139] : memref<10000x128xf32, #tpu.memory_space<hbm>> -> memref<10000x128xf32, #tpu.memory_space<hbm>>
        tpu.enqueue_indirect_dma source(%dma_start3A_140 : memref<10000x128xf32, #tpu.memory_space<hbm>>) target(%arg13 : memref<128x128xf32, #tpu.memory_space<vmem>>) offsets(%dma_start3A_137 : memref<128xi32, #tpu.memory_space<vmem>>) semaphore(%arg16 : memref<!tpu.dma_semaphore, #tpu.memory_space<semaphore_mem>>)
      } else {
      }
      %add3A_123 = arith.constant 1 : i32
      %add3A_124 = arith.addi %mul3A_106, %add3A_123 : i32
      %dma_wait3A_125 = arith.constant 0 : i32
      %dma_wait3A_126 = tpu.memref_slice %arg10[%add3A_124, %dma_wait3A_125] : memref<16x128xi32, #tpu.memory_space<vmem>> -> memref<1x128xi32, #tpu.memory_space<vmem>>
      %dma_wait3A_127 = tpu.memref_squeeze %dma_wait3A_126 : memref<1x128xi32, #tpu.memory_space<vmem>> -> memref<128xi32, #tpu.memory_space<vmem>>
      %dma_wait3A_128 = arith.constant 0 : i32
      %dma_wait3A_129 = arith.constant 0 : i32
      %dma_wait3A_130 = tpu.memref_slice %arg2[%dma_wait3A_128, %dma_wait3A_129] : memref<10000x128xf32, #tpu.memory_space<hbm>> -> memref<10000x128xf32, #tpu.memory_space<hbm>>
      tpu.wait_indirect_dma semaphore(%arg17 : memref<!tpu.dma_semaphore, #tpu.memory_space<semaphore_mem>>) src(%dma_wait3A_130 : memref<10000x128xf32, #tpu.memory_space<hbm>>) dst(%arg14 : memref<128x128xf32, #tpu.memory_space<vmem>>)
      %add3A_131 = arith.constant 1 : i32
      %add3A_132 = arith.addi %mul3A_106, %add3A_131 : i32
      "tpu.region"() ({
        %run_scoped3A = tpu.sem_alloc : memref<!tpu.dma_semaphore, #tpu.memory_space<semaphore_mem>>
        %dma_start3A_133 = arith.constant 0 : i32
        %dma_start3A_134 = tpu.memref_slice %arg11[%add3A_132, %dma_start3A_133] : memref<16x128xi32, #tpu.memory_space<vmem>> -> memref<1x128xi32, #tpu.memory_space<vmem>>
        %dma_start3A_135 = tpu.memref_squeeze %dma_start3A_134 : memref<1x128xi32, #tpu.memory_space<vmem>> -> memref<128xi32, #tpu.memory_space<vmem>>
        %dma_start3A_136 = arith.constant 0 : i32
        %dma_start3A_137 = arith.constant 0 : i32
        %dma_start3A_138 = tpu.memref_slice %arg9[%dma_start3A_136, %dma_start3A_137] : memref<10112x128xf32, #tpu.memory_space<vmem_shared>> -> memref<10112x128xf32, #tpu.memory_space<vmem_shared>>
        tpu.enqueue_indirect_dma source(%arg14 : memref<128x128xf32, #tpu.memory_space<vmem>>) target(%dma_start3A_138 : memref<10112x128xf32, #tpu.memory_space<vmem_shared>>) offsets(%dma_start3A_135 : memref<128xi32, #tpu.memory_space<vmem>>) semaphore(%run_scoped3A : memref<!tpu.dma_semaphore, #tpu.memory_space<semaphore_mem>>) {add = true}
        %dma_wait3A_139 = arith.constant 0 : i32
        %dma_wait3A_140 = tpu.memref_slice %arg11[%add3A_132, %dma_wait3A_139] : memref<16x128xi32, #tpu.memory_space<vmem>> -> memref<1x128xi32, #tpu.memory_space<vmem>>
        %dma_wait3A_141 = tpu.memref_squeeze %dma_wait3A_140 : memref<1x128xi32, #tpu.memory_space<vmem>> -> memref<128xi32, #tpu.memory_space<vmem>>
        %dma_wait3A_142 = arith.constant 0 : i32
        %dma_wait3A_143 = arith.constant 0 : i32
        %dma_wait3A_144 = tpu.memref_slice %arg9[%dma_wait3A_142, %dma_wait3A_143] : memref<10112x128xf32, #tpu.memory_space<vmem_shared>> -> memref<10112x128xf32, #tpu.memory_space<vmem_shared>>
        tpu.wait_indirect_dma semaphore(%run_scoped3A : memref<!tpu.dma_semaphore, #tpu.memory_space<semaphore_mem>>) src(%arg14 : memref<128x128xf32, #tpu.memory_space<vmem>>) dst(%dma_wait3A_144 : memref<10112x128xf32, #tpu.memory_space<vmem_shared>>)
        tpu.yield
      }) : () -> ()
    }
    %scan3A_80 = arith.constant 8 : i32
    "tpu.region"() ({
      %run_scoped3A = tpu.sem_alloc : memref<!tpu.dma_semaphore, #tpu.memory_space<semaphore_mem>>
      %dma_start3A_104 = arith.constant 64 : i32
      %dma_start3A_105 = arith.constant 0 : i32
      %dma_start3A_106 = tpu.memref_slice %arg3[%add3A, %dma_start3A_104, %dma_start3A_105] : memref<32x80x128xi32, #tpu.memory_space<hbm>> -> memref<1x16x128xi32, #tpu.memory_space<hbm>>
      %dma_start3A_107 = tpu.memref_squeeze %dma_start3A_106 : memref<1x16x128xi32, #tpu.memory_space<hbm>> -> memref<16x128xi32, #tpu.memory_space<hbm>>
      %dma_start3A_108 = arith.constant 64 : i32
      %dma_start3A_109 = arith.constant 0 : i32
      %dma_start3A_110 = tpu.memref_slice %arg3[%add3A, %dma_start3A_108, %dma_start3A_109] : memref<32x80x128xi32, #tpu.memory_space<hbm>> -> memref<1x16x128xi32, #tpu.memory_space<hbm>>
      %dma_start3A_111 = tpu.memref_squeeze %dma_start3A_110 : memref<1x16x128xi32, #tpu.memory_space<hbm>> -> memref<16x128xi32, #tpu.memory_space<hbm>>
      tpu.enqueue_dma source(%dma_start3A_111 : memref<16x128xi32, #tpu.memory_space<hbm>>) target(%arg10 : memref<16x128xi32, #tpu.memory_space<vmem>>) target_semaphore(%run_scoped3A : memref<!tpu.dma_semaphore, #tpu.memory_space<semaphore_mem>>)
      %dma_wait3A_112 = arith.constant 64 : i32
      %dma_wait3A_113 = arith.constant 0 : i32
      %dma_wait3A_114 = tpu.memref_slice %arg3[%add3A, %dma_wait3A_112, %dma_wait3A_113] : memref<32x80x128xi32, #tpu.memory_space<hbm>> -> memref<1x16x128xi32, #tpu.memory_space<hbm>>
      %dma_wait3A_115 = tpu.memref_squeeze %dma_wait3A_114 : memref<1x16x128xi32, #tpu.memory_space<hbm>> -> memref<16x128xi32, #tpu.memory_space<hbm>>
      %dma_wait3A_116 = arith.constant 64 : i32
      %dma_wait3A_117 = arith.constant 0 : i32
      %dma_wait3A_118 = tpu.memref_slice %arg3[%add3A, %dma_wait3A_116, %dma_wait3A_117] : memref<32x80x128xi32, #tpu.memory_space<hbm>> -> memref<1x16x128xi32, #tpu.memory_space<hbm>>
      %dma_wait3A_119 = tpu.memref_squeeze %dma_wait3A_118 : memref<1x16x128xi32, #tpu.memory_space<hbm>> -> memref<16x128xi32, #tpu.memory_space<hbm>>
      tpu.wait_dma2 semaphore(%run_scoped3A : memref<!tpu.dma_semaphore, #tpu.memory_space<semaphore_mem>>) src(%dma_wait3A_119 : memref<16x128xi32, #tpu.memory_space<hbm>>) dst(%arg10 : memref<16x128xi32, #tpu.memory_space<vmem>>)
      tpu.yield
    }) : () -> ()
    "tpu.region"() ({
      %run_scoped3A = tpu.sem_alloc : memref<!tpu.dma_semaphore, #tpu.memory_space<semaphore_mem>>
      %dma_start3A_104 = arith.constant 64 : i32
      %dma_start3A_105 = arith.constant 0 : i32
      %dma_start3A_106 = tpu.memref_slice %arg4[%add3A, %dma_start3A_104, %dma_start3A_105] : memref<32x80x128xi32, #tpu.memory_space<hbm>> -> memref<1x16x128xi32, #tpu.memory_space<hbm>>
      %dma_start3A_107 = tpu.memref_squeeze %dma_start3A_106 : memref<1x16x128xi32, #tpu.memory_space<hbm>> -> memref<16x128xi32, #tpu.memory_space<hbm>>
      %dma_start3A_108 = arith.constant 64 : i32
      %dma_start3A_109 = arith.constant 0 : i32
      %dma_start3A_110 = tpu.memref_slice %arg4[%add3A, %dma_start3A_108, %dma_start3A_109] : memref<32x80x128xi32, #tpu.memory_space<hbm>> -> memref<1x16x128xi32, #tpu.memory_space<hbm>>
      %dma_start3A_111 = tpu.memref_squeeze %dma_start3A_110 : memref<1x16x128xi32, #tpu.memory_space<hbm>> -> memref<16x128xi32, #tpu.memory_space<hbm>>
      tpu.enqueue_dma source(%dma_start3A_111 : memref<16x128xi32, #tpu.memory_space<hbm>>) target(%arg11 : memref<16x128xi32, #tpu.memory_space<vmem>>) target_semaphore(%run_scoped3A : memref<!tpu.dma_semaphore, #tpu.memory_space<semaphore_mem>>)
      %dma_wait3A_112 = arith.constant 64 : i32
      %dma_wait3A_113 = arith.constant 0 : i32
      %dma_wait3A_114 = tpu.memref_slice %arg4[%add3A, %dma_wait3A_112, %dma_wait3A_113] : memref<32x80x128xi32, #tpu.memory_space<hbm>> -> memref<1x16x128xi32, #tpu.memory_space<hbm>>
      %dma_wait3A_115 = tpu.memref_squeeze %dma_wait3A_114 : memref<1x16x128xi32, #tpu.memory_space<hbm>> -> memref<16x128xi32, #tpu.memory_space<hbm>>
      %dma_wait3A_116 = arith.constant 64 : i32
      %dma_wait3A_117 = arith.constant 0 : i32
      %dma_wait3A_118 = tpu.memref_slice %arg4[%add3A, %dma_wait3A_116, %dma_wait3A_117] : memref<32x80x128xi32, #tpu.memory_space<hbm>> -> memref<1x16x128xi32, #tpu.memory_space<hbm>>
      %dma_wait3A_119 = tpu.memref_squeeze %dma_wait3A_118 : memref<1x16x128xi32, #tpu.memory_space<hbm>> -> memref<16x128xi32, #tpu.memory_space<hbm>>
      tpu.wait_dma2 semaphore(%run_scoped3A : memref<!tpu.dma_semaphore, #tpu.memory_space<semaphore_mem>>) src(%dma_wait3A_119 : memref<16x128xi32, #tpu.memory_space<hbm>>) dst(%arg11 : memref<16x128xi32, #tpu.memory_space<vmem>>)
      tpu.yield
    }) : () -> ()
    %scan3A_81 = arith.constant 0 : i32
    %scan3A_82 = arith.constant 0 : i32
    %scan3A_83 = arith.constant 16 : i32
    %scan3A_84 = arith.addi %scan3A_82, %scan3A_83 : i32
    %scan3A_85 = arith.constant 1 : i32
    scf.for %scan3A_104 = %scan3A_82 to %scan3A_84 step %scan3A_85  : i32 {
      %get3A = arith.index_cast %scan3A_104 : i32 to index
      %get3A_105 = arith.constant 0 : index
      %get3A_106 = tpu.vector_load %arg10[%get3A, %get3A_105] {strides = array<i32>} : memref<16x128xi32, #tpu.memory_space<vmem>>, vector<16xi32>,
      %get3A_107 = arith.index_cast %scan3A_104 : i32 to index
      %get3A_108 = arith.constant 0 : index
      %get3A_109 = tpu.vector_load %arg11[%get3A_107, %get3A_108] {strides = array<i32>} : memref<16x128xi32, #tpu.memory_space<vmem>>, vector<16xi32>,
      %eq3A = arith.cmpi eq, %get3A_106, %get3A_109 : vector<16xi32>
      %jit3A = arith.constant 10000 : i32
      %broadcast_in_dim3A_110 = vector.broadcast %jit3A : i32 to vector<16xi32>
      %select_n3A = arith.select %eq3A, %broadcast_in_dim3A_110, %get3A_109 : vector<16xi1>, vector<16xi32>
      %swap3A = arith.index_cast %scan3A_104 : i32 to index
      %swap3A_111 = arith.constant 0 : index
      %swap3A_112 = tpu.vector_load %arg11[%swap3A, %swap3A_111] {strides = array<i32>} : memref<16x128xi32, #tpu.memory_space<vmem>>, vector<16xi32>,
      tpu.vector_store %arg11[%swap3A, %swap3A_111], %select_n3A {strides = array<i32>} : memref<16x128xi32, #tpu.memory_space<vmem>>, vector<16xi32>,
      tpu.vector_store_idx %arg12[%select_n3A], %broadcast_in_dim3A_5 {add = true} : memref<10112xf32, #tpu.memory_space<vmem>>[vector<16xi32>], vector<16xf32>,
      %get3A_113 = arith.index_cast %scan3A_104 : i32 to index
      %get3A_114 = arith.constant 16 : index
      %get3A_115 = tpu.vector_load %arg10[%get3A_113, %get3A_114] {strides = array<i32>} : memref<16x128xi32, #tpu.memory_space<vmem>>, vector<16xi32>,
      %get3A_116 = arith.index_cast %scan3A_104 : i32 to index
      %get3A_117 = arith.constant 16 : index
      %get3A_118 = tpu.vector_load %arg11[%get3A_116, %get3A_117] {strides = array<i32>} : memref<16x128xi32, #tpu.memory_space<vmem>>, vector<16xi32>,
      %eq3A_119 = arith.cmpi eq, %get3A_115, %get3A_118 : vector<16xi32>
      %jit3A_120 = arith.constant 10000 : i32
      %broadcast_in_dim3A_121 = vector.broadcast %jit3A_120 : i32 to vector<16xi32>
      %select_n3A_122 = arith.select %eq3A_119, %broadcast_in_dim3A_121, %get3A_118 : vector<16xi1>, vector<16xi32>
      %swap3A_123 = arith.index_cast %scan3A_104 : i32 to index
      %swap3A_124 = arith.constant 16 : index
      %swap3A_125 = tpu.vector_load %arg11[%swap3A_123, %swap3A_124] {strides = array<i32>} : memref<16x128xi32, #tpu.memory_space<vmem>>, vector<16xi32>,
      tpu.vector_store %arg11[%swap3A_123, %swap3A_124], %select_n3A_122 {strides = array<i32>} : memref<16x128xi32, #tpu.memory_space<vmem>>, vector<16xi32>,
      tpu.vector_store_idx %arg12[%select_n3A_122], %broadcast_in_dim3A_5 {add = true} : memref<10112xf32, #tpu.memory_space<vmem>>[vector<16xi32>], vector<16xf32>,
      %get3A_126 = arith.index_cast %scan3A_104 : i32 to index
      %get3A_127 = arith.constant 32 : index
      %get3A_128 = tpu.vector_load %arg10[%get3A_126, %get3A_127] {strides = array<i32>} : memref<16x128xi32, #tpu.memory_space<vmem>>, vector<16xi32>,
      %get3A_129 = arith.index_cast %scan3A_104 : i32 to index
      %get3A_130 = arith.constant 32 : index
      %get3A_131 = tpu.vector_load %arg11[%get3A_129, %get3A_130] {strides = array<i32>} : memref<16x128xi32, #tpu.memory_space<vmem>>, vector<16xi32>,
      %eq3A_132 = arith.cmpi eq, %get3A_128, %get3A_131 : vector<16xi32>
      %jit3A_133 = arith.constant 10000 : i32
      %broadcast_in_dim3A_134 = vector.broadcast %jit3A_133 : i32 to vector<16xi32>
      %select_n3A_135 = arith.select %eq3A_132, %broadcast_in_dim3A_134, %get3A_131 : vector<16xi1>, vector<16xi32>
      %swap3A_136 = arith.index_cast %scan3A_104 : i32 to index
      %swap3A_137 = arith.constant 32 : index
      %swap3A_138 = tpu.vector_load %arg11[%swap3A_136, %swap3A_137] {strides = array<i32>} : memref<16x128xi32, #tpu.memory_space<vmem>>, vector<16xi32>,
      tpu.vector_store %arg11[%swap3A_136, %swap3A_137], %select_n3A_135 {strides = array<i32>} : memref<16x128xi32, #tpu.memory_space<vmem>>, vector<16xi32>,
      tpu.vector_store_idx %arg12[%select_n3A_135], %broadcast_in_dim3A_5 {add = true} : memref<10112xf32, #tpu.memory_space<vmem>>[vector<16xi32>], vector<16xf32>,
      %get3A_139 = arith.index_cast %scan3A_104 : i32 to index
      %get3A_140 = arith.constant 48 : index
      %get3A_141 = tpu.vector_load %arg10[%get3A_139, %get3A_140] {strides = array<i32>} : memref<16x128xi32, #tpu.memory_space<vmem>>, vector<16xi32>,
      %get3A_142 = arith.index_cast %scan3A_104 : i32 to index
      %get3A_143 = arith.constant 48 : index
      %get3A_144 = tpu.vector_load %arg11[%get3A_142, %get3A_143] {strides = array<i32>} : memref<16x128xi32, #tpu.memory_space<vmem>>, vector<16xi32>,
      %eq3A_145 = arith.cmpi eq, %get3A_141, %get3A_144 : vector<16xi32>
      %jit3A_146 = arith.constant 10000 : i32
      %broadcast_in_dim3A_147 = vector.broadcast %jit3A_146 : i32 to vector<16xi32>
      %select_n3A_148 = arith.select %eq3A_145, %broadcast_in_dim3A_147, %get3A_144 : vector<16xi1>, vector<16xi32>
      %swap3A_149 = arith.index_cast %scan3A_104 : i32 to index
      %swap3A_150 = arith.constant 48 : index
      %swap3A_151 = tpu.vector_load %arg11[%swap3A_149, %swap3A_150] {strides = array<i32>} : memref<16x128xi32, #tpu.memory_space<vmem>>, vector<16xi32>,
      tpu.vector_store %arg11[%swap3A_149, %swap3A_150], %select_n3A_148 {strides = array<i32>} : memref<16x128xi32, #tpu.memory_space<vmem>>, vector<16xi32>,
      tpu.vector_store_idx %arg12[%select_n3A_148], %broadcast_in_dim3A_5 {add = true} : memref<10112xf32, #tpu.memory_space<vmem>>[vector<16xi32>], vector<16xf32>,
      %get3A_152 = arith.index_cast %scan3A_104 : i32 to index
      %get3A_153 = arith.constant 64 : index
      %get3A_154 = tpu.vector_load %arg10[%get3A_152, %get3A_153] {strides = array<i32>} : memref<16x128xi32, #tpu.memory_space<vmem>>, vector<16xi32>,
      %get3A_155 = arith.index_cast %scan3A_104 : i32 to index
      %get3A_156 = arith.constant 64 : index
      %get3A_157 = tpu.vector_load %arg11[%get3A_155, %get3A_156] {strides = array<i32>} : memref<16x128xi32, #tpu.memory_space<vmem>>, vector<16xi32>,
      %eq3A_158 = arith.cmpi eq, %get3A_154, %get3A_157 : vector<16xi32>
      %jit3A_159 = arith.constant 10000 : i32
      %broadcast_in_dim3A_160 = vector.broadcast %jit3A_159 : i32 to vector<16xi32>
      %select_n3A_161 = arith.select %eq3A_158, %broadcast_in_dim3A_160, %get3A_157 : vector<16xi1>, vector<16xi32>
      %swap3A_162 = arith.index_cast %scan3A_104 : i32 to index
      %swap3A_163 = arith.constant 64 : index
      %swap3A_164 = tpu.vector_load %arg11[%swap3A_162, %swap3A_163] {strides = array<i32>} : memref<16x128xi32, #tpu.memory_space<vmem>>, vector<16xi32>,
      tpu.vector_store %arg11[%swap3A_162, %swap3A_163], %select_n3A_161 {strides = array<i32>} : memref<16x128xi32, #tpu.memory_space<vmem>>, vector<16xi32>,
      tpu.vector_store_idx %arg12[%select_n3A_161], %broadcast_in_dim3A_5 {add = true} : memref<10112xf32, #tpu.memory_space<vmem>>[vector<16xi32>], vector<16xf32>,
      %get3A_165 = arith.index_cast %scan3A_104 : i32 to index
      %get3A_166 = arith.constant 80 : index
      %get3A_167 = tpu.vector_load %arg10[%get3A_165, %get3A_166] {strides = array<i32>} : memref<16x128xi32, #tpu.memory_space<vmem>>, vector<16xi32>,
      %get3A_168 = arith.index_cast %scan3A_104 : i32 to index
      %get3A_169 = arith.constant 80 : index
      %get3A_170 = tpu.vector_load %arg11[%get3A_168, %get3A_169] {strides = array<i32>} : memref<16x128xi32, #tpu.memory_space<vmem>>, vector<16xi32>,
      %eq3A_171 = arith.cmpi eq, %get3A_167, %get3A_170 : vector<16xi32>
      %jit3A_172 = arith.constant 10000 : i32
      %broadcast_in_dim3A_173 = vector.broadcast %jit3A_172 : i32 to vector<16xi32>
      %select_n3A_174 = arith.select %eq3A_171, %broadcast_in_dim3A_173, %get3A_170 : vector<16xi1>, vector<16xi32>
      %swap3A_175 = arith.index_cast %scan3A_104 : i32 to index
      %swap3A_176 = arith.constant 80 : index
      %swap3A_177 = tpu.vector_load %arg11[%swap3A_175, %swap3A_176] {strides = array<i32>} : memref<16x128xi32, #tpu.memory_space<vmem>>, vector<16xi32>,
      tpu.vector_store %arg11[%swap3A_175, %swap3A_176], %select_n3A_174 {strides = array<i32>} : memref<16x128xi32, #tpu.memory_space<vmem>>, vector<16xi32>,
      tpu.vector_store_idx %arg12[%select_n3A_174], %broadcast_in_dim3A_5 {add = true} : memref<10112xf32, #tpu.memory_space<vmem>>[vector<16xi32>], vector<16xf32>,
      %get3A_178 = arith.index_cast %scan3A_104 : i32 to index
      %get3A_179 = arith.constant 96 : index
      %get3A_180 = tpu.vector_load %arg10[%get3A_178, %get3A_179] {strides = array<i32>} : memref<16x128xi32, #tpu.memory_space<vmem>>, vector<16xi32>,
      %get3A_181 = arith.index_cast %scan3A_104 : i32 to index
      %get3A_182 = arith.constant 96 : index
      %get3A_183 = tpu.vector_load %arg11[%get3A_181, %get3A_182] {strides = array<i32>} : memref<16x128xi32, #tpu.memory_space<vmem>>, vector<16xi32>,
      %eq3A_184 = arith.cmpi eq, %get3A_180, %get3A_183 : vector<16xi32>
      %jit3A_185 = arith.constant 10000 : i32
      %broadcast_in_dim3A_186 = vector.broadcast %jit3A_185 : i32 to vector<16xi32>
      %select_n3A_187 = arith.select %eq3A_184, %broadcast_in_dim3A_186, %get3A_183 : vector<16xi1>, vector<16xi32>
      %swap3A_188 = arith.index_cast %scan3A_104 : i32 to index
      %swap3A_189 = arith.constant 96 : index
      %swap3A_190 = tpu.vector_load %arg11[%swap3A_188, %swap3A_189] {strides = array<i32>} : memref<16x128xi32, #tpu.memory_space<vmem>>, vector<16xi32>,
      tpu.vector_store %arg11[%swap3A_188, %swap3A_189], %select_n3A_187 {strides = array<i32>} : memref<16x128xi32, #tpu.memory_space<vmem>>, vector<16xi32>,
      tpu.vector_store_idx %arg12[%select_n3A_187], %broadcast_in_dim3A_5 {add = true} : memref<10112xf32, #tpu.memory_space<vmem>>[vector<16xi32>], vector<16xf32>,
      %get3A_191 = arith.index_cast %scan3A_104 : i32 to index
      %get3A_192 = arith.constant 112 : index
      %get3A_193 = tpu.vector_load %arg10[%get3A_191, %get3A_192] {strides = array<i32>} : memref<16x128xi32, #tpu.memory_space<vmem>>, vector<16xi32>,
      %get3A_194 = arith.index_cast %scan3A_104 : i32 to index
      %get3A_195 = arith.constant 112 : index
      %get3A_196 = tpu.vector_load %arg11[%get3A_194, %get3A_195] {strides = array<i32>} : memref<16x128xi32, #tpu.memory_space<vmem>>, vector<16xi32>,
      %eq3A_197 = arith.cmpi eq, %get3A_193, %get3A_196 : vector<16xi32>
      %jit3A_198 = arith.constant 10000 : i32
      %broadcast_in_dim3A_199 = vector.broadcast %jit3A_198 : i32 to vector<16xi32>
      %select_n3A_200 = arith.select %eq3A_197, %broadcast_in_dim3A_199, %get3A_196 : vector<16xi1>, vector<16xi32>
      %swap3A_201 = arith.index_cast %scan3A_104 : i32 to index
      %swap3A_202 = arith.constant 112 : index
      %swap3A_203 = tpu.vector_load %arg11[%swap3A_201, %swap3A_202] {strides = array<i32>} : memref<16x128xi32, #tpu.memory_space<vmem>>, vector<16xi32>,
      tpu.vector_store %arg11[%swap3A_201, %swap3A_202], %select_n3A_200 {strides = array<i32>} : memref<16x128xi32, #tpu.memory_space<vmem>>, vector<16xi32>,
      tpu.vector_store_idx %arg12[%select_n3A_200], %broadcast_in_dim3A_5 {add = true} : memref<10112xf32, #tpu.memory_space<vmem>>[vector<16xi32>], vector<16xf32>,
    }
    %scan3A_86 = arith.constant 16 : i32
    %dma_start3A_87 = arith.constant 0 : i32
    %dma_start3A_88 = arith.constant 0 : i32
    %dma_start3A_89 = tpu.memref_slice %arg10[%dma_start3A_87, %dma_start3A_88] : memref<16x128xi32, #tpu.memory_space<vmem>> -> memref<1x128xi32, #tpu.memory_space<vmem>>
    %dma_start3A_90 = tpu.memref_squeeze %dma_start3A_89 : memref<1x128xi32, #tpu.memory_space<vmem>> -> memref<128xi32, #tpu.memory_space<vmem>>
    %dma_start3A_91 = arith.constant 0 : i32
    %dma_start3A_92 = arith.constant 0 : i32
    %dma_start3A_93 = tpu.memref_slice %arg2[%dma_start3A_91, %dma_start3A_92] : memref<10000x128xf32, #tpu.memory_space<hbm>> -> memref<10000x128xf32, #tpu.memory_space<hbm>>
    tpu.enqueue_indirect_dma source(%dma_start3A_93 : memref<10000x128xf32, #tpu.memory_space<hbm>>) target(%arg13 : memref<128x128xf32, #tpu.memory_space<vmem>>) offsets(%dma_start3A_90 : memref<128xi32, #tpu.memory_space<vmem>>) semaphore(%arg16 : memref<!tpu.dma_semaphore, #tpu.memory_space<semaphore_mem>>)
    %scan3A_94 = arith.constant 0 : i32
    %scan3A_95 = arith.constant 0 : i32
    %scan3A_96 = arith.constant 8 : i32
    %scan3A_97 = arith.addi %scan3A_95, %scan3A_96 : i32
    %scan3A_98 = arith.constant 1 : i32
    scf.for %scan3A_104 = %scan3A_95 to %scan3A_97 step %scan3A_98  : i32 {
      %mul3A_105 = arith.constant 2 : i32
      %mul3A_106 = arith.muli %mul3A_105, %scan3A_104 : i32
      %add3A_107 = arith.constant 1 : i32
      %add3A_108 = arith.addi %mul3A_106, %add3A_107 : i32
      %dma_start3A_109 = arith.constant 0 : i32
      %dma_start3A_110 = tpu.memref_slice %arg10[%add3A_108, %dma_start3A_109] : memref<16x128xi32, #tpu.memory_space<vmem>> -> memref<1x128xi32, #tpu.memory_space<vmem>>
      %dma_start3A_111 = tpu.memref_squeeze %dma_start3A_110 : memref<1x128xi32, #tpu.memory_space<vmem>> -> memref<128xi32, #tpu.memory_space<vmem>>
      %dma_start3A_112 = arith.constant 0 : i32
      %dma_start3A_113 = arith.constant 0 : i32
      %dma_start3A_114 = tpu.memref_slice %arg2[%dma_start3A_112, %dma_start3A_113] : memref<10000x128xf32, #tpu.memory_space<hbm>> -> memref<10000x128xf32, #tpu.memory_space<hbm>>
      tpu.enqueue_indirect_dma source(%dma_start3A_114 : memref<10000x128xf32, #tpu.memory_space<hbm>>) target(%arg14 : memref<128x128xf32, #tpu.memory_space<vmem>>) offsets(%dma_start3A_111 : memref<128xi32, #tpu.memory_space<vmem>>) semaphore(%arg17 : memref<!tpu.dma_semaphore, #tpu.memory_space<semaphore_mem>>)
      %dma_wait3A_115 = arith.constant 0 : i32
      %dma_wait3A_116 = tpu.memref_slice %arg10[%mul3A_106, %dma_wait3A_115] : memref<16x128xi32, #tpu.memory_space<vmem>> -> memref<1x128xi32, #tpu.memory_space<vmem>>
      %dma_wait3A_117 = tpu.memref_squeeze %dma_wait3A_116 : memref<1x128xi32, #tpu.memory_space<vmem>> -> memref<128xi32, #tpu.memory_space<vmem>>
      %dma_wait3A_118 = arith.constant 0 : i32
      %dma_wait3A_119 = arith.constant 0 : i32
      %dma_wait3A_120 = tpu.memref_slice %arg2[%dma_wait3A_118, %dma_wait3A_119] : memref<10000x128xf32, #tpu.memory_space<hbm>> -> memref<10000x128xf32, #tpu.memory_space<hbm>>
      tpu.wait_indirect_dma semaphore(%arg16 : memref<!tpu.dma_semaphore, #tpu.memory_space<semaphore_mem>>) src(%dma_wait3A_120 : memref<10000x128xf32, #tpu.memory_space<hbm>>) dst(%arg13 : memref<128x128xf32, #tpu.memory_space<vmem>>)
      "tpu.region"() ({
        %run_scoped3A = tpu.sem_alloc : memref<!tpu.dma_semaphore, #tpu.memory_space<semaphore_mem>>
        %dma_start3A_133 = arith.constant 0 : i32
        %dma_start3A_134 = tpu.memref_slice %arg11[%mul3A_106, %dma_start3A_133] : memref<16x128xi32, #tpu.memory_space<vmem>> -> memref<1x128xi32, #tpu.memory_space<vmem>>
        %dma_start3A_135 = tpu.memref_squeeze %dma_start3A_134 : memref<1x128xi32, #tpu.memory_space<vmem>> -> memref<128xi32, #tpu.memory_space<vmem>>
        %dma_start3A_136 = arith.constant 0 : i32
        %dma_start3A_137 = arith.constant 0 : i32
        %dma_start3A_138 = tpu.memref_slice %arg9[%dma_start3A_136, %dma_start3A_137] : memref<10112x128xf32, #tpu.memory_space<vmem_shared>> -> memref<10112x128xf32, #tpu.memory_space<vmem_shared>>
        tpu.enqueue_indirect_dma source(%arg13 : memref<128x128xf32, #tpu.memory_space<vmem>>) target(%dma_start3A_138 : memref<10112x128xf32, #tpu.memory_space<vmem_shared>>) offsets(%dma_start3A_135 : memref<128xi32, #tpu.memory_space<vmem>>) semaphore(%run_scoped3A : memref<!tpu.dma_semaphore, #tpu.memory_space<semaphore_mem>>) {add = true}
        %dma_wait3A_139 = arith.constant 0 : i32
        %dma_wait3A_140 = tpu.memref_slice %arg11[%mul3A_106, %dma_wait3A_139] : memref<16x128xi32, #tpu.memory_space<vmem>> -> memref<1x128xi32, #tpu.memory_space<vmem>>
        %dma_wait3A_141 = tpu.memref_squeeze %dma_wait3A_140 : memref<1x128xi32, #tpu.memory_space<vmem>> -> memref<128xi32, #tpu.memory_space<vmem>>
        %dma_wait3A_142 = arith.constant 0 : i32
        %dma_wait3A_143 = arith.constant 0 : i32
        %dma_wait3A_144 = tpu.memref_slice %arg9[%dma_wait3A_142, %dma_wait3A_143] : memref<10112x128xf32, #tpu.memory_space<vmem_shared>> -> memref<10112x128xf32, #tpu.memory_space<vmem_shared>>
        tpu.wait_indirect_dma semaphore(%run_scoped3A : memref<!tpu.dma_semaphore, #tpu.memory_space<semaphore_mem>>) src(%arg13 : memref<128x128xf32, #tpu.memory_space<vmem>>) dst(%dma_wait3A_144 : memref<10112x128xf32, #tpu.memory_space<vmem_shared>>)
        tpu.yield
      }) : () -> ()
      %lt3A = arith.constant 7 : i32
      %lt3A_121 = arith.cmpi slt, %scan3A_104, %lt3A : i32
      %convert_element_type3A = arith.extui %lt3A_121 : i1 to i32
      %cond3A = arith.constant 0 : i32
      %cond3A_122 = arith.cmpi ne, %convert_element_type3A, %cond3A : i32
      scf.if %cond3A_122 {
        %add3A_133 = arith.constant 2 : i32
        %add3A_134 = arith.addi %mul3A_106, %add3A_133 : i32
        %dma_start3A_135 = arith.constant 0 : i32
        %dma_start3A_136 = tpu.memref_slice %arg10[%add3A_134, %dma_start3A_135] : memref<16x128xi32, #tpu.memory_space<vmem>> -> memref<1x128xi32, #tpu.memory_space<vmem>>
        %dma_start3A_137 = tpu.memref_squeeze %dma_start3A_136 : memref<1x128xi32, #tpu.memory_space<vmem>> -> memref<128xi32, #tpu.memory_space<vmem>>
        %dma_start3A_138 = arith.constant 0 : i32
        %dma_start3A_139 = arith.constant 0 : i32
        %dma_start3A_140 = tpu.memref_slice %arg2[%dma_start3A_138, %dma_start3A_139] : memref<10000x128xf32, #tpu.memory_space<hbm>> -> memref<10000x128xf32, #tpu.memory_space<hbm>>
        tpu.enqueue_indirect_dma source(%dma_start3A_140 : memref<10000x128xf32, #tpu.memory_space<hbm>>) target(%arg13 : memref<128x128xf32, #tpu.memory_space<vmem>>) offsets(%dma_start3A_137 : memref<128xi32, #tpu.memory_space<vmem>>) semaphore(%arg16 : memref<!tpu.dma_semaphore, #tpu.memory_space<semaphore_mem>>)
      } else {
      }
      %add3A_123 = arith.constant 1 : i32
      %add3A_124 = arith.addi %mul3A_106, %add3A_123 : i32
      %dma_wait3A_125 = arith.constant 0 : i32
      %dma_wait3A_126 = tpu.memref_slice %arg10[%add3A_124, %dma_wait3A_125] : memref<16x128xi32, #tpu.memory_space<vmem>> -> memref<1x128xi32, #tpu.memory_space<vmem>>
      %dma_wait3A_127 = tpu.memref_squeeze %dma_wait3A_126 : memref<1x128xi32, #tpu.memory_space<vmem>> -> memref<128xi32, #tpu.memory_space<vmem>>
      %dma_wait3A_128 = arith.constant 0 : i32
      %dma_wait3A_129 = arith.constant 0 : i32
      %dma_wait3A_130 = tpu.memref_slice %arg2[%dma_wait3A_128, %dma_wait3A_129] : memref<10000x128xf32, #tpu.memory_space<hbm>> -> memref<10000x128xf32, #tpu.memory_space<hbm>>
      tpu.wait_indirect_dma semaphore(%arg17 : memref<!tpu.dma_semaphore, #tpu.memory_space<semaphore_mem>>) src(%dma_wait3A_130 : memref<10000x128xf32, #tpu.memory_space<hbm>>) dst(%arg14 : memref<128x128xf32, #tpu.memory_space<vmem>>)
      %add3A_131 = arith.constant 1 : i32
      %add3A_132 = arith.addi %mul3A_106, %add3A_131 : i32
      "tpu.region"() ({
        %run_scoped3A = tpu.sem_alloc : memref<!tpu.dma_semaphore, #tpu.memory_space<semaphore_mem>>
        %dma_start3A_133 = arith.constant 0 : i32
        %dma_start3A_134 = tpu.memref_slice %arg11[%add3A_132, %dma_start3A_133] : memref<16x128xi32, #tpu.memory_space<vmem>> -> memref<1x128xi32, #tpu.memory_space<vmem>>
        %dma_start3A_135 = tpu.memref_squeeze %dma_start3A_134 : memref<1x128xi32, #tpu.memory_space<vmem>> -> memref<128xi32, #tpu.memory_space<vmem>>
        %dma_start3A_136 = arith.constant 0 : i32
        %dma_start3A_137 = arith.constant 0 : i32
        %dma_start3A_138 = tpu.memref_slice %arg9[%dma_start3A_136, %dma_start3A_137] : memref<10112x128xf32, #tpu.memory_space<vmem_shared>> -> memref<10112x128xf32, #tpu.memory_space<vmem_shared>>
        tpu.enqueue_indirect_dma source(%arg14 : memref<128x128xf32, #tpu.memory_space<vmem>>) target(%dma_start3A_138 : memref<10112x128xf32, #tpu.memory_space<vmem_shared>>) offsets(%dma_start3A_135 : memref<128xi32, #tpu.memory_space<vmem>>) semaphore(%run_scoped3A : memref<!tpu.dma_semaphore, #tpu.memory_space<semaphore_mem>>) {add = true}
        %dma_wait3A_139 = arith.constant 0 : i32
        %dma_wait3A_140 = tpu.memref_slice %arg11[%add3A_132, %dma_wait3A_139] : memref<16x128xi32, #tpu.memory_space<vmem>> -> memref<1x128xi32, #tpu.memory_space<vmem>>
        %dma_wait3A_141 = tpu.memref_squeeze %dma_wait3A_140 : memref<1x128xi32, #tpu.memory_space<vmem>> -> memref<128xi32, #tpu.memory_space<vmem>>
        %dma_wait3A_142 = arith.constant 0 : i32
        %dma_wait3A_143 = arith.constant 0 : i32
        %dma_wait3A_144 = tpu.memref_slice %arg9[%dma_wait3A_142, %dma_wait3A_143] : memref<10112x128xf32, #tpu.memory_space<vmem_shared>> -> memref<10112x128xf32, #tpu.memory_space<vmem_shared>>
        tpu.wait_indirect_dma semaphore(%run_scoped3A : memref<!tpu.dma_semaphore, #tpu.memory_space<semaphore_mem>>) src(%arg14 : memref<128x128xf32, #tpu.memory_space<vmem>>) dst(%dma_wait3A_144 : memref<10112x128xf32, #tpu.memory_space<vmem_shared>>)
        tpu.yield
      }) : () -> ()
    }
    %scan3A_99 = arith.constant 8 : i32
    %barrier3A_100 = arith.constant 0 : index
    tpu.barrier barrier_id(%barrier3A_100)
    %mul3A_101 = arith.constant 10112 : i32
    %mul3A_102 = arith.muli %arg0, %mul3A_101 : i32
    %add3A_103 = arith.addi %mul3A_102, %mul3A_2 : i32
    "tpu.region"() ({
      %run_scoped3A = tpu.sem_alloc : memref<!tpu.dma_semaphore, #tpu.memory_space<semaphore_mem>>
      %dma_start3A_104 = arith.constant 0 : i32
      %dma_start3A_105 = tpu.memref_slice %arg7[%add3A_103, %dma_start3A_104] : memref<20224x128xf32, #tpu.memory_space<hbm>> -> memref<632x128xf32, #tpu.memory_space<hbm>>
      %dma_start3A_106 = arith.constant 0 : i32
      %dma_start3A_107 = tpu.memref_slice %arg9[%mul3A_2, %dma_start3A_106] : memref<10112x128xf32, #tpu.memory_space<vmem_shared>> -> memref<632x128xf32, #tpu.memory_space<vmem_shared>>
      tpu.enqueue_dma source(%dma_start3A_107 : memref<632x128xf32, #tpu.memory_space<vmem_shared>>) target(%dma_start3A_105 : memref<632x128xf32, #tpu.memory_space<hbm>>) target_semaphore(%run_scoped3A : memref<!tpu.dma_semaphore, #tpu.memory_space<semaphore_mem>>)
      %dma_wait3A_108 = arith.constant 0 : i32
      %dma_wait3A_109 = tpu.memref_slice %arg7[%add3A_103, %dma_wait3A_108] : memref<20224x128xf32, #tpu.memory_space<hbm>> -> memref<632x128xf32, #tpu.memory_space<hbm>>
      %dma_wait3A_110 = arith.constant 0 : i32
      %dma_wait3A_111 = tpu.memref_slice %arg9[%mul3A_2, %dma_wait3A_110] : memref<10112x128xf32, #tpu.memory_space<vmem_shared>> -> memref<632x128xf32, #tpu.memory_space<vmem_shared>>
      tpu.wait_dma2 semaphore(%run_scoped3A : memref<!tpu.dma_semaphore, #tpu.memory_space<semaphore_mem>>) src(%dma_wait3A_111 : memref<632x128xf32, #tpu.memory_space<vmem_shared>>) dst(%dma_wait3A_109 : memref<632x128xf32, #tpu.memory_space<hbm>>)
      tpu.yield
    }) : () -> ()
    "tpu.region"() ({
      %run_scoped3A = tpu.sem_alloc : memref<!tpu.dma_semaphore, #tpu.memory_space<semaphore_mem>>
      %dma_start3A_104 = arith.constant 0 : i32
      %dma_start3A_105 = tpu.memref_slice %arg8[%add3A, %dma_start3A_104] : memref<32x10112xf32, #tpu.memory_space<hbm>> -> memref<1x10112xf32, #tpu.memory_space<hbm>>
      %dma_start3A_106 = tpu.memref_squeeze %dma_start3A_105 : memref<1x10112xf32, #tpu.memory_space<hbm>> -> memref<10112xf32, #tpu.memory_space<hbm>>
      %dma_start3A_107 = arith.constant 0 : i32
      %dma_start3A_108 = tpu.memref_slice %arg8[%add3A, %dma_start3A_107] : memref<32x10112xf32, #tpu.memory_space<hbm>> -> memref<1x10112xf32, #tpu.memory_space<hbm>>
      %dma_start3A_109 = tpu.memref_squeeze %dma_start3A_108 : memref<1x10112xf32, #tpu.memory_space<hbm>> -> memref<10112xf32, #tpu.memory_space<hbm>>
      tpu.enqueue_dma source(%arg12 : memref<10112xf32, #tpu.memory_space<vmem>>) target(%dma_start3A_109 : memref<10112xf32, #tpu.memory_space<hbm>>) target_semaphore(%run_scoped3A : memref<!tpu.dma_semaphore, #tpu.memory_space<semaphore_mem>>)
      %dma_wait3A_110 = arith.constant 0 : i32
      %dma_wait3A_111 = tpu.memref_slice %arg8[%add3A, %dma_wait3A_110] : memref<32x10112xf32, #tpu.memory_space<hbm>> -> memref<1x10112xf32, #tpu.memory_space<hbm>>
      %dma_wait3A_112 = tpu.memref_squeeze %dma_wait3A_111 : memref<1x10112xf32, #tpu.memory_space<hbm>> -> memref<10112xf32, #tpu.memory_space<hbm>>
      %dma_wait3A_113 = arith.constant 0 : i32
      %dma_wait3A_114 = tpu.memref_slice %arg8[%add3A, %dma_wait3A_113] : memref<32x10112xf32, #tpu.memory_space<hbm>> -> memref<1x10112xf32, #tpu.memory_space<hbm>>
      %dma_wait3A_115 = tpu.memref_squeeze %dma_wait3A_114 : memref<1x10112xf32, #tpu.memory_space<hbm>> -> memref<10112xf32, #tpu.memory_space<hbm>>
      tpu.wait_dma2 semaphore(%run_scoped3A : memref<!tpu.dma_semaphore, #tpu.memory_space<semaphore_mem>>) src(%arg12 : memref<10112xf32, #tpu.memory_space<vmem>>) dst(%dma_wait3A_115 : memref<10112xf32, #tpu.memory_space<hbm>>)
      tpu.yield
    }) : () -> ()
    return
  }
}

module attributes {stable_mosaic.version = 14 : i64} {
  func.func @_norm_body(%arg0: memref<10000x128xf32, #tpu.memory_space<vmem>>, %arg1: memref<10000x128xf32, #tpu.memory_space<vmem>>) attributes {dimension_semantics = [], scalar_prefetch = 0 : i64, scratch_operands = 0 : i64, tpu.core_type = #tpu.core_type<tc>} {
    %get3A = arith.constant 0 : index
    %get3A_0 = arith.constant 0 : index
    %get3A_1 = vector.load %arg0[%get3A, %get3A_0] : memref<10000x128xf32, #tpu.memory_space<vmem>>, vector<10000x128xf32>
    %mul3A = arith.mulf %get3A_1, %get3A_1 : vector<10000x128xf32>
    %reduce_sum3A = arith.constant dense<0.000000e+00> : vector<10000xf32>
    %reduce_sum3A_2 = vector.multi_reduction <add>, %mul3A, %reduce_sum3A [1] : vector<10000x128xf32> to vector<10000xf32>
    %broadcast_in_dim3A = vector.shape_cast %reduce_sum3A_2 : vector<10000xf32> to vector<10000x1xf32>
    %sqrt3A = math.sqrt %broadcast_in_dim3A : vector<10000x1xf32>
    %max3A = arith.constant 9.99999993E-9 : f32
    %max3A_3 = vector.broadcast %max3A : f32 to vector<10000x1xf32>
    %max3A_4 = arith.maximumf %sqrt3A, %max3A_3 : vector<10000x1xf32>
    %div3A = arith.constant 1.000000e+00 : f32
    %div3A_5 = vector.broadcast %div3A : f32 to vector<10000x1xf32>
    %div3A_6 = arith.divf %div3A_5, %max3A_4 : vector<10000x1xf32>
    %mul3A_7 = vector.broadcast %div3A_6 : vector<10000x1xf32> to vector<10000x128xf32>
    %mul3A_8 = arith.mulf %get3A_1, %mul3A_7 : vector<10000x128xf32>
    %swap3A = arith.constant 0 : index
    %swap3A_9 = arith.constant 0 : index
    %swap3A_10 = vector.load %arg1[%swap3A, %swap3A_9] : memref<10000x128xf32, #tpu.memory_space<vmem>>, vector<10000x128xf32>
    tpu.vector_store %arg1[%swap3A, %swap3A_9], %mul3A_8 {strides = array<i32>} : memref<10000x128xf32, #tpu.memory_space<vmem>>, vector<10000x128xf32>,
    return
  }
}

module attributes {stable_mosaic.version = 14 : i64} {
  func.func @_final_body(%arg0: memref<10000x128xf32, #tpu.memory_space<vmem>>, %arg1: memref<20224x128xf32, #tpu.memory_space<vmem>>, %arg2: memref<32x10112xf32, #tpu.memory_space<vmem>>, %arg3: memref<10000xf32, #tpu.memory_space<vmem>>) attributes {dimension_semantics = [], scalar_prefetch = 0 : i64, scratch_operands = 0 : i64, tpu.core_type = #tpu.core_type<tc>} {
    %get3A = arith.constant 0 : index
    %get3A_0 = arith.constant 0 : index
    %get3A_1 = vector.load %arg1[%get3A, %get3A_0] : memref<20224x128xf32, #tpu.memory_space<vmem>>, vector<10000x128xf32>
    %get3A_2 = arith.constant 10112 : index
    %get3A_3 = arith.constant 0 : index
    %get3A_4 = vector.load %arg1[%get3A_2, %get3A_3] : memref<20224x128xf32, #tpu.memory_space<vmem>>, vector<10000x128xf32>
    %add3A = arith.addf %get3A_1, %get3A_4 : vector<10000x128xf32>
    %get3A_5 = arith.constant 0 : index
    %get3A_6 = arith.constant 0 : index
    %get3A_7 = vector.load %arg0[%get3A_5, %get3A_6] : memref<10000x128xf32, #tpu.memory_space<vmem>>, vector<10000x128xf32>
    %mul3A = arith.mulf %get3A_7, %add3A : vector<10000x128xf32>
    %reduce_sum3A = arith.constant dense<0.000000e+00> : vector<10000xf32>
    %reduce_sum3A_8 = vector.multi_reduction <add>, %mul3A, %reduce_sum3A [1] : vector<10000x128xf32> to vector<10000xf32>
    %get3A_9 = arith.constant 0 : index
    %get3A_10 = arith.constant 0 : index
    %get3A_11 = vector.load %arg2[%get3A_9, %get3A_10] : memref<32x10112xf32, #tpu.memory_space<vmem>>, vector<32x10112xf32>
    %reduce_sum3A_12 = arith.constant dense<0.000000e+00> : vector<10112xf32>
    %reduce_sum3A_13 = vector.multi_reduction <add>, %get3A_11, %reduce_sum3A_12 [0] : vector<32x10112xf32> to vector<10112xf32>
    %slice3A = vector.extract_strided_slice %reduce_sum3A_13 {offsets = [0], sizes = [10000], strides = [1]} : vector<10112xf32> to vector<10000xf32>
    %gt3A = arith.constant 0.000000e+00 : f32
    %gt3A_14 = vector.broadcast %gt3A : f32 to vector<10000xf32>
    %gt3A_15 = arith.cmpf ogt, %slice3A, %gt3A_14 : vector<10000xf32>
    %max3A = arith.constant 1.000000e+00 : f32
    %max3A_16 = vector.broadcast %max3A : f32 to vector<10000xf32>
    %max3A_17 = arith.maximumf %slice3A, %max3A_16 : vector<10000xf32>
    %div3A = arith.divf %reduce_sum3A_8, %max3A_17 : vector<10000xf32>
    %jit3A = arith.constant 0.000000e+00 : f32
    %broadcast_in_dim3A = vector.broadcast %jit3A : f32 to vector<10000xf32>
    %select_n3A = arith.select %gt3A_15, %div3A, %broadcast_in_dim3A : vector<10000xi1>, vector<10000xf32>
    %swap3A = arith.constant 0 : index
    %swap3A_18 = vector.load %arg3[%swap3A] : memref<10000xf32, #tpu.memory_space<vmem>>, vector<10000xf32>
    tpu.vector_store %arg3[%swap3A], %select_n3A {strides = array<i32>} : memref<10000xf32, #tpu.memory_space<vmem>>, vector<10000xf32>,
    return
  }
}

</mosaic_0001>

<sc_bundles>
// kernel: kernel.5.cloned.1.call-start
scs
__scs_entry_jumppad:
0x0: {  	(pc) =	sbr.rel $0x88, $3  }
0x1: {  	(tag) =	ssettag $0x0;
	lr =	simm.s32 $0x1  }
0x2: {  	[smem:$0x3F9F] =	sst lr;
	_ =	strace $0xD0000000  }
0x3: {  	_ = 	snop  }
0x4: {  	_ = 	snop  }
0x5: {  	_ = 	snop  }
0x6: {  	_ = 	snop  }
0x7: {  	_ = 	snop  }
__scs_overlays_trampoline_lowered:
0x8: {  	[smem:$0x3FAE] =	sst s0  }
0x9: {  	[smem:$0x3FAF] =	sst s1  }
0xa: {  	[smem:$0x3FB0] =	sst s2  }
0xb: {  	[smem:$0x3FB1] =	sst s3  }
0xc: {  	[smem:$0x3FB2] =	sst s4  }
0xd: {  	[smem:$0x3FB3] =	sst s5  }
0xe: {  	[smem:$0x3FB4] =	sst s6  }
0xf: {  	[smem:$0x3FB5] =	sst s7  }
0x10: {  	[smem:$0x3FB6] =	sst s8  }
0x11: {  	[smem:$0x3FB7] =	sst s9;
	s0 =	simm.s32 @!p0 $0x0  }
0x12: {  	s1 =	sld [smem:$0x3F9D];
	s0 =	simm.s32 @p0 $0x1  }
0x13: {  	[smem:$0x3FB8] =	sst s0;
	s0 =	simm.s32 @!p1 $0x0  }
0x14: {  	s2 =	sld [smem:$0x3F9C];
	s0 =	simm.s32 @p1 $0x1  }
0x15: {  	[smem:$0x3FB9] =	sst s0;
	s0 =	simm.s32 @!p2 $0x0  }
0x16: {  	s3 =	sld [smem:$0x3FDB];
	s0 =	simm.s32 @p2 $0x1  }
0x17: {  	s4 =	simm.s32 $0x1BF5;
	[smem:$0x3FBB] =	sst s0  }
0x18: {  	s0 =	sld [smem:$0x3F9E];
	_ =	swait.ge [sflag:s4], $0x0  }
0x19: {  	s7 =	sld [smem:$0x3F9F]  }
0x1a: {  	s8 =	sadd.s32 $0xFFFFE003, lr  }
0x1b: {  	s9 =	sadd.s32 $0xFFFFFEF7, lr;
	s5 =	simm.s32 $0xFFFFFFFF;
	p2 =	slt.u32 s8, $0xFFFFF086  }
0x1c: {  	p1 =	slt.u32 s9, $0xF7A;
	s5 =	simm.s32 @!p2 $0x0  }
0x1d: {  	s5 =	simm.s32 @p1 $0x1;
	p0 =	seq.s32 s7, s2  }
0x1e: {  	s7 =	smul.u32 @!p0 $0xF7A, s2;
	p2 =	seq.s32 @!p0 s5, $0x0  }
0x1f: {  	s9 =	smul.u32 $0xF7A, s1;
	s8 =	simm.s32 @!p0 $0x1BF5;
	p2 =	por !p2, p0  }
0x20: {  	[sflag:s8] =	ssyncset.s32 @!p0 $0xFFFFF086;
	s6 =	sadd.s32 @!p0 s3, s7;
	s7 =	simm.s32 @!p0 $0x108  }
0x21: {  	s3 =	sadd.s32 s3, s9;
	s6 =	sadd.s32 @!p0 $0x88, s6;
	s7 =	simm.s32 @p2 $0x1082  }
0x22: {  	[simem:s7], [sflag:s8] =	dma.local @!p0 [hbm:s6], $0xF7A  }
0x23: {  	s9 =	sor.u32 $0xD0000000, s2;
	s6 =	simm.s32 $0x108;
	_ =	swait.ge @!p0 [sflag:s8], $0x0  }
0x24: {  	s3 =	sadd.s32 $0x88, s3;
	s6 =	simm.s32 @!p1 $0x1082;
	[sflag:s4] =	ssyncset.s32 $0xFFFFF086  }
0x25: {  	[simem:s6], [sflag:s4] =	dma.local [hbm:s3], $0xF7A  }
0x26: {  	[smem:$0x3F9F] =	sst s1;
	(tag) =	ssettag s2;
	_ =	strace s9  }
0x27: {  	s1 =	sld [smem:$0x3FAF]  }
0x28: {  	s2 =	sld [smem:$0x3FB0]  }
0x29: {  	s4 =	sld [smem:$0x3FB2]  }
0x2a: {  	p0 =	seq.s32 s5, $0x0;
	s5 =	sld [smem:$0x3FB3]  }
0x2b: {  	s6 =	sld [smem:$0x3FB4]  }
0x2c: {  	s7 =	sld [smem:$0x3FB5]  }
0x2d: {  	s3 =	simm.s32 $0x108;
	s8 =	sld [smem:$0x3FB6]  }
0x2e: {  	s3 =	simm.s32 @!p0 $0x1082;
	s9 =	sld [smem:$0x3FB7]  }
0x2f: {  	lr =	sadd.s32 s0, s3;
	s0 =	sld [smem:$0x3FAE]  }
0x30: {  	s3 =	sld [smem:$0x3FB1]  }
0x31: {  	[smem:$0x3FBA] =	sst s10  }
0x32: {  	s10 =	sld [smem:$0x3FB8];
	_ =	sdelay $0x3  }
0x33: {  	p0 =	seq.s32 s10, $0x1;
	s10 =	sld [smem:$0x3FBA];
	_ =	sdelay $0x3  }
0x34: {  	[smem:$0x3FBA] =	sst s10  }
0x35: {  	s10 =	sld [smem:$0x3FB9];
	_ =	sdelay $0x3  }
0x36: {  	p1 =	seq.s32 s10, $0x1;
	s10 =	sld [smem:$0x3FBA];
	_ =	sdelay $0x3  }
0x37: {  	[smem:$0x3FBA] =	sst s10  }
0x38: {  	s10 =	sld [smem:$0x3FBB]  }
0x39: {  	_ = 	snop;
	(pc) =	sbr.ind lr, $3  }
0x3a: {  	_ = 	snop  }
0x3b: {  	_ = 	snop  }
0x3c: {  	p2 =	seq.s32 s10, $0x1;
	s10 =	sld [smem:$0x3FBA]  }
0x3d: {  	_ =	shalt  }
0x3e: {  	_ =	shalt  }
0x3f: {  	_ =	shalt  }
0x40: {  	_ =	shalt  }
0x41: {  	_ =	shalt  }
0x42: {  	_ =	shalt  }
0x43: {  	_ =	shalt  }
0x44: {  	_ =	shalt  }
0x45: {  	_ =	shalt  }
0x46: {  	_ =	shalt  }
0x47: {  	_ =	shalt  }
0x48: {  	_ =	shalt  }
0x49: {  	_ =	shalt  }
0x4a: {  	_ =	shalt  }
0x4b: {  	_ =	shalt  }
0x4c: {  	_ =	shalt  }
0x4d: {  	_ =	shalt  }
0x4e: {  	_ =	shalt  }
0x4f: {  	_ =	shalt  }
0x50: {  	_ =	shalt  }
0x51: {  	_ =	shalt  }
0x52: {  	_ =	shalt  }
0x53: {  	_ =	shalt  }
0x54: {  	_ =	shalt  }
0x55: {  	_ =	shalt  }
0x56: {  	_ =	shalt  }
0x57: {  	_ =	shalt  }
0x58: {  	_ =	shalt  }
0x59: {  	_ =	shalt  }
0x5a: {  	_ =	shalt  }
0x5b: {  	_ =	shalt  }
0x5c: {  	_ =	shalt  }
0x5d: {  	_ =	shalt  }
0x5e: {  	_ =	shalt  }
0x5f: {  	_ =	shalt  }
0x60: {  	_ =	shalt  }
0x61: {  	_ =	shalt  }
0x62: {  	_ =	shalt  }
0x63: {  	_ =	shalt  }
0x64: {  	_ =	shalt  }
0x65: {  	_ =	shalt  }
0x66: {  	_ =	shalt  }
0x67: {  	_ =	shalt  }
0x68: {  	_ =	shalt  }
0x69: {  	_ =	shalt  }
0x6a: {  	_ =	shalt  }
0x6b: {  	_ =	shalt  }
0x6c: {  	_ =	shalt  }
0x6d: {  	_ =	shalt  }
0x6e: {  	_ =	shalt  }
0x6f: {  	_ =	shalt  }
0x70: {  	_ =	shalt  }
0x71: {  	_ =	shalt  }
0x72: {  	_ =	shalt  }
0x73: {  	_ =	shalt  }
0x74: {  	_ =	shalt  }
0x75: {  	_ =	shalt  }
0x76: {  	_ =	shalt  }
0x77: {  	_ =	shalt  }
0x78: {  	_ =	shalt  }
0x79: {  	_ =	shalt  }
0x7a: {  	_ =	shalt  }
0x7b: {  	_ =	shalt  }
0x7c: {  	_ =	shalt  }
0x7d: {  	_ =	shalt  }
0x7e: {  	_ =	shalt  }
0x7f: {  	_ =	shalt  }
0x80: {  	_ =	shalt  }
0x81: {  	_ =	shalt  }
0x82: {  	_ =	shalt  }
0x83: {  	_ =	shalt  }
0x84: {  	_ =	shalt  }
0x85: {  	_ =	shalt  }
0x86: {  	_ =	shalt  }
0x87: {  	_ =	shalt  }
.Lfunc_end0:
.L_simem_size_0:
called_computation_lowered:
.L_overlay_start_0:
0x88: {  	s2 =	sld [smem:$0x3FD9]  }
0x89: {  	s3 =	sld [smem:$0x3FFE];
	_ =	sdelay $0x1  }
0x8a: {  	s1 =	srdreg.scid  }
0x8b: {  	s0 =	sand.u32 $0x1, s1  }
0x8c: {  	s17 =	sshll.u32 s0, $0xA;
	s2 =	sadd.s32 s3, s2  }
0x8d: {  	s2 =	sadd.s32 s2, s17  }
0x8e: {  	[smem:$0x3FC6] =	sst s2  }
0x8f: {  	_ = 	snop  }
0x90: {  	s2 =	sld [smem:$0x3FD0];
	(tm) =	ssettm $0x1  }
0x91: {  	s18 =	sld [smem:$0x3FFB];
	_ =	sdelay $0x3  }
0x92: {  	_ =	strace s18  }
0x93: {  	s3 =	sld [smem:$0x3FFC];
	_ =	sdelay $0x3  }
0x94: {  	_ =	strace s3  }
0x95: {  	s3 =	sld [smem:$0x3FFD];
	_ =	sdelay $0x3  }
0x96: {  	_ =	strace s3  }
0x97: {  	_ =	strace $0x8FFFFFFF  }
0x98: {  	s19 =	sld [smem:$0x3FDB];
	_ =	sdelay $0x1  }
0x99: {  	s4 =	simm.s32 $_scs_section_size  }
0x9a: {  	s5 =	simm.s32 $_size__tile_overlayer_lowered;
	s6 =	simm.s32 $_tile_overlayer_lowered  }
0x9b: {  	s22 =	simm.s32 $0x1BFF;
	s21 =	sshll.u32 s6, $0x1;
	s3 =	sadd.s32 s4, s19  }
0x9c: {  	s7 =	simm.s32 $0x0;
	s20 =	sshll.u32 s5, $0x1;
	s5 =	sadd.s32 s21, s3  }
0x9d: {  	[timem:s7], [sflag:s22] =	dma.local [hbm:s5], s20  }
0x9e: {  	_ =	swait.ge [sflag:s22], s20  }
0x9f: {  	s4 =	ssub.s32 $0x0, s20;
	[sflag:s22] =	ssyncset.done $0x0  }
0xa0: {  	[sflag:s22] =	ssyncadd.s32 s4;
	_ =	sdelay $0x1  }
0xa1: {  	s23 =	simm.s32 $0x1B8B  }
0xa2: {  	_ =	swait.ge [sflag:s23], $0x1  }
0xa3: {  	[sflag:s23] =	ssyncset.done $0x0  }
0xa4: {  	s25 =	simm.s32 $0x1B8E;
	s24 =	sld [smem:$0x3FFE];
	[sflag:s23] =	ssyncadd.s32 $0xFFFFFFFF  }
0xa5: {  	s26 =	simm.s32 $execute0_lowered;
	[smem:$0x3FD2] =	sst s25  }
0xa6: {  	s5 =	sshll.u32 s26, $0x1;
	_ =	strace $0x80000046;
	[dreg:$0x1] =	wrdreg $0xFFFFFFFF  }
0xa7: {  	s28 =	simm.s32 $_size_execute0_lowered;
	s3 =	sadd.s32 s3, s5;
	[dreg:$0x0] =	wrdreg $0x0  }
0xa8: {  	s5 =	sshll.u32 s28, $0x1;
	[dreg:$0x2] =	wrdreg s3  }
0xa9: {  	[dreg:$0x3] =	wrdreg s5  }
0xaa: {  	[dreg:$0x4] =	wrdreg $0xC0  }
0xab: {  	_ =	task [dreg:s7], $0x5FFFF  }
0xac: {  	[dreg:$0x1] =	wrdreg $0xFFFFFFFF  }
0xad: {  	[dreg:$0x0] =	wrdreg $0x60  }
0xae: {  	[dreg:$0x2] =	wrdreg s24  }
0xaf: {  	[dreg:$0x3] =	wrdreg s2  }
0xb0: {  	[dreg:$0x4] =	wrdreg $0x0  }
0xb1: {  	[dreg:$0x5] =	wrdreg $0x9  }
0xb2: {  	_ =	task.clear_ibuf [dreg:s7], $0x6FFFF;
	_ =	strace $0x90000046  }
0xb3: {  	s29 =	simm.s32 $0x9;
	_ =	strace $0x80000048  }
0xb4: {  	_ =	swait.ge [sflag:s29], $0x1  }
0xb5: {  	[sflag:s29] =	ssyncadd.s32 $0xFFFFFFFF  }
0xb6: {  	_ =	strace $0x90000048  }
0xb7: {  	_ =	sfence  }
0xb8: {  	s30 =	sld [smem:$0x0];
	_ =	sdelay $0x2  }
0xb9: {  	s31 =	sshll.u32 s1, $0xD;
	s1 =	sshrl.u32 s1, $0x2  }
0xba: {  	s3 =	sand.u32 $0x4000, s31;
	s1 =	sadd.s32 s1, s30  }
0xbb: {  	s0 =	sor.u32 s3, s0;
	s1 =	sshll.u32 s1, $0x11  }
0xbc: {  	s0 =	sor.u32 s1, s0  }
0xbd: {  	s0 =	sadd.s32 $0x8F2B, s0  }
0xbe: {  	[sflag:s0] =	ssyncadd.remote.s32 $0x1  }
0xbf: {  	_ =	sfence.sel $0xFFFF  }
0xc0: {  	[dreg:$0x0] =	wrdreg $0xFFFFFFFF;
	(pc) =	sbr.abs _section_cstart, $3  }
0xc1: {  	[dreg:$0x1] =	wrdreg $0xFFFFFFFF  }
0xc2: {  	_ =	task.clear_ibuf [dreg:s7], $0x2FFFF;
	_ =	strace $0x9FFFFFFF  }
0xc3: {  	(tm) =	ssettm $0x7FFFFFFF  }
tec
execute0_lowered:
.L_overlay_start_1:
0x0: {  	(tag) =	ssettag $0x1  }
0x1: {  	s0 =	rddreg [dreg:$0x0]  }
0x2: {  	s2 =	rddreg [dreg:$0x2]  }
0x3: {  	s1 =	simm.s32 $0x0;
	s23 =	srdreg.scid;
	s11 =	stileid.u32  }
0x4: {  	s28 =	simm.s32 $0x14400;
	s29 =	simm.s32 $0x80;
	s30 =	simm.s32 $0x17380  }
0x5: {  	s31 =	simm.s32 $0x14900;
	[smem:$0x7FF] =	sst s1;
	s5 =	sadd.s32 $0x15000, s0  }
0x6: {  	s1 =	sand.u32 $0x1, s23;
	s3 =	smul.u32 $0x2780, s11;
	s4 =	sadd.s32 $0xB000, s0  }
0x7: {  	s7 =	sshll.u32 s11, $0x1;
	s8 =	sadd.s32 $0x1000, s0;
	s9 =	sshrl.u32 s11, $0x2  }
0x8: {  	s10 =	sadd.s32 $0x3C200, s0;
	s26 =	smul.u32 $0x4F000, s11;
	s14 =	sshll.u32 s11, $0x6  }
0x9: {  	s11 =	simm.s32 $0x14300;
	_ =	strace $0x80000047;
	s6 =	smul.u32 $0x27800, s1  }
0xa: {  	s7 =	sor.u32 s1, s7;
	s24 =	smul.u32 $0x13C00, s9;
	[dreg:$0x4] =	wrdreg s10  }
0xb: {  	s1 =	ssub.s32 $0x2, s1;
	[dreg:$0x6] =	wrdreg s14;
	s16 =	sor.u32 $0x1C01, s14  }
0xc: {  	s10 =	simm.s32 $0x14A00;
	s14 =	simm.s32 $0x14B00;
	s25 =	sshll.u32 s7, $0x7  }
0xd: {  	s12 =	sshrl.u32 s1, $0x1;
	s7 =	smul.u32 $0x2800, s7;
	s13 =	sshrl.u32 s26, $0x2  }
0xe: {  	[dreg:$0x7] =	wrdreg s16;
	s16 =	simm.s32 $0x0;
	s3 =	sadd.s32 s3, s6  }
0xf: {  	s9 =	sand.u32 $0x380, s25;
	s1 =	ssub.s32 s1, s12;
	s12 =	simm.s32 $0x14A80  }
0x10: {  	s3 =	sadd.s32 s3, s0;
	s15 =	sshrl.u32 s7, $0x3;
	s26 =	smax.u32 s1, $0x1  }
0x11: {  	s6 =	sor.u32 s24, s9;
	s17 =	sadd.s32 s4, s15;
	[dreg:$0x14] =	wrdreg s26  }
0x12: {  	s6 =	sshrl.u32 s6, $0x3;
	s19 =	sadd.s32 s8, s15;
	[dreg:$0x8] =	wrdreg s17  }
0x13: {  	s18 =	sadd.s32 $0x100, s15;
	s3 =	sadd.s32 $0x3EA00, s3;
	[dreg:$0x9] =	wrdreg s19  }
0x14: {  	s0 =	sadd.s32 s6, s0;
	s6 =	sadd.s32 s13, s2;
	[dreg:$0x12] =	wrdreg s3  }
0x15: {  	s1 =	simm.s32 $0x14200;
	s20 =	sadd.s32 s4, s18;
	[dreg:$0x5] =	wrdreg s6  }
0x16: {  	s21 =	sadd.s32 $0x200, s15;
	s7 =	sadd.s32 s8, s18;
	[dreg:$0xa] =	wrdreg s20  }
0x17: {  	s23 =	sadd.s32 $0x300, s15;
	s22 =	sadd.s32 s4, s21;
	[dreg:$0xb] =	wrdreg s7  }
0x18: {  	s26 =	simm.s32 $0x13C00;
	s9 =	sadd.s32 s8, s21;
	[dreg:$0xc] =	wrdreg s22  }
0x19: {  	s24 =	sadd.s32 s4, s23;
	s3 =	simm.s32 $0x2;
	[dreg:$0xd] =	wrdreg s9  }
0x1a: {  	s21 =	simm.s32 $0x14080;
	s13 =	simm.s32 $0x14380;
	[dreg:$0xe] =	wrdreg s24  }
0x1b: {  	s6 =	sadd.s32 $0x400, s15;
	s7 =	sadd.s32 s8, s23;
	s0 =	sadd.s32 $0x8DA00, s0  }
0x1c: {  	s23 =	simm.s32 $0x14C00;
	s24 =	simm.s32 $0x4;
	s20 =	simm.s32 $0x14780  }
0x1d: {  	s22 =	simm.s32 $0x14800;
	s9 =	simm.s32 $0x14280;
	s15 =	simm.s32 $0x14B80  }
0x1e: {  	[dreg:$0xf] =	wrdreg s7;
	s4 =	sadd.s32 s4, s6;
	s25 =	sadd.s32 s8, s6  }
0x1f: {  	[dreg:$0x13] =	wrdreg s0;
	s0 =	simm.s32 $0x1B380;
	s6 =	simm.s32 $0x3  }
0x20: {  	s8 =	simm.s32 $0x14100;
	s7 =	simm.s32 $0x14980;
	[dreg:$0x10] =	wrdreg s4  }
0x21: {  	v0 =	vimm.f32 $1.000000000e+00;
	[dreg:$0x11] =	wrdreg s25;
	s4 =	simm.s32 $0x14880;
	s25 =	simm.s32 $0x14180  }
.LBB2_1:
0x22: {  	s17 =	rddreg [dreg:$0x5]  }
0x23: {  	s18 =	rddreg [dreg:$0x4]  }
0x24: {  	s19 =	rddreg [dreg:$0x7];
	s17 =	sshrl.u32 s17, $0x3  }
0x25: {  	[spmem:s17], [sflag:s19] =	dma.local [hbm:s18], $0x2780  }
0x26: {  	s19 =	simm.s32 $0x0;
	s18 =	rddreg [dreg:$0x1]  }
0x27: {  	[tilespmem:s23], [sflag:$0x4] =	stream.linear.gather [hbm4b:s18+s19], $0x2780, $0x38;
	[tilespmem:$0x1F380] =	vst v63  }
0x28: {  	_ =	swait.ge [sflag:s24], $0x2780  }
0x29: {  	[sflag:s24] =	ssyncset.done $0x0  }
0x2a: {  	s18 =	simm.s32 $0x1;
	[sflag:s24] =	ssyncadd.s32 $0xFFFFD880  }
0x2b: {  	_ =	swait.ge [sflag:s18], $0x2780  }
0x2c: {  	[sflag:s18] =	ssyncset.done $0x0  }
0x2d: {  	[sflag:s18] =	ssyncadd.s32 $0xFFFFD880  }
0x2e: {  	[bflag:$0x0] =	sbarrier.arrive $0xFFFF  }
0x2f: {  	s18 =	rddreg [dreg:$0x8]  }
0x30: {  	[tilespmem:s26], [sflag:$0x4] =	stream.linear.gather [hbm4b:s18+s19], $0x800, $0x38;
	[tilespmem:$0x1F380] =	vst v63  }
0x31: {  	_ =	swait.ge [sflag:s24], $0x800  }
0x32: {  	[sflag:s24] =	ssyncset.done $0x0  }
0x33: {  	s18 =	rddreg [dreg:$0x9];
	[sflag:s24] =	ssyncadd.s32 $0xFFFFF800  }
0x34: {  	[tilespmem:s28], [sflag:$0x4] =	stream.linear.gather [hbm4b:s18+s19], $0x800, $0x38;
	[tilespmem:$0x1F380] =	vst v63  }
0x35: {  	_ =	swait.ge [sflag:s24], $0x800  }
0x36: {  	[sflag:s24] =	ssyncset.done $0x0  }
0x37: {  	s18 =	simm.s32 $0x0;
	[sflag:s24] =	ssyncadd.s32 $0xFFFFF800  }
.LBB2_2:
0x38: {  	s19 =	sshra.s32 s18, $0x2  }
0x39: {  	v1 =	vld [tilespmem:s19+$0x13C00]  }
0x3a: {  	v2 =	vld [tilespmem:s19+$0x14400];
	_ =	sdelay $0x4  }
0x3b: {  	vm0 =	veq.s32 v1, v2  }
0x3c: {  	v1 =	vsel vm0, $0x2710, v2;
	_ =	sdelay $0x3  }
0x3d: {  	[tilespmem:s19+$0x14400] =	vst v1  }
0x3e: {  	[tilespmem:v1+s23+$0x0] =	vst.idx.add.f32.msk $0xffff, v0  }
0x3f: {  	v1 =	vld [tilespmem:s19+$0x13C10]  }
0x40: {  	v2 =	vld [tilespmem:s19+$0x14410];
	_ =	sdelay $0x4  }
0x41: {  	vm9 =	veq.s32 v1, v2  }
0x42: {  	v1 =	vsel vm9, $0x2710, v2;
	_ =	sdelay $0x3  }
0x43: {  	[tilespmem:s19+$0x14410] =	vst v1  }
0x44: {  	[tilespmem:v1+s23+$0x0] =	vst.idx.add.f32.msk $0xffff, v0  }
0x45: {  	v1 =	vld [tilespmem:s19+$0x13C20]  }
0x46: {  	v2 =	vld [tilespmem:s19+$0x14420];
	_ =	sdelay $0x4  }
0x47: {  	vm10 =	veq.s32 v1, v2  }
0x48: {  	v1 =	vsel vm10, $0x2710, v2;
	_ =	sdelay $0x3  }
0x49: {  	[tilespmem:s19+$0x14420] =	vst v1  }
0x4a: {  	[tilespmem:v1+s23+$0x0] =	vst.idx.add.f32.msk $0xffff, v0  }
0x4b: {  	v1 =	vld [tilespmem:s19+$0x13C30]  }
0x4c: {  	v2 =	vld [tilespmem:s19+$0x14430];
	_ =	sdelay $0x4  }
0x4d: {  	vm11 =	veq.s32 v1, v2  }
0x4e: {  	v1 =	vsel vm11, $0x2710, v2;
	_ =	sdelay $0x3  }
0x4f: {  	[tilespmem:s19+$0x14430] =	vst v1  }
0x50: {  	[tilespmem:v1+s23+$0x0] =	vst.idx.add.f32.msk $0xffff, v0  }
0x51: {  	v1 =	vld [tilespmem:s19+$0x13C40]  }
0x52: {  	v2 =	vld [tilespmem:s19+$0x14440];
	_ =	sdelay $0x4  }
0x53: {  	vm12 =	veq.s32 v1, v2  }
0x54: {  	v1 =	vsel vm12, $0x2710, v2;
	_ =	sdelay $0x3  }
0x55: {  	[tilespmem:s19+$0x14440] =	vst v1  }
0x56: {  	[tilespmem:v1+s23+$0x0] =	vst.idx.add.f32.msk $0xffff, v0  }
0x57: {  	v1 =	vld [tilespmem:s19+$0x13C50]  }
0x58: {  	v2 =	vld [tilespmem:s19+$0x14450];
	_ =	sdelay $0x4  }
0x59: {  	vm13 =	veq.s32 v1, v2  }
0x5a: {  	v1 =	vsel vm13, $0x2710, v2;
	_ =	sdelay $0x3  }
0x5b: {  	[tilespmem:s19+$0x14450] =	vst v1  }
0x5c: {  	[tilespmem:v1+s23+$0x0] =	vst.idx.add.f32.msk $0xffff, v0  }
0x5d: {  	v1 =	vld [tilespmem:s19+$0x13C60]  }
0x5e: {  	v2 =	vld [tilespmem:s19+$0x14460];
	_ =	sdelay $0x4  }
0x5f: {  	vm14 =	veq.s32 v1, v2  }
0x60: {  	v1 =	vsel vm14, $0x2710, v2;
	_ =	sdelay $0x3  }
0x61: {  	[tilespmem:s19+$0x14460] =	vst v1  }
0x62: {  	[tilespmem:v1+s23+$0x0] =	vst.idx.add.f32.msk $0xffff, v0  }
0x63: {  	v1 =	vld [tilespmem:s19+$0x13C70]  }
0x64: {  	v2 =	vld [tilespmem:s19+$0x14470];
	_ =	sdelay $0x4  }
0x65: {  	vm15 =	veq.s32 v1, v2  }
0x66: {  	p0 =	sne.s32 s18, $0x1E00;
	v1 =	vsel vm15, $0x2710, v2  }
.Ltmp0:
0x67: {  	_ = 	snop;
	(pc) =	sbr.rel @p0 .LBB2_2-.Ltmp0, $3  }
0x68: {  	_ =	sdelay $0x1  }
0x69: {  	[tilespmem:s19+$0x14470] =	vst v1  }
0x6a: {  	s18 =	sadd.s32 $0x200, s18;
	[tilespmem:v1+s23+$0x0] =	vst.idx.add.f32.msk $0xffff, v0  }
0x6b: {  	[tilespmem:s30], [sflag:$0x2] =	stream.indirect.gather [hbm4b:s5+s29], $0x80, s26, s29, $0xb8;
	[tilespmem:$0x1F380] =	vst v63  }
0x6c: {  	s18 =	simm.s32 $0x13C80  }
0x6d: {  	[tilespmem:s0], [sflag:$0x3] =	stream.indirect.gather [hbm4b:s5+s29], $0x80, s18, s29, $0xb8;
	[tilespmem:$0x1F380] =	vst v63  }
0x6e: {  	_ =	swait.ge [sflag:s3], $0x4000  }
0x6f: {  	[sflag:s3] =	ssyncset.done $0x0  }
0x70: {  	[sflag:s3] =	ssyncadd.s32 $0xFFFFC000  }
0x71: {  	[spmem:s2] =	stream.indirect.scatter.add.f32 [tilespmem:s30], [sflag:$0x4], $0x80, s28, s29, $0xb8;
	[tilespmem:$0x1F380] =	vst v63  }
0x72: {  	_ =	swait.ge [sflag:s24], $0x4000  }
0x73: {  	[sflag:s24] =	ssyncset.done $0x0  }
0x74: {  	s19 =	simm.s32 $0x13D00;
	[sflag:s24] =	ssyncadd.s32 $0xFFFFC000  }
0x75: {  	[tilespmem:s30], [sflag:$0x2] =	stream.indirect.gather [hbm4b:s5+s29], $0x80, s19, s29, $0xb8;
	[tilespmem:$0x1F380] =	vst v63  }
0x76: {  	_ =	swait.ge [sflag:s6], $0x4000  }
0x77: {  	[sflag:s6] =	ssyncset.done $0x0  }
0x78: {  	s19 =	simm.s32 $0x14480;
	[sflag:s6] =	ssyncadd.s32 $0xFFFFC000  }
0x79: {  	[spmem:s2] =	stream.indirect.scatter.add.f32 [tilespmem:s0], [sflag:$0x4], $0x80, s19, s29, $0xb8;
	[tilespmem:$0x1F380] =	vst v63  }
0x7a: {  	_ =	swait.ge [sflag:s24], $0x4000  }
0x7b: {  	[sflag:s24] =	ssyncset.done $0x0  }
0x7c: {  	s19 =	simm.s32 $0x13D80;
	[sflag:s24] =	ssyncadd.s32 $0xFFFFC000  }
0x7d: {  	[tilespmem:s0], [sflag:$0x3] =	stream.indirect.gather [hbm4b:s5+s29], $0x80, s19, s29, $0xb8;
	[tilespmem:$0x1F380] =	vst v63  }
0x7e: {  	_ =	swait.ge [sflag:s3], $0x4000  }
0x7f: {  	[sflag:s3] =	ssyncset.done $0x0  }
0x80: {  	s19 =	simm.s32 $0x14500;
	[sflag:s3] =	ssyncadd.s32 $0xFFFFC000  }
0x81: {  	[spmem:s2] =	stream.indirect.scatter.add.f32 [tilespmem:s30], [sflag:$0x4], $0x80, s19, s29, $0xb8;
	[tilespmem:$0x1F380] =	vst v63  }
0x82: {  	_ =	swait.ge [sflag:s24], $0x4000  }
0x83: {  	[sflag:s24] =	ssyncset.done $0x0  }
0x84: {  	s19 =	simm.s32 $0x13E00;
	[sflag:s24] =	ssyncadd.s32 $0xFFFFC000  }
0x85: {  	[tilespmem:s30], [sflag:$0x2] =	stream.indirect.gather [hbm4b:s5+s29], $0x80, s19, s29, $0xb8;
	[tilespmem:$0x1F380] =	vst v63  }
0x86: {  	_ =	swait.ge [sflag:s6], $0x4000  }
0x87: {  	[sflag:s6] =	ssyncset.done $0x0  }
0x88: {  	s19 =	simm.s32 $0x14580;
	[sflag:s6] =	ssyncadd.s32 $0xFFFFC000  }
0x89: {  	[spmem:s2] =	stream.indirect.scatter.add.f32 [tilespmem:s0], [sflag:$0x4], $0x80, s19, s29, $0xb8;
	[tilespmem:$0x1F380] =	vst v63  }
0x8a: {  	_ =	swait.ge [sflag:s24], $0x4000  }
0x8b: {  	[sflag:s24] =	ssyncset.done $0x0  }
0x8c: {  	s19 =	simm.s32 $0x13E80;
	[sflag:s24] =	ssyncadd.s32 $0xFFFFC000  }
0x8d: {  	[tilespmem:s0], [sflag:$0x3] =	stream.indirect.gather [hbm4b:s5+s29], $0x80, s19, s29, $0xb8;
	[tilespmem:$0x1F380] =	vst v63  }
0x8e: {  	_ =	swait.ge [sflag:s3], $0x4000  }
0x8f: {  	[sflag:s3] =	ssyncset.done $0x0  }
0x90: {  	s19 =	simm.s32 $0x14600;
	[sflag:s3] =	ssyncadd.s32 $0xFFFFC000  }
0x91: {  	[spmem:s2] =	stream.indirect.scatter.add.f32 [tilespmem:s30], [sflag:$0x4], $0x80, s19, s29, $0xb8;
	[tilespmem:$0x1F380] =	vst v63  }
0x92: {  	_ =	swait.ge [sflag:s24], $0x4000  }
0x93: {  	[sflag:s24] =	ssyncset.done $0x0  }
0x94: {  	s19 =	simm.s32 $0x13F00;
	[sflag:s24] =	ssyncadd.s32 $0xFFFFC000  }
0x95: {  	[tilespmem:s30], [sflag:$0x2] =	stream.indirect.gather [hbm4b:s5+s29], $0x80, s19, s29, $0xb8;
	[tilespmem:$0x1F380] =	vst v63  }
0x96: {  	_ =	swait.ge [sflag:s6], $0x4000  }
0x97: {  	[sflag:s6] =	ssyncset.done $0x0  }
0x98: {  	s19 =	simm.s32 $0x14680;
	[sflag:s6] =	ssyncadd.s32 $0xFFFFC000  }
0x99: {  	[spmem:s2] =	stream.indirect.scatter.add.f32 [tilespmem:s0], [sflag:$0x4], $0x80, s19, s29, $0xb8;
	[tilespmem:$0x1F380] =	vst v63  }
0x9a: {  	_ =	swait.ge [sflag:s24], $0x4000  }
0x9b: {  	[sflag:s24] =	ssyncset.done $0x0  }
0x9c: {  	s19 =	simm.s32 $0x13F80;
	[sflag:s24] =	ssyncadd.s32 $0xFFFFC000  }
0x9d: {  	[tilespmem:s0], [sflag:$0x3] =	stream.indirect.gather [hbm4b:s5+s29], $0x80, s19, s29, $0xb8;
	[tilespmem:$0x1F380] =	vst v63  }
0x9e: {  	_ =	swait.ge [sflag:s3], $0x4000  }
0x9f: {  	[sflag:s3] =	ssyncset.done $0x0  }
0xa0: {  	s19 =	simm.s32 $0x14700;
	[sflag:s3] =	ssyncadd.s32 $0xFFFFC000  }
0xa1: {  	[spmem:s2] =	stream.indirect.scatter.add.f32 [tilespmem:s30], [sflag:$0x4], $0x80, s19, s29, $0xb8;
	[tilespmem:$0x1F380] =	vst v63  }
0xa2: {  	_ =	swait.ge [sflag:s24], $0x4000  }
0xa3: {  	[sflag:s24] =	ssyncset.done $0x0  }
0xa4: {  	s19 =	simm.s32 $0x14000;
	[sflag:s24] =	ssyncadd.s32 $0xFFFFC000  }
0xa5: {  	[tilespmem:s30], [sflag:$0x2] =	stream.indirect.gather [hbm4b:s5+s29], $0x80, s19, s29, $0xb8;
	[tilespmem:$0x1F380] =	vst v63  }
0xa6: {  	_ =	swait.ge [sflag:s6], $0x4000  }
0xa7: {  	[sflag:s6] =	ssyncset.done $0x0  }
0xa8: {  	[sflag:s6] =	ssyncadd.s32 $0xFFFFC000  }
0xa9: {  	[spmem:s2] =	stream.indirect.scatter.add.f32 [tilespmem:s0], [sflag:$0x4], $0x80, s20, s29, $0xb8;
	[tilespmem:$0x1F380] =	vst v63  }
0xaa: {  	_ =	swait.ge [sflag:s24], $0x4000  }
0xab: {  	[sflag:s24] =	ssyncset.done $0x0  }
0xac: {  	[sflag:s24] =	ssyncadd.s32 $0xFFFFC000  }
0xad: {  	[tilespmem:s0], [sflag:$0x3] =	stream.indirect.gather [hbm4b:s5+s29], $0x80, s21, s29, $0xb8;
	[tilespmem:$0x1F380] =	vst v63  }
0xae: {  	_ =	swait.ge [sflag:s3], $0x4000  }
0xaf: {  	[sflag:s3] =	ssyncset.done $0x0  }
0xb0: {  	[sflag:s3] =	ssyncadd.s32 $0xFFFFC000  }
0xb1: {  	[spmem:s2] =	stream.indirect.scatter.add.f32 [tilespmem:s30], [sflag:$0x4], $0x80, s22, s29, $0xb8;
	[tilespmem:$0x1F380] =	vst v63  }
0xb2: {  	_ =	swait.ge [sflag:s24], $0x4000  }
0xb3: {  	[sflag:s24] =	ssyncset.done $0x0  }
0xb4: {  	[sflag:s24] =	ssyncadd.s32 $0xFFFFC000  }
0xb5: {  	[tilespmem:s30], [sflag:$0x2] =	stream.indirect.gather [hbm4b:s5+s29], $0x80, s8, s29, $0xb8;
	[tilespmem:$0x1F380] =	vst v63  }
0xb6: {  	_ =	swait.ge [sflag:s6], $0x4000  }
0xb7: {  	[sflag:s6] =	ssyncset.done $0x0  }
0xb8: {  	[sflag:s6] =	ssyncadd.s32 $0xFFFFC000  }
0xb9: {  	[spmem:s2] =	stream.indirect.scatter.add.f32 [tilespmem:s0], [sflag:$0x4], $0x80, s4, s29, $0xb8;
	[tilespmem:$0x1F380] =	vst v63  }
0xba: {  	_ =	swait.ge [sflag:s24], $0x4000  }
0xbb: {  	[sflag:s24] =	ssyncset.done $0x0  }
0xbc: {  	[sflag:s24] =	ssyncadd.s32 $0xFFFFC000  }
0xbd: {  	[tilespmem:s0], [sflag:$0x3] =	stream.indirect.gather [hbm4b:s5+s29], $0x80, s25, s29, $0xb8;
	[tilespmem:$0x1F380] =	vst v63  }
0xbe: {  	_ =	swait.ge [sflag:s3], $0x4000  }
0xbf: {  	[sflag:s3] =	ssyncset.done $0x0  }
0xc0: {  	[sflag:s3] =	ssyncadd.s32 $0xFFFFC000  }
0xc1: {  	[spmem:s2] =	stream.indirect.scatter.add.f32 [tilespmem:s30], [sflag:$0x4], $0x80, s31, s29, $0xb8;
	[tilespmem:$0x1F380] =	vst v63  }
0xc2: {  	_ =	swait.ge [sflag:s24], $0x4000  }
0xc3: {  	[sflag:s24] =	ssyncset.done $0x0  }
0xc4: {  	[sflag:s24] =	ssyncadd.s32 $0xFFFFC000  }
0xc5: {  	[tilespmem:s30], [sflag:$0x2] =	stream.indirect.gather [hbm4b:s5+s29], $0x80, s1, s29, $0xb8;
	[tilespmem:$0x1F380] =	vst v63  }
0xc6: {  	_ =	swait.ge [sflag:s6], $0x4000  }
0xc7: {  	[sflag:s6] =	ssyncset.done $0x0  }
0xc8: {  	[sflag:s6] =	ssyncadd.s32 $0xFFFFC000  }
0xc9: {  	[spmem:s2] =	stream.indirect.scatter.add.f32 [tilespmem:s0], [sflag:$0x4], $0x80, s7, s29, $0xb8;
	[tilespmem:$0x1F380] =	vst v63  }
0xca: {  	_ =	swait.ge [sflag:s24], $0x4000  }
0xcb: {  	[sflag:s24] =	ssyncset.done $0x0  }
0xcc: {  	[sflag:s24] =	ssyncadd.s32 $0xFFFFC000  }
0xcd: {  	[tilespmem:s0], [sflag:$0x3] =	stream.indirect.gather [hbm4b:s5+s29], $0x80, s9, s29, $0xb8;
	[tilespmem:$0x1F380] =	vst v63  }
0xce: {  	_ =	swait.ge [sflag:s3], $0x4000  }
0xcf: {  	[sflag:s3] =	ssyncset.done $0x0  }
0xd0: {  	[sflag:s3] =	ssyncadd.s32 $0xFFFFC000  }
0xd1: {  	[spmem:s2] =	stream.indirect.scatter.add.f32 [tilespmem:s30], [sflag:$0x4], $0x80, s10, s29, $0xb8;
	[tilespmem:$0x1F380] =	vst v63  }
0xd2: {  	_ =	swait.ge [sflag:s24], $0x4000  }
0xd3: {  	[sflag:s24] =	ssyncset.done $0x0  }
0xd4: {  	[sflag:s24] =	ssyncadd.s32 $0xFFFFC000  }
0xd5: {  	[tilespmem:s30], [sflag:$0x2] =	stream.indirect.gather [hbm4b:s5+s29], $0x80, s11, s29, $0xb8;
	[tilespmem:$0x1F380] =	vst v63  }
0xd6: {  	_ =	swait.ge [sflag:s6], $0x4000  }
0xd7: {  	[sflag:s6] =	ssyncset.done $0x0  }
0xd8: {  	[sflag:s6] =	ssyncadd.s32 $0xFFFFC000  }
0xd9: {  	[spmem:s2] =	stream.indirect.scatter.add.f32 [tilespmem:s0], [sflag:$0x4], $0x80, s12, s29, $0xb8;
	[tilespmem:$0x1F380] =	vst v63  }
0xda: {  	_ =	swait.ge [sflag:s24], $0x4000  }
0xdb: {  	[sflag:s24] =	ssyncset.done $0x0  }
0xdc: {  	[sflag:s24] =	ssyncadd.s32 $0xFFFFC000  }
0xdd: {  	[tilespmem:s0], [sflag:$0x3] =	stream.indirect.gather [hbm4b:s5+s29], $0x80, s13, s29, $0xb8;
	[tilespmem:$0x1F380] =	vst v63  }
0xde: {  	_ =	swait.ge [sflag:s3], $0x4000  }
0xdf: {  	[sflag:s3] =	ssyncset.done $0x0  }
0xe0: {  	[sflag:s3] =	ssyncadd.s32 $0xFFFFC000  }
0xe1: {  	[spmem:s2] =	stream.indirect.scatter.add.f32 [tilespmem:s30], [sflag:$0x4], $0x80, s14, s29, $0xb8;
	[tilespmem:$0x1F380] =	vst v63  }
0xe2: {  	_ =	swait.ge [sflag:s24], $0x4000  }
0xe3: {  	[sflag:s24] =	ssyncset.done $0x0  }
0xe4: {  	[sflag:s24] =	ssyncadd.s32 $0xFFFFC000  }
0xe5: {  	_ =	swait.ge [sflag:s6], $0x4000  }
0xe6: {  	[sflag:s6] =	ssyncset.done $0x0  }
0xe7: {  	[sflag:s6] =	ssyncadd.s32 $0xFFFFC000  }
0xe8: {  	[spmem:s2] =	stream.indirect.scatter.add.f32 [tilespmem:s0], [sflag:$0x4], $0x80, s15, s29, $0xb8;
	[tilespmem:$0x1F380] =	vst v63  }
0xe9: {  	_ =	swait.ge [sflag:s24], $0x4000  }
0xea: {  	[sflag:s24] =	ssyncset.done $0x0  }
0xeb: {  	s18 =	simm.s32 $0x0;
	s19 =	rddreg [dreg:$0xa];
	[sflag:s24] =	ssyncadd.s32 $0xFFFFC000  }
0xec: {  	[tilespmem:s26], [sflag:$0x4] =	stream.linear.gather [hbm4b:s19+s18], $0x800, $0x38;
	[tilespmem:$0x1F380] =	vst v63  }
0xed: {  	_ =	swait.ge [sflag:s24], $0x800  }
0xee: {  	[sflag:s24] =	ssyncset.done $0x0  }
0xef: {  	s19 =	rddreg [dreg:$0xb];
	[sflag:s24] =	ssyncadd.s32 $0xFFFFF800  }
0xf0: {  	[tilespmem:s28], [sflag:$0x4] =	stream.linear.gather [hbm4b:s19+s18], $0x800, $0x38;
	[tilespmem:$0x1F380] =	vst v63  }
0xf1: {  	_ =	swait.ge [sflag:s24], $0x800  }
0xf2: {  	[sflag:s24] =	ssyncset.done $0x0  }
0xf3: {  	[sflag:s24] =	ssyncadd.s32 $0xFFFFF800  }
.LBB2_4:
0xf4: {  	s19 =	sshra.s32 s18, $0x2  }
0xf5: {  	v1 =	vld [tilespmem:s19+$0x13C00]  }
0xf6: {  	v2 =	vld [tilespmem:s19+$0x14400];
	_ =	sdelay $0x4  }
0xf7: {  	vm0 =	veq.s32 v1, v2  }
0xf8: {  	v1 =	vsel vm0, $0x2710, v2;
	_ =	sdelay $0x3  }
0xf9: {  	[tilespmem:s19+$0x14400] =	vst v1  }
0xfa: {  	[tilespmem:v1+s23+$0x0] =	vst.idx.add.f32.msk $0xffff, v0  }
0xfb: {  	v1 =	vld [tilespmem:s19+$0x13C10]  }
0xfc: {  	v2 =	vld [tilespmem:s19+$0x14410];
	_ =	sdelay $0x4  }
0xfd: {  	vm9 =	veq.s32 v1, v2  }
0xfe: {  	v1 =	vsel vm9, $0x2710, v2;
	_ =	sdelay $0x3  }
0xff: {  	[tilespmem:s19+$0x14410] =	vst v1  }
0x100: {  	[tilespmem:v1+s23+$0x0] =	vst.idx.add.f32.msk $0xffff, v0  }
0x101: {  	v1 =	vld [tilespmem:s19+$0x13C20]  }
0x102: {  	v2 =	vld [tilespmem:s19+$0x14420];
	_ =	sdelay $0x4  }
0x103: {  	vm10 =	veq.s32 v1, v2  }
0x104: {  	v1 =	vsel vm10, $0x2710, v2;
	_ =	sdelay $0x3  }
0x105: {  	[tilespmem:s19+$0x14420] =	vst v1  }
0x106: {  	[tilespmem:v1+s23+$0x0] =	vst.idx.add.f32.msk $0xffff, v0  }
0x107: {  	v1 =	vld [tilespmem:s19+$0x13C30]  }
0x108: {  	v2 =	vld [tilespmem:s19+$0x14430];
	_ =	sdelay $0x4  }
0x109: {  	vm11 =	veq.s32 v1, v2  }
0x10a: {  	v1 =	vsel vm11, $0x2710, v2;
	_ =	sdelay $0x3  }
0x10b: {  	[tilespmem:s19+$0x14430] =	vst v1  }
0x10c: {  	[tilespmem:v1+s23+$0x0] =	vst.idx.add.f32.msk $0xffff, v0  }
0x10d: {  	v1 =	vld [tilespmem:s19+$0x13C40]  }
0x10e: {  	v2 =	vld [tilespmem:s19+$0x14440];
	_ =	sdelay $0x4  }
0x10f: {  	vm12 =	veq.s32 v1, v2  }
0x110: {  	v1 =	vsel vm12, $0x2710, v2;
	_ =	sdelay $0x3  }
0x111: {  	[tilespmem:s19+$0x14440] =	vst v1  }
0x112: {  	[tilespmem:v1+s23+$0x0] =	vst.idx.add.f32.msk $0xffff, v0  }
0x113: {  	v1 =	vld [tilespmem:s19+$0x13C50]  }
0x114: {  	v2 =	vld [tilespmem:s19+$0x14450];
	_ =	sdelay $0x4  }
0x115: {  	vm13 =	veq.s32 v1, v2  }
0x116: {  	v1 =	vsel vm13, $0x2710, v2;
	_ =	sdelay $0x3  }
0x117: {  	[tilespmem:s19+$0x14450] =	vst v1  }
0x118: {  	[tilespmem:v1+s23+$0x0] =	vst.idx.add.f32.msk $0xffff, v0  }
0x119: {  	v1 =	vld [tilespmem:s19+$0x13C60]  }
0x11a: {  	v2 =	vld [tilespmem:s19+$0x14460];
	_ =	sdelay $0x4  }
0x11b: {  	vm14 =	veq.s32 v1, v2  }
0x11c: {  	v1 =	vsel vm14, $0x2710, v2;
	_ =	sdelay $0x3  }
0x11d: {  	[tilespmem:s19+$0x14460] =	vst v1  }
0x11e: {  	[tilespmem:v1+s23+$0x0] =	vst.idx.add.f32.msk $0xffff, v0  }
0x11f: {  	v1 =	vld [tilespmem:s19+$0x13C70]  }
0x120: {  	v2 =	vld [tilespmem:s19+$0x14470];
	_ =	sdelay $0x4  }
0x121: {  	vm15 =	veq.s32 v1, v2  }
0x122: {  	p0 =	sne.s32 s18, $0x1E00;
	v1 =	vsel vm15, $0x2710, v2  }
.Ltmp1:
0x123: {  	_ = 	snop;
	(pc) =	sbr.rel @p0 .LBB2_4-.Ltmp1, $3  }
0x124: {  	_ =	sdelay $0x1  }
0x125: {  	[tilespmem:s19+$0x14470] =	vst v1  }
0x126: {  	s18 =	sadd.s32 $0x200, s18;
	[tilespmem:v1+s23+$0x0] =	vst.idx.add.f32.msk $0xffff, v0  }
0x127: {  	[tilespmem:s30], [sflag:$0x2] =	stream.indirect.gather [hbm4b:s5+s29], $0x80, s26, s29, $0xb8;
	[tilespmem:$0x1F380] =	vst v63  }
0x128: {  	s18 =	simm.s32 $0x13C80  }
0x129: {  	[tilespmem:s0], [sflag:$0x3] =	stream.indirect.gather [hbm4b:s5+s29], $0x80, s18, s29, $0xb8;
	[tilespmem:$0x1F380] =	vst v63  }
0x12a: {  	_ =	swait.ge [sflag:s3], $0x4000  }
0x12b: {  	[sflag:s3] =	ssyncset.done $0x0  }
0x12c: {  	[sflag:s3] =	ssyncadd.s32 $0xFFFFC000  }
0x12d: {  	[spmem:s2] =	stream.indirect.scatter.add.f32 [tilespmem:s30], [sflag:$0x4], $0x80, s28, s29, $0xb8;
	[tilespmem:$0x1F380] =	vst v63  }
0x12e: {  	_ =	swait.ge [sflag:s24], $0x4000  }
0x12f: {  	[sflag:s24] =	ssyncset.done $0x0  }
0x130: {  	s19 =	simm.s32 $0x13D00;
	[sflag:s24] =	ssyncadd.s32 $0xFFFFC000  }
0x131: {  	[tilespmem:s30], [sflag:$0x2] =	stream.indirect.gather [hbm4b:s5+s29], $0x80, s19, s29, $0xb8;
	[tilespmem:$0x1F380] =	vst v63  }
0x132: {  	_ =	swait.ge [sflag:s6], $0x4000  }
0x133: {  	[sflag:s6] =	ssyncset.done $0x0  }
0x134: {  	s19 =	simm.s32 $0x14480;
	[sflag:s6] =	ssyncadd.s32 $0xFFFFC000  }
0x135: {  	[spmem:s2] =	stream.indirect.scatter.add.f32 [tilespmem:s0], [sflag:$0x4], $0x80, s19, s29, $0xb8;
	[tilespmem:$0x1F380] =	vst v63  }
0x136: {  	_ =	swait.ge [sflag:s24], $0x4000  }
0x137: {  	[sflag:s24] =	ssyncset.done $0x0  }
0x138: {  	s19 =	simm.s32 $0x13D80;
	[sflag:s24] =	ssyncadd.s32 $0xFFFFC000  }
0x139: {  	[tilespmem:s0], [sflag:$0x3] =	stream.indirect.gather [hbm4b:s5+s29], $0x80, s19, s29, $0xb8;
	[tilespmem:$0x1F380] =	vst v63  }
0x13a: {  	_ =	swait.ge [sflag:s3], $0x4000  }
0x13b: {  	[sflag:s3] =	ssyncset.done $0x0  }
0x13c: {  	s19 =	simm.s32 $0x14500;
	[sflag:s3] =	ssyncadd.s32 $0xFFFFC000  }
0x13d: {  	[spmem:s2] =	stream.indirect.scatter.add.f32 [tilespmem:s30], [sflag:$0x4], $0x80, s19, s29, $0xb8;
	[tilespmem:$0x1F380] =	vst v63  }
0x13e: {  	_ =	swait.ge [sflag:s24], $0x4000  }
0x13f: {  	[sflag:s24] =	ssyncset.done $0x0  }
0x140: {  	s19 =	simm.s32 $0x13E00;
	[sflag:s24] =	ssyncadd.s32 $0xFFFFC000  }
0x141: {  	[tilespmem:s30], [sflag:$0x2] =	stream.indirect.gather [hbm4b:s5+s29], $0x80, s19, s29, $0xb8;
	[tilespmem:$0x1F380] =	vst v63  }
0x142: {  	_ =	swait.ge [sflag:s6], $0x4000  }
0x143: {  	[sflag:s6] =	ssyncset.done $0x0  }
0x144: {  	s19 =	simm.s32 $0x14580;
	[sflag:s6] =	ssyncadd.s32 $0xFFFFC000  }
0x145: {  	[spmem:s2] =	stream.indirect.scatter.add.f32 [tilespmem:s0], [sflag:$0x4], $0x80, s19, s29, $0xb8;
	[tilespmem:$0x1F380] =	vst v63  }
0x146: {  	_ =	swait.ge [sflag:s24], $0x4000  }
0x147: {  	[sflag:s24] =	ssyncset.done $0x0  }
0x148: {  	s19 =	simm.s32 $0x13E80;
	[sflag:s24] =	ssyncadd.s32 $0xFFFFC000  }
0x149: {  	[tilespmem:s0], [sflag:$0x3] =	stream.indirect.gather [hbm4b:s5+s29], $0x80, s19, s29, $0xb8;
	[tilespmem:$0x1F380] =	vst v63  }
0x14a: {  	_ =	swait.ge [sflag:s3], $0x4000  }
0x14b: {  	[sflag:s3] =	ssyncset.done $0x0  }
0x14c: {  	s19 =	simm.s32 $0x14600;
	[sflag:s3] =	ssyncadd.s32 $0xFFFFC000  }
0x14d: {  	[spmem:s2] =	stream.indirect.scatter.add.f32 [tilespmem:s30], [sflag:$0x4], $0x80, s19, s29, $0xb8;
	[tilespmem:$0x1F380] =	vst v63  }
0x14e: {  	_ =	swait.ge [sflag:s24], $0x4000  }
0x14f: {  	[sflag:s24] =	ssyncset.done $0x0  }
0x150: {  	s19 =	simm.s32 $0x13F00;
	[sflag:s24] =	ssyncadd.s32 $0xFFFFC000  }
0x151: {  	[tilespmem:s30], [sflag:$0x2] =	stream.indirect.gather [hbm4b:s5+s29], $0x80, s19, s29, $0xb8;
	[tilespmem:$0x1F380] =	vst v63  }
0x152: {  	_ =	swait.ge [sflag:s6], $0x4000  }
0x153: {  	[sflag:s6] =	ssyncset.done $0x0  }
0x154: {  	s19 =	simm.s32 $0x14680;
	[sflag:s6] =	ssyncadd.s32 $0xFFFFC000  }
0x155: {  	[spmem:s2] =	stream.indirect.scatter.add.f32 [tilespmem:s0], [sflag:$0x4], $0x80, s19, s29, $0xb8;
	[tilespmem:$0x1F380] =	vst v63  }
0x156: {  	_ =	swait.ge [sflag:s24], $0x4000  }
0x157: {  	[sflag:s24] =	ssyncset.done $0x0  }
0x158: {  	s19 =	simm.s32 $0x13F80;
	[sflag:s24] =	ssyncadd.s32 $0xFFFFC000  }
0x159: {  	[tilespmem:s0], [sflag:$0x3] =	stream.indirect.gather [hbm4b:s5+s29], $0x80, s19, s29, $0xb8;
	[tilespmem:$0x1F380] =	vst v63  }
0x15a: {  	_ =	swait.ge [sflag:s3], $0x4000  }
0x15b: {  	[sflag:s3] =	ssyncset.done $0x0  }
0x15c: {  	s19 =	simm.s32 $0x14700;
	[sflag:s3] =	ssyncadd.s32 $0xFFFFC000  }
0x15d: {  	[spmem:s2] =	stream.indirect.scatter.add.f32 [tilespmem:s30], [sflag:$0x4], $0x80, s19, s29, $0xb8;
	[tilespmem:$0x1F380] =	vst v63  }
0x15e: {  	_ =	swait.ge [sflag:s24], $0x4000  }
0x15f: {  	[sflag:s24] =	ssyncset.done $0x0  }
0x160: {  	s19 =	simm.s32 $0x14000;
	[sflag:s24] =	ssyncadd.s32 $0xFFFFC000  }
0x161: {  	[tilespmem:s30], [sflag:$0x2] =	stream.indirect.gather [hbm4b:s5+s29], $0x80, s19, s29, $0xb8;
	[tilespmem:$0x1F380] =	vst v63  }
0x162: {  	_ =	swait.ge [sflag:s6], $0x4000  }
0x163: {  	[sflag:s6] =	ssyncset.done $0x0  }
0x164: {  	[sflag:s6] =	ssyncadd.s32 $0xFFFFC000  }
0x165: {  	[spmem:s2] =	stream.indirect.scatter.add.f32 [tilespmem:s0], [sflag:$0x4], $0x80, s20, s29, $0xb8;
	[tilespmem:$0x1F380] =	vst v63  }
0x166: {  	_ =	swait.ge [sflag:s24], $0x4000  }
0x167: {  	[sflag:s24] =	ssyncset.done $0x0  }
0x168: {  	[sflag:s24] =	ssyncadd.s32 $0xFFFFC000  }
0x169: {  	[tilespmem:s0], [sflag:$0x3] =	stream.indirect.gather [hbm4b:s5+s29], $0x80, s21, s29, $0xb8;
	[tilespmem:$0x1F380] =	vst v63  }
0x16a: {  	_ =	swait.ge [sflag:s3], $0x4000  }
0x16b: {  	[sflag:s3] =	ssyncset.done $0x0  }
0x16c: {  	[sflag:s3] =	ssyncadd.s32 $0xFFFFC000  }
0x16d: {  	[spmem:s2] =	stream.indirect.scatter.add.f32 [tilespmem:s30], [sflag:$0x4], $0x80, s22, s29, $0xb8;
	[tilespmem:$0x1F380] =	vst v63  }
0x16e: {  	_ =	swait.ge [sflag:s24], $0x4000  }
0x16f: {  	[sflag:s24] =	ssyncset.done $0x0  }
0x170: {  	[sflag:s24] =	ssyncadd.s32 $0xFFFFC000  }
0x171: {  	[tilespmem:s30], [sflag:$0x2] =	stream.indirect.gather [hbm4b:s5+s29], $0x80, s8, s29, $0xb8;
	[tilespmem:$0x1F380] =	vst v63  }
0x172: {  	_ =	swait.ge [sflag:s6], $0x4000  }
0x173: {  	[sflag:s6] =	ssyncset.done $0x0  }
0x174: {  	[sflag:s6] =	ssyncadd.s32 $0xFFFFC000  }
0x175: {  	[spmem:s2] =	stream.indirect.scatter.add.f32 [tilespmem:s0], [sflag:$0x4], $0x80, s4, s29, $0xb8;
	[tilespmem:$0x1F380] =	vst v63  }
0x176: {  	_ =	swait.ge [sflag:s24], $0x4000  }
0x177: {  	[sflag:s24] =	ssyncset.done $0x0  }
0x178: {  	[sflag:s24] =	ssyncadd.s32 $0xFFFFC000  }
0x179: {  	[tilespmem:s0], [sflag:$0x3] =	stream.indirect.gather [hbm4b:s5+s29], $0x80, s25, s29, $0xb8;
	[tilespmem:$0x1F380] =	vst v63  }
0x17a: {  	_ =	swait.ge [sflag:s3], $0x4000  }
0x17b: {  	[sflag:s3] =	ssyncset.done $0x0  }
0x17c: {  	[sflag:s3] =	ssyncadd.s32 $0xFFFFC000  }
0x17d: {  	[spmem:s2] =	stream.indirect.scatter.add.f32 [tilespmem:s30], [sflag:$0x4], $0x80, s31, s29, $0xb8;
	[tilespmem:$0x1F380] =	vst v63  }
0x17e: {  	_ =	swait.ge [sflag:s24], $0x4000  }
0x17f: {  	[sflag:s24] =	ssyncset.done $0x0  }
0x180: {  	[sflag:s24] =	ssyncadd.s32 $0xFFFFC000  }
0x181: {  	[tilespmem:s30], [sflag:$0x2] =	stream.indirect.gather [hbm4b:s5+s29], $0x80, s1, s29, $0xb8;
	[tilespmem:$0x1F380] =	vst v63  }
0x182: {  	_ =	swait.ge [sflag:s6], $0x4000  }
0x183: {  	[sflag:s6] =	ssyncset.done $0x0  }
0x184: {  	[sflag:s6] =	ssyncadd.s32 $0xFFFFC000  }
0x185: {  	[spmem:s2] =	stream.indirect.scatter.add.f32 [tilespmem:s0], [sflag:$0x4], $0x80, s7, s29, $0xb8;
	[tilespmem:$0x1F380] =	vst v63  }
0x186: {  	_ =	swait.ge [sflag:s24], $0x4000  }
0x187: {  	[sflag:s24] =	ssyncset.done $0x0  }
0x188: {  	[sflag:s24] =	ssyncadd.s32 $0xFFFFC000  }
0x189: {  	[tilespmem:s0], [sflag:$0x3] =	stream.indirect.gather [hbm4b:s5+s29], $0x80, s9, s29, $0xb8;
	[tilespmem:$0x1F380] =	vst v63  }
0x18a: {  	_ =	swait.ge [sflag:s3], $0x4000  }
0x18b: {  	[sflag:s3] =	ssyncset.done $0x0  }
0x18c: {  	[sflag:s3] =	ssyncadd.s32 $0xFFFFC000  }
0x18d: {  	[spmem:s2] =	stream.indirect.scatter.add.f32 [tilespmem:s30], [sflag:$0x4], $0x80, s10, s29, $0xb8;
	[tilespmem:$0x1F380] =	vst v63  }
0x18e: {  	_ =	swait.ge [sflag:s24], $0x4000  }
0x18f: {  	[sflag:s24] =	ssyncset.done $0x0  }
0x190: {  	[sflag:s24] =	ssyncadd.s32 $0xFFFFC000  }
0x191: {  	[tilespmem:s30], [sflag:$0x2] =	stream.indirect.gather [hbm4b:s5+s29], $0x80, s11, s29, $0xb8;
	[tilespmem:$0x1F380] =	vst v63  }
0x192: {  	_ =	swait.ge [sflag:s6], $0x4000  }
0x193: {  	[sflag:s6] =	ssyncset.done $0x0  }
0x194: {  	[sflag:s6] =	ssyncadd.s32 $0xFFFFC000  }
0x195: {  	[spmem:s2] =	stream.indirect.scatter.add.f32 [tilespmem:s0], [sflag:$0x4], $0x80, s12, s29, $0xb8;
	[tilespmem:$0x1F380] =	vst v63  }
0x196: {  	_ =	swait.ge [sflag:s24], $0x4000  }
0x197: {  	[sflag:s24] =	ssyncset.done $0x0  }
0x198: {  	[sflag:s24] =	ssyncadd.s32 $0xFFFFC000  }
0x199: {  	[tilespmem:s0], [sflag:$0x3] =	stream.indirect.gather [hbm4b:s5+s29], $0x80, s13, s29, $0xb8;
	[tilespmem:$0x1F380] =	vst v63  }
0x19a: {  	_ =	swait.ge [sflag:s3], $0x4000  }
0x19b: {  	[sflag:s3] =	ssyncset.done $0x0  }
0x19c: {  	[sflag:s3] =	ssyncadd.s32 $0xFFFFC000  }
0x19d: {  	[spmem:s2] =	stream.indirect.scatter.add.f32 [tilespmem:s30], [sflag:$0x4], $0x80, s14, s29, $0xb8;
	[tilespmem:$0x1F380] =	vst v63  }
0x19e: {  	_ =	swait.ge [sflag:s24], $0x4000  }
0x19f: {  	[sflag:s24] =	ssyncset.done $0x0  }
0x1a0: {  	[sflag:s24] =	ssyncadd.s32 $0xFFFFC000  }
0x1a1: {  	_ =	swait.ge [sflag:s6], $0x4000  }
0x1a2: {  	[sflag:s6] =	ssyncset.done $0x0  }
0x1a3: {  	[sflag:s6] =	ssyncadd.s32 $0xFFFFC000  }
0x1a4: {  	[spmem:s2] =	stream.indirect.scatter.add.f32 [tilespmem:s0], [sflag:$0x4], $0x80, s15, s29, $0xb8;
	[tilespmem:$0x1F380] =	vst v63  }
0x1a5: {  	_ =	swait.ge [sflag:s24], $0x4000  }
0x1a6: {  	[sflag:s24] =	ssyncset.done $0x0  }
0x1a7: {  	s18 =	simm.s32 $0x0;
	s19 =	rddreg [dreg:$0xc];
	[sflag:s24] =	ssyncadd.s32 $0xFFFFC000  }
0x1a8: {  	[tilespmem:s26], [sflag:$0x4] =	stream.linear.gather [hbm4b:s19+s18], $0x800, $0x38;
	[tilespmem:$0x1F380] =	vst v63  }
0x1a9: {  	_ =	swait.ge [sflag:s24], $0x800  }
0x1aa: {  	[sflag:s24] =	ssyncset.done $0x0  }
0x1ab: {  	s19 =	rddreg [dreg:$0xd];
	[sflag:s24] =	ssyncadd.s32 $0xFFFFF800  }
0x1ac: {  	[tilespmem:s28], [sflag:$0x4] =	stream.linear.gather [hbm4b:s19+s18], $0x800, $0x38;
	[tilespmem:$0x1F380] =	vst v63  }
0x1ad: {  	_ =	swait.ge [sflag:s24], $0x800  }
0x1ae: {  	[sflag:s24] =	ssyncset.done $0x0  }
0x1af: {  	[sflag:s24] =	ssyncadd.s32 $0xFFFFF800  }
.LBB2_6:
0x1b0: {  	s19 =	sshra.s32 s18, $0x2  }
0x1b1: {  	v1 =	vld [tilespmem:s19+$0x13C00]  }
0x1b2: {  	v2 =	vld [tilespmem:s19+$0x14400];
	_ =	sdelay $0x4  }
0x1b3: {  	vm0 =	veq.s32 v1, v2  }
0x1b4: {  	v1 =	vsel vm0, $0x2710, v2;
	_ =	sdelay $0x3  }
0x1b5: {  	[tilespmem:s19+$0x14400] =	vst v1  }
0x1b6: {  	[tilespmem:v1+s23+$0x0] =	vst.idx.add.f32.msk $0xffff, v0  }
0x1b7: {  	v1 =	vld [tilespmem:s19+$0x13C10]  }
0x1b8: {  	v2 =	vld [tilespmem:s19+$0x14410];
	_ =	sdelay $0x4  }
0x1b9: {  	vm9 =	veq.s32 v1, v2  }
0x1ba: {  	v1 =	vsel vm9, $0x2710, v2;
	_ =	sdelay $0x3  }
0x1bb: {  	[tilespmem:s19+$0x14410] =	vst v1  }
0x1bc: {  	[tilespmem:v1+s23+$0x0] =	vst.idx.add.f32.msk $0xffff, v0  }
0x1bd: {  	v1 =	vld [tilespmem:s19+$0x13C20]  }
0x1be: {  	v2 =	vld [tilespmem:s19+$0x14420];
	_ =	sdelay $0x4  }
0x1bf: {  	vm10 =	veq.s32 v1, v2  }
0x1c0: {  	v1 =	vsel vm10, $0x2710, v2;
	_ =	sdelay $0x3  }
0x1c1: {  	[tilespmem:s19+$0x14420] =	vst v1  }
0x1c2: {  	[tilespmem:v1+s23+$0x0] =	vst.idx.add.f32.msk $0xffff, v0  }
0x1c3: {  	v1 =	vld [tilespmem:s19+$0x13C30]  }
0x1c4: {  	v2 =	vld [tilespmem:s19+$0x14430];
	_ =	sdelay $0x4  }
0x1c5: {  	vm11 =	veq.s32 v1, v2  }
0x1c6: {  	v1 =	vsel vm11, $0x2710, v2;
	_ =	sdelay $0x3  }
0x1c7: {  	[tilespmem:s19+$0x14430] =	vst v1  }
0x1c8: {  	[tilespmem:v1+s23+$0x0] =	vst.idx.add.f32.msk $0xffff, v0  }
0x1c9: {  	v1 =	vld [tilespmem:s19+$0x13C40]  }
0x1ca: {  	v2 =	vld [tilespmem:s19+$0x14440];
	_ =	sdelay $0x4  }
0x1cb: {  	vm12 =	veq.s32 v1, v2  }
0x1cc: {  	v1 =	vsel vm12, $0x2710, v2;
	_ =	sdelay $0x3  }
0x1cd: {  	[tilespmem:s19+$0x14440] =	vst v1  }
0x1ce: {  	[tilespmem:v1+s23+$0x0] =	vst.idx.add.f32.msk $0xffff, v0  }
0x1cf: {  	v1 =	vld [tilespmem:s19+$0x13C50]  }
0x1d0: {  	v2 =	vld [tilespmem:s19+$0x14450];
	_ =	sdelay $0x4  }
0x1d1: {  	vm13 =	veq.s32 v1, v2  }
0x1d2: {  	v1 =	vsel vm13, $0x2710, v2;
	_ =	sdelay $0x3  }
0x1d3: {  	[tilespmem:s19+$0x14450] =	vst v1  }
0x1d4: {  	[tilespmem:v1+s23+$0x0] =	vst.idx.add.f32.msk $0xffff, v0  }
0x1d5: {  	v1 =	vld [tilespmem:s19+$0x13C60]  }
0x1d6: {  	v2 =	vld [tilespmem:s19+$0x14460];
	_ =	sdelay $0x4  }
0x1d7: {  	vm14 =	veq.s32 v1, v2  }
0x1d8: {  	v1 =	vsel vm14, $0x2710, v2;
	_ =	sdelay $0x3  }
0x1d9: {  	[tilespmem:s19+$0x14460] =	vst v1  }
0x1da: {  	[tilespmem:v1+s23+$0x0] =	vst.idx.add.f32.msk $0xffff, v0  }
0x1db: {  	v1 =	vld [tilespmem:s19+$0x13C70]  }
0x1dc: {  	v2 =	vld [tilespmem:s19+$0x14470];
	_ =	sdelay $0x4  }
0x1dd: {  	vm15 =	veq.s32 v1, v2  }
0x1de: {  	p0 =	sne.s32 s18, $0x1E00;
	v1 =	vsel vm15, $0x2710, v2  }
.Ltmp2:
0x1df: {  	_ = 	snop;
	(pc) =	sbr.rel @p0 .LBB2_6-.Ltmp2, $3  }
0x1e0: {  	_ =	sdelay $0x1  }
0x1e1: {  	[tilespmem:s19+$0x14470] =	vst v1  }
0x1e2: {  	s18 =	sadd.s32 $0x200, s18;
	[tilespmem:v1+s23+$0x0] =	vst.idx.add.f32.msk $0xffff, v0  }
0x1e3: {  	[tilespmem:s30], [sflag:$0x2] =	stream.indirect.gather [hbm4b:s5+s29], $0x80, s26, s29, $0xb8;
	[tilespmem:$0x1F380] =	vst v63  }
0x1e4: {  	s18 =	simm.s32 $0x13C80  }
0x1e5: {  	[tilespmem:s0], [sflag:$0x3] =	stream.indirect.gather [hbm4b:s5+s29], $0x80, s18, s29, $0xb8;
	[tilespmem:$0x1F380] =	vst v63  }
0x1e6: {  	_ =	swait.ge [sflag:s3], $0x4000  }
0x1e7: {  	[sflag:s3] =	ssyncset.done $0x0  }
0x1e8: {  	[sflag:s3] =	ssyncadd.s32 $0xFFFFC000  }
0x1e9: {  	[spmem:s2] =	stream.indirect.scatter.add.f32 [tilespmem:s30], [sflag:$0x4], $0x80, s28, s29, $0xb8;
	[tilespmem:$0x1F380] =	vst v63  }
0x1ea: {  	_ =	swait.ge [sflag:s24], $0x4000  }
0x1eb: {  	[sflag:s24] =	ssyncset.done $0x0  }
0x1ec: {  	s19 =	simm.s32 $0x13D00;
	[sflag:s24] =	ssyncadd.s32 $0xFFFFC000  }
0x1ed: {  	[tilespmem:s30], [sflag:$0x2] =	stream.indirect.gather [hbm4b:s5+s29], $0x80, s19, s29, $0xb8;
	[tilespmem:$0x1F380] =	vst v63  }
0x1ee: {  	_ =	swait.ge [sflag:s6], $0x4000  }
0x1ef: {  	[sflag:s6] =	ssyncset.done $0x0  }
0x1f0: {  	s19 =	simm.s32 $0x14480;
	[sflag:s6] =	ssyncadd.s32 $0xFFFFC000  }
0x1f1: {  	[spmem:s2] =	stream.indirect.scatter.add.f32 [tilespmem:s0], [sflag:$0x4], $0x80, s19, s29, $0xb8;
	[tilespmem:$0x1F380] =	vst v63  }
0x1f2: {  	_ =	swait.ge [sflag:s24], $0x4000  }
0x1f3: {  	[sflag:s24] =	ssyncset.done $0x0  }
0x1f4: {  	s19 =	simm.s32 $0x13D80;
	[sflag:s24] =	ssyncadd.s32 $0xFFFFC000  }
0x1f5: {  	[tilespmem:s0], [sflag:$0x3] =	stream.indirect.gather [hbm4b:s5+s29], $0x80, s19, s29, $0xb8;
	[tilespmem:$0x1F380] =	vst v63  }
0x1f6: {  	_ =	swait.ge [sflag:s3], $0x4000  }
0x1f7: {  	[sflag:s3] =	ssyncset.done $0x0  }
0x1f8: {  	s19 =	simm.s32 $0x14500;
	[sflag:s3] =	ssyncadd.s32 $0xFFFFC000  }
0x1f9: {  	[spmem:s2] =	stream.indirect.scatter.add.f32 [tilespmem:s30], [sflag:$0x4], $0x80, s19, s29, $0xb8;
	[tilespmem:$0x1F380] =	vst v63  }
0x1fa: {  	_ =	swait.ge [sflag:s24], $0x4000  }
0x1fb: {  	[sflag:s24] =	ssyncset.done $0x0  }
0x1fc: {  	s19 =	simm.s32 $0x13E00;
	[sflag:s24] =	ssyncadd.s32 $0xFFFFC000  }
0x1fd: {  	[tilespmem:s30], [sflag:$0x2] =	stream.indirect.gather [hbm4b:s5+s29], $0x80, s19, s29, $0xb8;
	[tilespmem:$0x1F380] =	vst v63  }
0x1fe: {  	_ =	swait.ge [sflag:s6], $0x4000  }
0x1ff: {  	[sflag:s6] =	ssyncset.done $0x0  }
0x200: {  	s19 =	simm.s32 $0x14580;
	[sflag:s6] =	ssyncadd.s32 $0xFFFFC000  }
0x201: {  	[spmem:s2] =	stream.indirect.scatter.add.f32 [tilespmem:s0], [sflag:$0x4], $0x80, s19, s29, $0xb8;
	[tilespmem:$0x1F380] =	vst v63  }
0x202: {  	_ =	swait.ge [sflag:s24], $0x4000  }
0x203: {  	[sflag:s24] =	ssyncset.done $0x0  }
0x204: {  	s19 =	simm.s32 $0x13E80;
	[sflag:s24] =	ssyncadd.s32 $0xFFFFC000  }
0x205: {  	[tilespmem:s0], [sflag:$0x3] =	stream.indirect.gather [hbm4b:s5+s29], $0x80, s19, s29, $0xb8;
	[tilespmem:$0x1F380] =	vst v63  }
0x206: {  	_ =	swait.ge [sflag:s3], $0x4000  }
0x207: {  	[sflag:s3] =	ssyncset.done $0x0  }
0x208: {  	s19 =	simm.s32 $0x14600;
	[sflag:s3] =	ssyncadd.s32 $0xFFFFC000  }
0x209: {  	[spmem:s2] =	stream.indirect.scatter.add.f32 [tilespmem:s30], [sflag:$0x4], $0x80, s19, s29, $0xb8;
	[tilespmem:$0x1F380] =	vst v63  }
0x20a: {  	_ =	swait.ge [sflag:s24], $0x4000  }
0x20b: {  	[sflag:s24] =	ssyncset.done $0x0  }
0x20c: {  	s19 =	simm.s32 $0x13F00;
	[sflag:s24] =	ssyncadd.s32 $0xFFFFC000  }
0x20d: {  	[tilespmem:s30], [sflag:$0x2] =	stream.indirect.gather [hbm4b:s5+s29], $0x80, s19, s29, $0xb8;
	[tilespmem:$0x1F380] =	vst v63  }
0x20e: {  	_ =	swait.ge [sflag:s6], $0x4000  }
0x20f: {  	[sflag:s6] =	ssyncset.done $0x0  }
0x210: {  	s19 =	simm.s32 $0x14680;
	[sflag:s6] =	ssyncadd.s32 $0xFFFFC000  }
0x211: {  	[spmem:s2] =	stream.indirect.scatter.add.f32 [tilespmem:s0], [sflag:$0x4], $0x80, s19, s29, $0xb8;
	[tilespmem:$0x1F380] =	vst v63  }
0x212: {  	_ =	swait.ge [sflag:s24], $0x4000  }
0x213: {  	[sflag:s24] =	ssyncset.done $0x0  }
0x214: {  	s19 =	simm.s32 $0x13F80;
	[sflag:s24] =	ssyncadd.s32 $0xFFFFC000  }
0x215: {  	[tilespmem:s0], [sflag:$0x3] =	stream.indirect.gather [hbm4b:s5+s29], $0x80, s19, s29, $0xb8;
	[tilespmem:$0x1F380] =	vst v63  }
0x216: {  	_ =	swait.ge [sflag:s3], $0x4000  }
0x217: {  	[sflag:s3] =	ssyncset.done $0x0  }
0x218: {  	s19 =	simm.s32 $0x14700;
	[sflag:s3] =	ssyncadd.s32 $0xFFFFC000  }
0x219: {  	[spmem:s2] =	stream.indirect.scatter.add.f32 [tilespmem:s30], [sflag:$0x4], $0x80, s19, s29, $0xb8;
	[tilespmem:$0x1F380] =	vst v63  }
0x21a: {  	_ =	swait.ge [sflag:s24], $0x4000  }
0x21b: {  	[sflag:s24] =	ssyncset.done $0x0  }
0x21c: {  	s19 =	simm.s32 $0x14000;
	[sflag:s24] =	ssyncadd.s32 $0xFFFFC000  }
0x21d: {  	[tilespmem:s30], [sflag:$0x2] =	stream.indirect.gather [hbm4b:s5+s29], $0x80, s19, s29, $0xb8;
	[tilespmem:$0x1F380] =	vst v63  }
0x21e: {  	_ =	swait.ge [sflag:s6], $0x4000  }
0x21f: {  	[sflag:s6] =	ssyncset.done $0x0  }
0x220: {  	[sflag:s6] =	ssyncadd.s32 $0xFFFFC000  }
0x221: {  	[spmem:s2] =	stream.indirect.scatter.add.f32 [tilespmem:s0], [sflag:$0x4], $0x80, s20, s29, $0xb8;
	[tilespmem:$0x1F380] =	vst v63  }
0x222: {  	_ =	swait.ge [sflag:s24], $0x4000  }
0x223: {  	[sflag:s24] =	ssyncset.done $0x0  }
0x224: {  	[sflag:s24] =	ssyncadd.s32 $0xFFFFC000  }
0x225: {  	[tilespmem:s0], [sflag:$0x3] =	stream.indirect.gather [hbm4b:s5+s29], $0x80, s21, s29, $0xb8;
	[tilespmem:$0x1F380] =	vst v63  }
0x226: {  	_ =	swait.ge [sflag:s3], $0x4000  }
0x227: {  	[sflag:s3] =	ssyncset.done $0x0  }
0x228: {  	[sflag:s3] =	ssyncadd.s32 $0xFFFFC000  }
0x229: {  	[spmem:s2] =	stream.indirect.scatter.add.f32 [tilespmem:s30], [sflag:$0x4], $0x80, s22, s29, $0xb8;
	[tilespmem:$0x1F380] =	vst v63  }
0x22a: {  	_ =	swait.ge [sflag:s24], $0x4000  }
0x22b: {  	[sflag:s24] =	ssyncset.done $0x0  }
0x22c: {  	[sflag:s24] =	ssyncadd.s32 $0xFFFFC000  }
0x22d: {  	[tilespmem:s30], [sflag:$0x2] =	stream.indirect.gather [hbm4b:s5+s29], $0x80, s8, s29, $0xb8;
	[tilespmem:$0x1F380] =	vst v63  }
0x22e: {  	_ =	swait.ge [sflag:s6], $0x4000  }
0x22f: {  	[sflag:s6] =	ssyncset.done $0x0  }
0x230: {  	[sflag:s6] =	ssyncadd.s32 $0xFFFFC000  }
0x231: {  	[spmem:s2] =	stream.indirect.scatter.add.f32 [tilespmem:s0], [sflag:$0x4], $0x80, s4, s29, $0xb8;
	[tilespmem:$0x1F380] =	vst v63  }
0x232: {  	_ =	swait.ge [sflag:s24], $0x4000  }
0x233: {  	[sflag:s24] =	ssyncset.done $0x0  }
0x234: {  	[sflag:s24] =	ssyncadd.s32 $0xFFFFC000  }
0x235: {  	[tilespmem:s0], [sflag:$0x3] =	stream.indirect.gather [hbm4b:s5+s29], $0x80, s25, s29, $0xb8;
	[tilespmem:$0x1F380] =	vst v63  }
0x236: {  	_ =	swait.ge [sflag:s3], $0x4000  }
0x237: {  	[sflag:s3] =	ssyncset.done $0x0  }
0x238: {  	[sflag:s3] =	ssyncadd.s32 $0xFFFFC000  }
0x239: {  	[spmem:s2] =	stream.indirect.scatter.add.f32 [tilespmem:s30], [sflag:$0x4], $0x80, s31, s29, $0xb8;
	[tilespmem:$0x1F380] =	vst v63  }
0x23a: {  	_ =	swait.ge [sflag:s24], $0x4000  }
0x23b: {  	[sflag:s24] =	ssyncset.done $0x0  }
0x23c: {  	[sflag:s24] =	ssyncadd.s32 $0xFFFFC000  }
0x23d: {  	[tilespmem:s30], [sflag:$0x2] =	stream.indirect.gather [hbm4b:s5+s29], $0x80, s1, s29, $0xb8;
	[tilespmem:$0x1F380] =	vst v63  }
0x23e: {  	_ =	swait.ge [sflag:s6], $0x4000  }
0x23f: {  	[sflag:s6] =	ssyncset.done $0x0  }
0x240: {  	[sflag:s6] =	ssyncadd.s32 $0xFFFFC000  }
0x241: {  	[spmem:s2] =	stream.indirect.scatter.add.f32 [tilespmem:s0], [sflag:$0x4], $0x80, s7, s29, $0xb8;
	[tilespmem:$0x1F380] =	vst v63  }
0x242: {  	_ =	swait.ge [sflag:s24], $0x4000  }
0x243: {  	[sflag:s24] =	ssyncset.done $0x0  }
0x244: {  	[sflag:s24] =	ssyncadd.s32 $0xFFFFC000  }
0x245: {  	[tilespmem:s0], [sflag:$0x3] =	stream.indirect.gather [hbm4b:s5+s29], $0x80, s9, s29, $0xb8;
	[tilespmem:$0x1F380] =	vst v63  }
0x246: {  	_ =	swait.ge [sflag:s3], $0x4000  }
0x247: {  	[sflag:s3] =	ssyncset.done $0x0  }
0x248: {  	[sflag:s3] =	ssyncadd.s32 $0xFFFFC000  }
0x249: {  	[spmem:s2] =	stream.indirect.scatter.add.f32 [tilespmem:s30], [sflag:$0x4], $0x80, s10, s29, $0xb8;
	[tilespmem:$0x1F380] =	vst v63  }
0x24a: {  	_ =	swait.ge [sflag:s24], $0x4000  }
0x24b: {  	[sflag:s24] =	ssyncset.done $0x0  }
0x24c: {  	[sflag:s24] =	ssyncadd.s32 $0xFFFFC000  }
0x24d: {  	[tilespmem:s30], [sflag:$0x2] =	stream.indirect.gather [hbm4b:s5+s29], $0x80, s11, s29, $0xb8;
	[tilespmem:$0x1F380] =	vst v63  }
0x24e: {  	_ =	swait.ge [sflag:s6], $0x4000  }
0x24f: {  	[sflag:s6] =	ssyncset.done $0x0  }
0x250: {  	[sflag:s6] =	ssyncadd.s32 $0xFFFFC000  }
0x251: {  	[spmem:s2] =	stream.indirect.scatter.add.f32 [tilespmem:s0], [sflag:$0x4], $0x80, s12, s29, $0xb8;
	[tilespmem:$0x1F380] =	vst v63  }
0x252: {  	_ =	swait.ge [sflag:s24], $0x4000  }
0x253: {  	[sflag:s24] =	ssyncset.done $0x0  }
0x254: {  	[sflag:s24] =	ssyncadd.s32 $0xFFFFC000  }
0x255: {  	[tilespmem:s0], [sflag:$0x3] =	stream.indirect.gather [hbm4b:s5+s29], $0x80, s13, s29, $0xb8;
	[tilespmem:$0x1F380] =	vst v63  }
0x256: {  	_ =	swait.ge [sflag:s3], $0x4000  }
0x257: {  	[sflag:s3] =	ssyncset.done $0x0  }
0x258: {  	[sflag:s3] =	ssyncadd.s32 $0xFFFFC000  }
0x259: {  	[spmem:s2] =	stream.indirect.scatter.add.f32 [tilespmem:s30], [sflag:$0x4], $0x80, s14, s29, $0xb8;
	[tilespmem:$0x1F380] =	vst v63  }
0x25a: {  	_ =	swait.ge [sflag:s24], $0x4000  }
0x25b: {  	[sflag:s24] =	ssyncset.done $0x0  }
0x25c: {  	[sflag:s24] =	ssyncadd.s32 $0xFFFFC000  }
0x25d: {  	_ =	swait.ge [sflag:s6], $0x4000  }
0x25e: {  	[sflag:s6] =	ssyncset.done $0x0  }
0x25f: {  	[sflag:s6] =	ssyncadd.s32 $0xFFFFC000  }
0x260: {  	[spmem:s2] =	stream.indirect.scatter.add.f32 [tilespmem:s0], [sflag:$0x4], $0x80, s15, s29, $0xb8;
	[tilespmem:$0x1F380] =	vst v63  }
0x261: {  	_ =	swait.ge [sflag:s24], $0x4000  }
0x262: {  	[sflag:s24] =	ssyncset.done $0x0  }
0x263: {  	s18 =	simm.s32 $0x0;
	s19 =	rddreg [dreg:$0xe];
	[sflag:s24] =	ssyncadd.s32 $0xFFFFC000  }
0x264: {  	[tilespmem:s26], [sflag:$0x4] =	stream.linear.gather [hbm4b:s19+s18], $0x800, $0x38;
	[tilespmem:$0x1F380] =	vst v63  }
0x265: {  	_ =	swait.ge [sflag:s24], $0x800  }
0x266: {  	[sflag:s24] =	ssyncset.done $0x0  }
0x267: {  	s19 =	rddreg [dreg:$0xf];
	[sflag:s24] =	ssyncadd.s32 $0xFFFFF800  }
0x268: {  	[tilespmem:s28], [sflag:$0x4] =	stream.linear.gather [hbm4b:s19+s18], $0x800, $0x38;
	[tilespmem:$0x1F380] =	vst v63  }
0x269: {  	_ =	swait.ge [sflag:s24], $0x800  }
0x26a: {  	[sflag:s24] =	ssyncset.done $0x0  }
0x26b: {  	[sflag:s24] =	ssyncadd.s32 $0xFFFFF800  }
.LBB2_8:
0x26c: {  	s19 =	sshra.s32 s18, $0x2  }
0x26d: {  	v1 =	vld [tilespmem:s19+$0x13C00]  }
0x26e: {  	v2 =	vld [tilespmem:s19+$0x14400];
	_ =	sdelay $0x4  }
0x26f: {  	vm0 =	veq.s32 v1, v2  }
0x270: {  	v1 =	vsel vm0, $0x2710, v2;
	_ =	sdelay $0x3  }
0x271: {  	[tilespmem:s19+$0x14400] =	vst v1  }
0x272: {  	[tilespmem:v1+s23+$0x0] =	vst.idx.add.f32.msk $0xffff, v0  }
0x273: {  	v1 =	vld [tilespmem:s19+$0x13C10]  }
0x274: {  	v2 =	vld [tilespmem:s19+$0x14410];
	_ =	sdelay $0x4  }
0x275: {  	vm9 =	veq.s32 v1, v2  }
0x276: {  	v1 =	vsel vm9, $0x2710, v2;
	_ =	sdelay $0x3  }
0x277: {  	[tilespmem:s19+$0x14410] =	vst v1  }
0x278: {  	[tilespmem:v1+s23+$0x0] =	vst.idx.add.f32.msk $0xffff, v0  }
0x279: {  	v1 =	vld [tilespmem:s19+$0x13C20]  }
0x27a: {  	v2 =	vld [tilespmem:s19+$0x14420];
	_ =	sdelay $0x4  }
0x27b: {  	vm10 =	veq.s32 v1, v2  }
0x27c: {  	v1 =	vsel vm10, $0x2710, v2;
	_ =	sdelay $0x3  }
0x27d: {  	[tilespmem:s19+$0x14420] =	vst v1  }
0x27e: {  	[tilespmem:v1+s23+$0x0] =	vst.idx.add.f32.msk $0xffff, v0  }
0x27f: {  	v1 =	vld [tilespmem:s19+$0x13C30]  }
0x280: {  	v2 =	vld [tilespmem:s19+$0x14430];
	_ =	sdelay $0x4  }
0x281: {  	vm11 =	veq.s32 v1, v2  }
0x282: {  	v1 =	vsel vm11, $0x2710, v2;
	_ =	sdelay $0x3  }
0x283: {  	[tilespmem:s19+$0x14430] =	vst v1  }
0x284: {  	[tilespmem:v1+s23+$0x0] =	vst.idx.add.f32.msk $0xffff, v0  }
0x285: {  	v1 =	vld [tilespmem:s19+$0x13C40]  }
0x286: {  	v2 =	vld [tilespmem:s19+$0x14440];
	_ =	sdelay $0x4  }
0x287: {  	vm12 =	veq.s32 v1, v2  }
0x288: {  	v1 =	vsel vm12, $0x2710, v2;
	_ =	sdelay $0x3  }
0x289: {  	[tilespmem:s19+$0x14440] =	vst v1  }
0x28a: {  	[tilespmem:v1+s23+$0x0] =	vst.idx.add.f32.msk $0xffff, v0  }
0x28b: {  	v1 =	vld [tilespmem:s19+$0x13C50]  }
0x28c: {  	v2 =	vld [tilespmem:s19+$0x14450];
	_ =	sdelay $0x4  }
0x28d: {  	vm13 =	veq.s32 v1, v2  }
0x28e: {  	v1 =	vsel vm13, $0x2710, v2;
	_ =	sdelay $0x3  }
0x28f: {  	[tilespmem:s19+$0x14450] =	vst v1  }
0x290: {  	[tilespmem:v1+s23+$0x0] =	vst.idx.add.f32.msk $0xffff, v0  }
0x291: {  	v1 =	vld [tilespmem:s19+$0x13C60]  }
0x292: {  	v2 =	vld [tilespmem:s19+$0x14460];
	_ =	sdelay $0x4  }
0x293: {  	vm14 =	veq.s32 v1, v2  }
0x294: {  	v1 =	vsel vm14, $0x2710, v2;
	_ =	sdelay $0x3  }
0x295: {  	[tilespmem:s19+$0x14460] =	vst v1  }
0x296: {  	[tilespmem:v1+s23+$0x0] =	vst.idx.add.f32.msk $0xffff, v0  }
0x297: {  	v1 =	vld [tilespmem:s19+$0x13C70]  }
0x298: {  	v2 =	vld [tilespmem:s19+$0x14470];
	_ =	sdelay $0x4  }
0x299: {  	vm15 =	veq.s32 v1, v2  }
0x29a: {  	p0 =	sne.s32 s18, $0x1E00;
	v1 =	vsel vm15, $0x2710, v2  }
.Ltmp3:
0x29b: {  	_ = 	snop;
	(pc) =	sbr.rel @p0 .LBB2_8-.Ltmp3, $3  }
0x29c: {  	_ =	sdelay $0x1  }
0x29d: {  	[tilespmem:s19+$0x14470] =	vst v1  }
0x29e: {  	s18 =	sadd.s32 $0x200, s18;
	[tilespmem:v1+s23+$0x0] =	vst.idx.add.f32.msk $0xffff, v0  }
0x29f: {  	[tilespmem:s30], [sflag:$0x2] =	stream.indirect.gather [hbm4b:s5+s29], $0x80, s26, s29, $0xb8;
	[tilespmem:$0x1F380] =	vst v63  }
0x2a0: {  	s18 =	simm.s32 $0x13C80  }
0x2a1: {  	[tilespmem:s0], [sflag:$0x3] =	stream.indirect.gather [hbm4b:s5+s29], $0x80, s18, s29, $0xb8;
	[tilespmem:$0x1F380] =	vst v63  }
0x2a2: {  	_ =	swait.ge [sflag:s3], $0x4000  }
0x2a3: {  	[sflag:s3] =	ssyncset.done $0x0  }
0x2a4: {  	[sflag:s3] =	ssyncadd.s32 $0xFFFFC000  }
0x2a5: {  	[spmem:s2] =	stream.indirect.scatter.add.f32 [tilespmem:s30], [sflag:$0x4], $0x80, s28, s29, $0xb8;
	[tilespmem:$0x1F380] =	vst v63  }
0x2a6: {  	_ =	swait.ge [sflag:s24], $0x4000  }
0x2a7: {  	[sflag:s24] =	ssyncset.done $0x0  }
0x2a8: {  	s19 =	simm.s32 $0x13D00;
	[sflag:s24] =	ssyncadd.s32 $0xFFFFC000  }
0x2a9: {  	[tilespmem:s30], [sflag:$0x2] =	stream.indirect.gather [hbm4b:s5+s29], $0x80, s19, s29, $0xb8;
	[tilespmem:$0x1F380] =	vst v63  }
0x2aa: {  	_ =	swait.ge [sflag:s6], $0x4000  }
0x2ab: {  	[sflag:s6] =	ssyncset.done $0x0  }
0x2ac: {  	s19 =	simm.s32 $0x14480;
	[sflag:s6] =	ssyncadd.s32 $0xFFFFC000  }
0x2ad: {  	[spmem:s2] =	stream.indirect.scatter.add.f32 [tilespmem:s0], [sflag:$0x4], $0x80, s19, s29, $0xb8;
	[tilespmem:$0x1F380] =	vst v63  }
0x2ae: {  	_ =	swait.ge [sflag:s24], $0x4000  }
0x2af: {  	[sflag:s24] =	ssyncset.done $0x0  }
0x2b0: {  	s19 =	simm.s32 $0x13D80;
	[sflag:s24] =	ssyncadd.s32 $0xFFFFC000  }
0x2b1: {  	[tilespmem:s0], [sflag:$0x3] =	stream.indirect.gather [hbm4b:s5+s29], $0x80, s19, s29, $0xb8;
	[tilespmem:$0x1F380] =	vst v63  }
0x2b2: {  	_ =	swait.ge [sflag:s3], $0x4000  }
0x2b3: {  	[sflag:s3] =	ssyncset.done $0x0  }
0x2b4: {  	s19 =	simm.s32 $0x14500;
	[sflag:s3] =	ssyncadd.s32 $0xFFFFC000  }
0x2b5: {  	[spmem:s2] =	stream.indirect.scatter.add.f32 [tilespmem:s30], [sflag:$0x4], $0x80, s19, s29, $0xb8;
	[tilespmem:$0x1F380] =	vst v63  }
0x2b6: {  	_ =	swait.ge [sflag:s24], $0x4000  }
0x2b7: {  	[sflag:s24] =	ssyncset.done $0x0  }
0x2b8: {  	s19 =	simm.s32 $0x13E00;
	[sflag:s24] =	ssyncadd.s32 $0xFFFFC000  }
0x2b9: {  	[tilespmem:s30], [sflag:$0x2] =	stream.indirect.gather [hbm4b:s5+s29], $0x80, s19, s29, $0xb8;
	[tilespmem:$0x1F380] =	vst v63  }
0x2ba: {  	_ =	swait.ge [sflag:s6], $0x4000  }
0x2bb: {  	[sflag:s6] =	ssyncset.done $0x0  }
0x2bc: {  	s19 =	simm.s32 $0x14580;
	[sflag:s6] =	ssyncadd.s32 $0xFFFFC000  }
0x2bd: {  	[spmem:s2] =	stream.indirect.scatter.add.f32 [tilespmem:s0], [sflag:$0x4], $0x80, s19, s29, $0xb8;
	[tilespmem:$0x1F380] =	vst v63  }
0x2be: {  	_ =	swait.ge [sflag:s24], $0x4000  }
0x2bf: {  	[sflag:s24] =	ssyncset.done $0x0  }
0x2c0: {  	s19 =	simm.s32 $0x13E80;
	[sflag:s24] =	ssyncadd.s32 $0xFFFFC000  }
0x2c1: {  	[tilespmem:s0], [sflag:$0x3] =	stream.indirect.gather [hbm4b:s5+s29], $0x80, s19, s29, $0xb8;
	[tilespmem:$0x1F380] =	vst v63  }
0x2c2: {  	_ =	swait.ge [sflag:s3], $0x4000  }
0x2c3: {  	[sflag:s3] =	ssyncset.done $0x0  }
0x2c4: {  	s19 =	simm.s32 $0x14600;
	[sflag:s3] =	ssyncadd.s32 $0xFFFFC000  }
0x2c5: {  	[spmem:s2] =	stream.indirect.scatter.add.f32 [tilespmem:s30], [sflag:$0x4], $0x80, s19, s29, $0xb8;
	[tilespmem:$0x1F380] =	vst v63  }
0x2c6: {  	_ =	swait.ge [sflag:s24], $0x4000  }
0x2c7: {  	[sflag:s24] =	ssyncset.done $0x0  }
0x2c8: {  	s19 =	simm.s32 $0x13F00;
	[sflag:s24] =	ssyncadd.s32 $0xFFFFC000  }
0x2c9: {  	[tilespmem:s30], [sflag:$0x2] =	stream.indirect.gather [hbm4b:s5+s29], $0x80, s19, s29, $0xb8;
	[tilespmem:$0x1F380] =	vst v63  }
0x2ca: {  	_ =	swait.ge [sflag:s6], $0x4000  }
0x2cb: {  	[sflag:s6] =	ssyncset.done $0x0  }
0x2cc: {  	s19 =	simm.s32 $0x14680;
	[sflag:s6] =	ssyncadd.s32 $0xFFFFC000  }
0x2cd: {  	[spmem:s2] =	stream.indirect.scatter.add.f32 [tilespmem:s0], [sflag:$0x4], $0x80, s19, s29, $0xb8;
	[tilespmem:$0x1F380] =	vst v63  }
0x2ce: {  	_ =	swait.ge [sflag:s24], $0x4000  }
0x2cf: {  	[sflag:s24] =	ssyncset.done $0x0  }
0x2d0: {  	s19 =	simm.s32 $0x13F80;
	[sflag:s24] =	ssyncadd.s32 $0xFFFFC000  }
0x2d1: {  	[tilespmem:s0], [sflag:$0x3] =	stream.indirect.gather [hbm4b:s5+s29], $0x80, s19, s29, $0xb8;
	[tilespmem:$0x1F380] =	vst v63  }
0x2d2: {  	_ =	swait.ge [sflag:s3], $0x4000  }
0x2d3: {  	[sflag:s3] =	ssyncset.done $0x0  }
0x2d4: {  	s19 =	simm.s32 $0x14700;
	[sflag:s3] =	ssyncadd.s32 $0xFFFFC000  }
0x2d5: {  	[spmem:s2] =	stream.indirect.scatter.add.f32 [tilespmem:s30], [sflag:$0x4], $0x80, s19, s29, $0xb8;
	[tilespmem:$0x1F380] =	vst v63  }
0x2d6: {  	_ =	swait.ge [sflag:s24], $0x4000  }
0x2d7: {  	[sflag:s24] =	ssyncset.done $0x0  }
0x2d8: {  	s19 =	simm.s32 $0x14000;
	[sflag:s24] =	ssyncadd.s32 $0xFFFFC000  }
0x2d9: {  	[tilespmem:s30], [sflag:$0x2] =	stream.indirect.gather [hbm4b:s5+s29], $0x80, s19, s29, $0xb8;
	[tilespmem:$0x1F380] =	vst v63  }
0x2da: {  	_ =	swait.ge [sflag:s6], $0x4000  }
0x2db: {  	[sflag:s6] =	ssyncset.done $0x0  }
0x2dc: {  	[sflag:s6] =	ssyncadd.s32 $0xFFFFC000  }
0x2dd: {  	[spmem:s2] =	stream.indirect.scatter.add.f32 [tilespmem:s0], [sflag:$0x4], $0x80, s20, s29, $0xb8;
	[tilespmem:$0x1F380] =	vst v63  }
0x2de: {  	_ =	swait.ge [sflag:s24], $0x4000  }
0x2df: {  	[sflag:s24] =	ssyncset.done $0x0  }
0x2e0: {  	[sflag:s24] =	ssyncadd.s32 $0xFFFFC000  }
0x2e1: {  	[tilespmem:s0], [sflag:$0x3] =	stream.indirect.gather [hbm4b:s5+s29], $0x80, s21, s29, $0xb8;
	[tilespmem:$0x1F380] =	vst v63  }
0x2e2: {  	_ =	swait.ge [sflag:s3], $0x4000  }
0x2e3: {  	[sflag:s3] =	ssyncset.done $0x0  }
0x2e4: {  	[sflag:s3] =	ssyncadd.s32 $0xFFFFC000  }
0x2e5: {  	[spmem:s2] =	stream.indirect.scatter.add.f32 [tilespmem:s30], [sflag:$0x4], $0x80, s22, s29, $0xb8;
	[tilespmem:$0x1F380] =	vst v63  }
0x2e6: {  	_ =	swait.ge [sflag:s24], $0x4000  }
0x2e7: {  	[sflag:s24] =	ssyncset.done $0x0  }
0x2e8: {  	[sflag:s24] =	ssyncadd.s32 $0xFFFFC000  }
0x2e9: {  	[tilespmem:s30], [sflag:$0x2] =	stream.indirect.gather [hbm4b:s5+s29], $0x80, s8, s29, $0xb8;
	[tilespmem:$0x1F380] =	vst v63  }
0x2ea: {  	_ =	swait.ge [sflag:s6], $0x4000  }
0x2eb: {  	[sflag:s6] =	ssyncset.done $0x0  }
0x2ec: {  	[sflag:s6] =	ssyncadd.s32 $0xFFFFC000  }
0x2ed: {  	[spmem:s2] =	stream.indirect.scatter.add.f32 [tilespmem:s0], [sflag:$0x4], $0x80, s4, s29, $0xb8;
	[tilespmem:$0x1F380] =	vst v63  }
0x2ee: {  	_ =	swait.ge [sflag:s24], $0x4000  }
0x2ef: {  	[sflag:s24] =	ssyncset.done $0x0  }
0x2f0: {  	[sflag:s24] =	ssyncadd.s32 $0xFFFFC000  }
0x2f1: {  	[tilespmem:s0], [sflag:$0x3] =	stream.indirect.gather [hbm4b:s5+s29], $0x80, s25, s29, $0xb8;
	[tilespmem:$0x1F380] =	vst v63  }
0x2f2: {  	_ =	swait.ge [sflag:s3], $0x4000  }
0x2f3: {  	[sflag:s3] =	ssyncset.done $0x0  }
0x2f4: {  	[sflag:s3] =	ssyncadd.s32 $0xFFFFC000  }
0x2f5: {  	[spmem:s2] =	stream.indirect.scatter.add.f32 [tilespmem:s30], [sflag:$0x4], $0x80, s31, s29, $0xb8;
	[tilespmem:$0x1F380] =	vst v63  }
0x2f6: {  	_ =	swait.ge [sflag:s24], $0x4000  }
0x2f7: {  	[sflag:s24] =	ssyncset.done $0x0  }
0x2f8: {  	[sflag:s24] =	ssyncadd.s32 $0xFFFFC000  }
0x2f9: {  	[tilespmem:s30], [sflag:$0x2] =	stream.indirect.gather [hbm4b:s5+s29], $0x80, s1, s29, $0xb8;
	[tilespmem:$0x1F380] =	vst v63  }
0x2fa: {  	_ =	swait.ge [sflag:s6], $0x4000  }
0x2fb: {  	[sflag:s6] =	ssyncset.done $0x0  }
0x2fc: {  	[sflag:s6] =	ssyncadd.s32 $0xFFFFC000  }
0x2fd: {  	[spmem:s2] =	stream.indirect.scatter.add.f32 [tilespmem:s0], [sflag:$0x4], $0x80, s7, s29, $0xb8;
	[tilespmem:$0x1F380] =	vst v63  }
0x2fe: {  	_ =	swait.ge [sflag:s24], $0x4000  }
0x2ff: {  	[sflag:s24] =	ssyncset.done $0x0  }
0x300: {  	[sflag:s24] =	ssyncadd.s32 $0xFFFFC000  }
0x301: {  	[tilespmem:s0], [sflag:$0x3] =	stream.indirect.gather [hbm4b:s5+s29], $0x80, s9, s29, $0xb8;
	[tilespmem:$0x1F380] =	vst v63  }
0x302: {  	_ =	swait.ge [sflag:s3], $0x4000  }
0x303: {  	[sflag:s3] =	ssyncset.done $0x0  }
0x304: {  	[sflag:s3] =	ssyncadd.s32 $0xFFFFC000  }
0x305: {  	[spmem:s2] =	stream.indirect.scatter.add.f32 [tilespmem:s30], [sflag:$0x4], $0x80, s10, s29, $0xb8;
	[tilespmem:$0x1F380] =	vst v63  }
0x306: {  	_ =	swait.ge [sflag:s24], $0x4000  }
0x307: {  	[sflag:s24] =	ssyncset.done $0x0  }
0x308: {  	[sflag:s24] =	ssyncadd.s32 $0xFFFFC000  }
0x309: {  	[tilespmem:s30], [sflag:$0x2] =	stream.indirect.gather [hbm4b:s5+s29], $0x80, s11, s29, $0xb8;
	[tilespmem:$0x1F380] =	vst v63  }
0x30a: {  	_ =	swait.ge [sflag:s6], $0x4000  }
0x30b: {  	[sflag:s6] =	ssyncset.done $0x0  }
0x30c: {  	[sflag:s6] =	ssyncadd.s32 $0xFFFFC000  }
0x30d: {  	[spmem:s2] =	stream.indirect.scatter.add.f32 [tilespmem:s0], [sflag:$0x4], $0x80, s12, s29, $0xb8;
	[tilespmem:$0x1F380] =	vst v63  }
0x30e: {  	_ =	swait.ge [sflag:s24], $0x4000  }
0x30f: {  	[sflag:s24] =	ssyncset.done $0x0  }
0x310: {  	[sflag:s24] =	ssyncadd.s32 $0xFFFFC000  }
0x311: {  	[tilespmem:s0], [sflag:$0x3] =	stream.indirect.gather [hbm4b:s5+s29], $0x80, s13, s29, $0xb8;
	[tilespmem:$0x1F380] =	vst v63  }
0x312: {  	_ =	swait.ge [sflag:s3], $0x4000  }
0x313: {  	[sflag:s3] =	ssyncset.done $0x0  }
0x314: {  	[sflag:s3] =	ssyncadd.s32 $0xFFFFC000  }
0x315: {  	[spmem:s2] =	stream.indirect.scatter.add.f32 [tilespmem:s30], [sflag:$0x4], $0x80, s14, s29, $0xb8;
	[tilespmem:$0x1F380] =	vst v63  }
0x316: {  	_ =	swait.ge [sflag:s24], $0x4000  }
0x317: {  	[sflag:s24] =	ssyncset.done $0x0  }
0x318: {  	[sflag:s24] =	ssyncadd.s32 $0xFFFFC000  }
0x319: {  	_ =	swait.ge [sflag:s6], $0x4000  }
0x31a: {  	[sflag:s6] =	ssyncset.done $0x0  }
0x31b: {  	[sflag:s6] =	ssyncadd.s32 $0xFFFFC000  }
0x31c: {  	[spmem:s2] =	stream.indirect.scatter.add.f32 [tilespmem:s0], [sflag:$0x4], $0x80, s15, s29, $0xb8;
	[tilespmem:$0x1F380] =	vst v63  }
0x31d: {  	_ =	swait.ge [sflag:s24], $0x4000  }
0x31e: {  	[sflag:s24] =	ssyncset.done $0x0  }
0x31f: {  	s18 =	simm.s32 $0x0;
	s19 =	rddreg [dreg:$0x10];
	[sflag:s24] =	ssyncadd.s32 $0xFFFFC000  }
0x320: {  	[tilespmem:s26], [sflag:$0x4] =	stream.linear.gather [hbm4b:s19+s18], $0x800, $0x38;
	[tilespmem:$0x1F380] =	vst v63  }
0x321: {  	_ =	swait.ge [sflag:s24], $0x800  }
0x322: {  	[sflag:s24] =	ssyncset.done $0x0  }
0x323: {  	s19 =	rddreg [dreg:$0x11];
	[sflag:s24] =	ssyncadd.s32 $0xFFFFF800  }
0x324: {  	[tilespmem:s28], [sflag:$0x4] =	stream.linear.gather [hbm4b:s19+s18], $0x800, $0x38;
	[tilespmem:$0x1F380] =	vst v63  }
0x325: {  	_ =	swait.ge [sflag:s24], $0x800  }
0x326: {  	[sflag:s24] =	ssyncset.done $0x0  }
0x327: {  	[sflag:s24] =	ssyncadd.s32 $0xFFFFF800  }
.LBB2_10:
0x328: {  	s19 =	sshra.s32 s18, $0x2  }
0x329: {  	v1 =	vld [tilespmem:s19+$0x13C00]  }
0x32a: {  	v2 =	vld [tilespmem:s19+$0x14400];
	_ =	sdelay $0x4  }
0x32b: {  	vm0 =	veq.s32 v1, v2  }
0x32c: {  	v1 =	vsel vm0, $0x2710, v2;
	_ =	sdelay $0x3  }
0x32d: {  	[tilespmem:s19+$0x14400] =	vst v1  }
0x32e: {  	[tilespmem:v1+s23+$0x0] =	vst.idx.add.f32.msk $0xffff, v0  }
0x32f: {  	v1 =	vld [tilespmem:s19+$0x13C10]  }
0x330: {  	v2 =	vld [tilespmem:s19+$0x14410];
	_ =	sdelay $0x4  }
0x331: {  	vm9 =	veq.s32 v1, v2  }
0x332: {  	v1 =	vsel vm9, $0x2710, v2;
	_ =	sdelay $0x3  }
0x333: {  	[tilespmem:s19+$0x14410] =	vst v1  }
0x334: {  	[tilespmem:v1+s23+$0x0] =	vst.idx.add.f32.msk $0xffff, v0  }
0x335: {  	v1 =	vld [tilespmem:s19+$0x13C20]  }
0x336: {  	v2 =	vld [tilespmem:s19+$0x14420];
	_ =	sdelay $0x4  }
0x337: {  	vm10 =	veq.s32 v1, v2  }
0x338: {  	v1 =	vsel vm10, $0x2710, v2;
	_ =	sdelay $0x3  }
0x339: {  	[tilespmem:s19+$0x14420] =	vst v1  }
0x33a: {  	[tilespmem:v1+s23+$0x0] =	vst.idx.add.f32.msk $0xffff, v0  }
0x33b: {  	v1 =	vld [tilespmem:s19+$0x13C30]  }
0x33c: {  	v2 =	vld [tilespmem:s19+$0x14430];
	_ =	sdelay $0x4  }
0x33d: {  	vm11 =	veq.s32 v1, v2  }
0x33e: {  	v1 =	vsel vm11, $0x2710, v2;
	_ =	sdelay $0x3  }
0x33f: {  	[tilespmem:s19+$0x14430] =	vst v1  }
0x340: {  	[tilespmem:v1+s23+$0x0] =	vst.idx.add.f32.msk $0xffff, v0  }
0x341: {  	v1 =	vld [tilespmem:s19+$0x13C40]  }
0x342: {  	v2 =	vld [tilespmem:s19+$0x14440];
	_ =	sdelay $0x4  }
0x343: {  	vm12 =	veq.s32 v1, v2  }
0x344: {  	v1 =	vsel vm12, $0x2710, v2;
	_ =	sdelay $0x3  }
0x345: {  	[tilespmem:s19+$0x14440] =	vst v1  }
0x346: {  	[tilespmem:v1+s23+$0x0] =	vst.idx.add.f32.msk $0xffff, v0  }
0x347: {  	v1 =	vld [tilespmem:s19+$0x13C50]  }
0x348: {  	v2 =	vld [tilespmem:s19+$0x14450];
	_ =	sdelay $0x4  }
0x349: {  	vm13 =	veq.s32 v1, v2  }
0x34a: {  	v1 =	vsel vm13, $0x2710, v2;
	_ =	sdelay $0x3  }
0x34b: {  	[tilespmem:s19+$0x14450] =	vst v1  }
0x34c: {  	[tilespmem:v1+s23+$0x0] =	vst.idx.add.f32.msk $0xffff, v0  }
0x34d: {  	v1 =	vld [tilespmem:s19+$0x13C60]  }
0x34e: {  	v2 =	vld [tilespmem:s19+$0x14460];
	_ =	sdelay $0x4  }
0x34f: {  	vm14 =	veq.s32 v1, v2  }
0x350: {  	v1 =	vsel vm14, $0x2710, v2;
	_ =	sdelay $0x3  }
0x351: {  	[tilespmem:s19+$0x14460] =	vst v1  }
0x352: {  	[tilespmem:v1+s23+$0x0] =	vst.idx.add.f32.msk $0xffff, v0  }
0x353: {  	v1 =	vld [tilespmem:s19+$0x13C70]  }
0x354: {  	v2 =	vld [tilespmem:s19+$0x14470];
	_ =	sdelay $0x4  }
0x355: {  	vm15 =	veq.s32 v1, v2  }
0x356: {  	p0 =	sne.s32 s18, $0x1E00;
	v1 =	vsel vm15, $0x2710, v2  }
.Ltmp4:
0x357: {  	_ = 	snop;
	(pc) =	sbr.rel @p0 .LBB2_10-.Ltmp4, $3  }
0x358: {  	_ =	sdelay $0x1  }
0x359: {  	[tilespmem:s19+$0x14470] =	vst v1  }
0x35a: {  	s18 =	sadd.s32 $0x200, s18;
	[tilespmem:v1+s23+$0x0] =	vst.idx.add.f32.msk $0xffff, v0  }
0x35b: {  	[tilespmem:s30], [sflag:$0x2] =	stream.indirect.gather [hbm4b:s5+s29], $0x80, s26, s29, $0xb8;
	[tilespmem:$0x1F380] =	vst v63  }
0x35c: {  	s18 =	simm.s32 $0x13C80  }
0x35d: {  	[tilespmem:s0], [sflag:$0x3] =	stream.indirect.gather [hbm4b:s5+s29], $0x80, s18, s29, $0xb8;
	[tilespmem:$0x1F380] =	vst v63  }
0x35e: {  	_ =	swait.ge [sflag:s3], $0x4000  }
0x35f: {  	[sflag:s3] =	ssyncset.done $0x0  }
0x360: {  	[sflag:s3] =	ssyncadd.s32 $0xFFFFC000  }
0x361: {  	[spmem:s2] =	stream.indirect.scatter.add.f32 [tilespmem:s30], [sflag:$0x4], $0x80, s28, s29, $0xb8;
	[tilespmem:$0x1F380] =	vst v63  }
0x362: {  	_ =	swait.ge [sflag:s24], $0x4000  }
0x363: {  	[sflag:s24] =	ssyncset.done $0x0  }
0x364: {  	s19 =	simm.s32 $0x13D00;
	[sflag:s24] =	ssyncadd.s32 $0xFFFFC000  }
0x365: {  	[tilespmem:s30], [sflag:$0x2] =	stream.indirect.gather [hbm4b:s5+s29], $0x80, s19, s29, $0xb8;
	[tilespmem:$0x1F380] =	vst v63  }
0x366: {  	_ =	swait.ge [sflag:s6], $0x4000  }
0x367: {  	[sflag:s6] =	ssyncset.done $0x0  }
0x368: {  	s19 =	simm.s32 $0x14480;
	[sflag:s6] =	ssyncadd.s32 $0xFFFFC000  }
0x369: {  	[spmem:s2] =	stream.indirect.scatter.add.f32 [tilespmem:s0], [sflag:$0x4], $0x80, s19, s29, $0xb8;
	[tilespmem:$0x1F380] =	vst v63  }
0x36a: {  	_ =	swait.ge [sflag:s24], $0x4000  }
0x36b: {  	[sflag:s24] =	ssyncset.done $0x0  }
0x36c: {  	s19 =	simm.s32 $0x13D80;
	[sflag:s24] =	ssyncadd.s32 $0xFFFFC000  }
0x36d: {  	[tilespmem:s0], [sflag:$0x3] =	stream.indirect.gather [hbm4b:s5+s29], $0x80, s19, s29, $0xb8;
	[tilespmem:$0x1F380] =	vst v63  }
0x36e: {  	_ =	swait.ge [sflag:s3], $0x4000  }
0x36f: {  	[sflag:s3] =	ssyncset.done $0x0  }
0x370: {  	s19 =	simm.s32 $0x14500;
	[sflag:s3] =	ssyncadd.s32 $0xFFFFC000  }
0x371: {  	[spmem:s2] =	stream.indirect.scatter.add.f32 [tilespmem:s30], [sflag:$0x4], $0x80, s19, s29, $0xb8;
	[tilespmem:$0x1F380] =	vst v63  }
0x372: {  	_ =	swait.ge [sflag:s24], $0x4000  }
0x373: {  	[sflag:s24] =	ssyncset.done $0x0  }
0x374: {  	s19 =	simm.s32 $0x13E00;
	[sflag:s24] =	ssyncadd.s32 $0xFFFFC000  }
0x375: {  	[tilespmem:s30], [sflag:$0x2] =	stream.indirect.gather [hbm4b:s5+s29], $0x80, s19, s29, $0xb8;
	[tilespmem:$0x1F380] =	vst v63  }
0x376: {  	_ =	swait.ge [sflag:s6], $0x4000  }
0x377: {  	[sflag:s6] =	ssyncset.done $0x0  }
0x378: {  	s19 =	simm.s32 $0x14580;
	[sflag:s6] =	ssyncadd.s32 $0xFFFFC000  }
0x379: {  	[spmem:s2] =	stream.indirect.scatter.add.f32 [tilespmem:s0], [sflag:$0x4], $0x80, s19, s29, $0xb8;
	[tilespmem:$0x1F380] =	vst v63  }
0x37a: {  	_ =	swait.ge [sflag:s24], $0x4000  }
0x37b: {  	[sflag:s24] =	ssyncset.done $0x0  }
0x37c: {  	s19 =	simm.s32 $0x13E80;
	[sflag:s24] =	ssyncadd.s32 $0xFFFFC000  }
0x37d: {  	[tilespmem:s0], [sflag:$0x3] =	stream.indirect.gather [hbm4b:s5+s29], $0x80, s19, s29, $0xb8;
	[tilespmem:$0x1F380] =	vst v63  }
0x37e: {  	_ =	swait.ge [sflag:s3], $0x4000  }
0x37f: {  	[sflag:s3] =	ssyncset.done $0x0  }
0x380: {  	s19 =	simm.s32 $0x14600;
	[sflag:s3] =	ssyncadd.s32 $0xFFFFC000  }
0x381: {  	[spmem:s2] =	stream.indirect.scatter.add.f32 [tilespmem:s30], [sflag:$0x4], $0x80, s19, s29, $0xb8;
	[tilespmem:$0x1F380] =	vst v63  }
0x382: {  	_ =	swait.ge [sflag:s24], $0x4000  }
0x383: {  	[sflag:s24] =	ssyncset.done $0x0  }
0x384: {  	s19 =	simm.s32 $0x13F00;
	[sflag:s24] =	ssyncadd.s32 $0xFFFFC000  }
0x385: {  	[tilespmem:s30], [sflag:$0x2] =	stream.indirect.gather [hbm4b:s5+s29], $0x80, s19, s29, $0xb8;
	[tilespmem:$0x1F380] =	vst v63  }
0x386: {  	_ =	swait.ge [sflag:s6], $0x4000  }
0x387: {  	[sflag:s6] =	ssyncset.done $0x0  }
0x388: {  	s19 =	simm.s32 $0x14680;
	[sflag:s6] =	ssyncadd.s32 $0xFFFFC000  }
0x389: {  	[spmem:s2] =	stream.indirect.scatter.add.f32 [tilespmem:s0], [sflag:$0x4], $0x80, s19, s29, $0xb8;
	[tilespmem:$0x1F380] =	vst v63  }
0x38a: {  	_ =	swait.ge [sflag:s24], $0x4000  }
0x38b: {  	[sflag:s24] =	ssyncset.done $0x0  }
0x38c: {  	s19 =	simm.s32 $0x13F80;
	[sflag:s24] =	ssyncadd.s32 $0xFFFFC000  }
0x38d: {  	[tilespmem:s0], [sflag:$0x3] =	stream.indirect.gather [hbm4b:s5+s29], $0x80, s19, s29, $0xb8;
	[tilespmem:$0x1F380] =	vst v63  }
0x38e: {  	_ =	swait.ge [sflag:s3], $0x4000  }
0x38f: {  	[sflag:s3] =	ssyncset.done $0x0  }
0x390: {  	s19 =	simm.s32 $0x14700;
	[sflag:s3] =	ssyncadd.s32 $0xFFFFC000  }
0x391: {  	[spmem:s2] =	stream.indirect.scatter.add.f32 [tilespmem:s30], [sflag:$0x4], $0x80, s19, s29, $0xb8;
	[tilespmem:$0x1F380] =	vst v63  }
0x392: {  	_ =	swait.ge [sflag:s24], $0x4000  }
0x393: {  	[sflag:s24] =	ssyncset.done $0x0  }
0x394: {  	s19 =	simm.s32 $0x14000;
	[sflag:s24] =	ssyncadd.s32 $0xFFFFC000  }
0x395: {  	[tilespmem:s30], [sflag:$0x2] =	stream.indirect.gather [hbm4b:s5+s29], $0x80, s19, s29, $0xb8;
	[tilespmem:$0x1F380] =	vst v63  }
0x396: {  	_ =	swait.ge [sflag:s6], $0x4000  }
0x397: {  	[sflag:s6] =	ssyncset.done $0x0  }
0x398: {  	[sflag:s6] =	ssyncadd.s32 $0xFFFFC000  }
0x399: {  	[spmem:s2] =	stream.indirect.scatter.add.f32 [tilespmem:s0], [sflag:$0x4], $0x80, s20, s29, $0xb8;
	[tilespmem:$0x1F380] =	vst v63  }
0x39a: {  	_ =	swait.ge [sflag:s24], $0x4000  }
0x39b: {  	[sflag:s24] =	ssyncset.done $0x0  }
0x39c: {  	[sflag:s24] =	ssyncadd.s32 $0xFFFFC000  }
0x39d: {  	[tilespmem:s0], [sflag:$0x3] =	stream.indirect.gather [hbm4b:s5+s29], $0x80, s21, s29, $0xb8;
	[tilespmem:$0x1F380] =	vst v63  }
0x39e: {  	_ =	swait.ge [sflag:s3], $0x4000  }
0x39f: {  	[sflag:s3] =	ssyncset.done $0x0  }
0x3a0: {  	[sflag:s3] =	ssyncadd.s32 $0xFFFFC000  }
0x3a1: {  	[spmem:s2] =	stream.indirect.scatter.add.f32 [tilespmem:s30], [sflag:$0x4], $0x80, s22, s29, $0xb8;
	[tilespmem:$0x1F380] =	vst v63  }
0x3a2: {  	_ =	swait.ge [sflag:s24], $0x4000  }
0x3a3: {  	[sflag:s24] =	ssyncset.done $0x0  }
0x3a4: {  	[sflag:s24] =	ssyncadd.s32 $0xFFFFC000  }
0x3a5: {  	[tilespmem:s30], [sflag:$0x2] =	stream.indirect.gather [hbm4b:s5+s29], $0x80, s8, s29, $0xb8;
	[tilespmem:$0x1F380] =	vst v63  }
0x3a6: {  	_ =	swait.ge [sflag:s6], $0x4000  }
0x3a7: {  	[sflag:s6] =	ssyncset.done $0x0  }
0x3a8: {  	[sflag:s6] =	ssyncadd.s32 $0xFFFFC000  }
0x3a9: {  	[spmem:s2] =	stream.indirect.scatter.add.f32 [tilespmem:s0], [sflag:$0x4], $0x80, s4, s29, $0xb8;
	[tilespmem:$0x1F380] =	vst v63  }
0x3aa: {  	_ =	swait.ge [sflag:s24], $0x4000  }
0x3ab: {  	[sflag:s24] =	ssyncset.done $0x0  }
0x3ac: {  	[sflag:s24] =	ssyncadd.s32 $0xFFFFC000  }
0x3ad: {  	[tilespmem:s0], [sflag:$0x3] =	stream.indirect.gather [hbm4b:s5+s29], $0x80, s25, s29, $0xb8;
	[tilespmem:$0x1F380] =	vst v63  }
0x3ae: {  	_ =	swait.ge [sflag:s3], $0x4000  }
0x3af: {  	[sflag:s3] =	ssyncset.done $0x0  }
0x3b0: {  	[sflag:s3] =	ssyncadd.s32 $0xFFFFC000  }
0x3b1: {  	[spmem:s2] =	stream.indirect.scatter.add.f32 [tilespmem:s30], [sflag:$0x4], $0x80, s31, s29, $0xb8;
	[tilespmem:$0x1F380] =	vst v63  }
0x3b2: {  	_ =	swait.ge [sflag:s24], $0x4000  }
0x3b3: {  	[sflag:s24] =	ssyncset.done $0x0  }
0x3b4: {  	[sflag:s24] =	ssyncadd.s32 $0xFFFFC000  }
0x3b5: {  	[tilespmem:s30], [sflag:$0x2] =	stream.indirect.gather [hbm4b:s5+s29], $0x80, s1, s29, $0xb8;
	[tilespmem:$0x1F380] =	vst v63  }
0x3b6: {  	_ =	swait.ge [sflag:s6], $0x4000  }
0x3b7: {  	[sflag:s6] =	ssyncset.done $0x0  }
0x3b8: {  	[sflag:s6] =	ssyncadd.s32 $0xFFFFC000  }
0x3b9: {  	[spmem:s2] =	stream.indirect.scatter.add.f32 [tilespmem:s0], [sflag:$0x4], $0x80, s7, s29, $0xb8;
	[tilespmem:$0x1F380] =	vst v63  }
0x3ba: {  	_ =	swait.ge [sflag:s24], $0x4000  }
0x3bb: {  	[sflag:s24] =	ssyncset.done $0x0  }
0x3bc: {  	[sflag:s24] =	ssyncadd.s32 $0xFFFFC000  }
0x3bd: {  	[tilespmem:s0], [sflag:$0x3] =	stream.indirect.gather [hbm4b:s5+s29], $0x80, s9, s29, $0xb8;
	[tilespmem:$0x1F380] =	vst v63  }
0x3be: {  	_ =	swait.ge [sflag:s3], $0x4000  }
0x3bf: {  	[sflag:s3] =	ssyncset.done $0x0  }
0x3c0: {  	[sflag:s3] =	ssyncadd.s32 $0xFFFFC000  }
0x3c1: {  	[spmem:s2] =	stream.indirect.scatter.add.f32 [tilespmem:s30], [sflag:$0x4], $0x80, s10, s29, $0xb8;
	[tilespmem:$0x1F380] =	vst v63  }
0x3c2: {  	_ =	swait.ge [sflag:s24], $0x4000  }
0x3c3: {  	[sflag:s24] =	ssyncset.done $0x0  }
0x3c4: {  	[sflag:s24] =	ssyncadd.s32 $0xFFFFC000  }
0x3c5: {  	[tilespmem:s30], [sflag:$0x2] =	stream.indirect.gather [hbm4b:s5+s29], $0x80, s11, s29, $0xb8;
	[tilespmem:$0x1F380] =	vst v63  }
0x3c6: {  	_ =	swait.ge [sflag:s6], $0x4000  }
0x3c7: {  	[sflag:s6] =	ssyncset.done $0x0  }
0x3c8: {  	[sflag:s6] =	ssyncadd.s32 $0xFFFFC000  }
0x3c9: {  	[spmem:s2] =	stream.indirect.scatter.add.f32 [tilespmem:s0], [sflag:$0x4], $0x80, s12, s29, $0xb8;
	[tilespmem:$0x1F380] =	vst v63  }
0x3ca: {  	_ =	swait.ge [sflag:s24], $0x4000  }
0x3cb: {  	[sflag:s24] =	ssyncset.done $0x0  }
0x3cc: {  	[sflag:s24] =	ssyncadd.s32 $0xFFFFC000  }
0x3cd: {  	[tilespmem:s0], [sflag:$0x3] =	stream.indirect.gather [hbm4b:s5+s29], $0x80, s13, s29, $0xb8;
	[tilespmem:$0x1F380] =	vst v63  }
0x3ce: {  	_ =	swait.ge [sflag:s3], $0x4000  }
0x3cf: {  	[sflag:s3] =	ssyncset.done $0x0  }
0x3d0: {  	[sflag:s3] =	ssyncadd.s32 $0xFFFFC000  }
0x3d1: {  	[spmem:s2] =	stream.indirect.scatter.add.f32 [tilespmem:s30], [sflag:$0x4], $0x80, s14, s29, $0xb8;
	[tilespmem:$0x1F380] =	vst v63  }
0x3d2: {  	_ =	swait.ge [sflag:s24], $0x4000  }
0x3d3: {  	[sflag:s24] =	ssyncset.done $0x0  }
0x3d4: {  	[sflag:s24] =	ssyncadd.s32 $0xFFFFC000  }
0x3d5: {  	_ =	swait.ge [sflag:s6], $0x4000  }
0x3d6: {  	[sflag:s6] =	ssyncset.done $0x0  }
0x3d7: {  	[sflag:s6] =	ssyncadd.s32 $0xFFFFC000  }
0x3d8: {  	[spmem:s2] =	stream.indirect.scatter.add.f32 [tilespmem:s0], [sflag:$0x4], $0x80, s15, s29, $0xb8;
	[tilespmem:$0x1F380] =	vst v63  }
0x3d9: {  	_ =	swait.ge [sflag:s24], $0x4000  }
0x3da: {  	[sflag:s24] =	ssyncset.done $0x0  }
0x3db: {  	[sflag:s24] =	ssyncadd.s32 $0xFFFFC000  }
0x3dc: {  	[bflag:$0x0] =	sbarrier.arrive $0xFFFF  }
0x3dd: {  	s19 =	rddreg [dreg:$0x6]  }
0x3de: {  	s18 =	sor.u32 $0x1C04, s19;
	s19 =	rddreg [dreg:$0x12]  }
0x3df: {  	[hbm:s19], [sflag:s18] =	dma.local [spmem:s17], $0x2780  }
0x3e0: {  	_ =	swait.ge [sflag:s24], $0x2780  }
0x3e1: {  	[sflag:s24] =	ssyncset.done $0x0  }
0x3e2: {  	s19 =	simm.s32 $0x400;
	s18 =	rddreg [dreg:$0x13];
	[sflag:s24] =	ssyncadd.s32 $0xFFFFD880  }
0x3e3: {  	[hbm4b:s18+s29] =	stream.strided.scatter [tilespmem:s23], [sflag:$0x4], $0x2780, s19, s29, $0x38;
	[tilespmem:$0x1F380] =	vst v63  }
0x3e4: {  	_ =	swait.ge [sflag:s24], $0x2780  }
0x3e5: {  	s16 =	sadd.s32 $0x1, s16;
	s19 =	rddreg [dreg:$0x14]  }
0x3e6: {  	p0 =	sne.s32 s16, s19  }
.Ltmp5:
0x3e7: {  	_ = 	snop;
	(pc) =	sbr.rel @p0 .LBB2_1-.Ltmp5, $3  }
0x3e8: {  	_ =	sdelay $0x1  }
0x3e9: {  	[sflag:s24] =	ssyncset.done $0x0  }
0x3ea: {  	[sflag:s24] =	ssyncadd.s32 $0xFFFFD880  }
0x3eb: {  	_ =	sfence.sel $0x180000  }
0x3ec: {  	[bflag:$0x0] =	sbarrier.arrive $0xFFFF  }
0x3ed: {  	_ =	strace $0x90000047  }
0x3ee: {  	s0 =	stileid.u32;
	[bflag:$0x2] =	sbarrier.arrive $0xFFFF  }
0x3ef: {  	p0 =	sne.s32 s0, $0x0;
	s0 =	rddreg [dreg:$0x3]  }
0x3f0: {  	s0 =	sadd.s32 @!p0 $0x100000, s0  }
0x3f1: {  	[sflag:s0] =	ssyncadd.tile.s32 @!p0 $0x1;
	_ =	shalt  }
.Lfunc_end2:
_tile_overlayer_lowered:
.L_overlay_start_2:
0x3f2: {  	(tag) =	ssettag $0x2  }
0x3f3: {  	s0 =	rddreg [dreg:$0x0];
	s2 =	stileid.u32  }
0x3f4: {  	s1 =	rddreg [dreg:$0x1];
	p0 =	sne.s32 s2, $0x0  }
0x3f5: {  	s3 =	rddreg [dreg:$0x2];
	[bflag:$0x3] =	sbarrier.arrive $0xFFFF;
	s2 =	simm.s32 @!p0 $0x1C04  }
0x3f6: {  	[timem:s3], [sflag:s2] =	dma.local @!p0 [hbm:s0], s1  }
0x3f7: {  	s0 =	simm.s32 @!p0 $0x4  }
0x3f8: {  	_ =	swait.ge @!p0 [sflag:s0], s1  }
0x3f9: {  	s1 =	ssub.s32 @!p0 $0x0, s1;
	[sflag:s0] =	ssyncset.done @!p0 $0x0  }
0x3fa: {  	[sflag:s0] =	ssyncadd.s32 @!p0 s1  }
0x3fb: {  	[bflag:$0x3] =	sbarrier.arrive $0xFFFF  }
0x3fc: {  	_ =	shalt  }

</sc_bundles>
